<compile_context>
chip_gen: v7x
topology: tpu7x:2x2x1
jax: 0.10.2.dev20260603
libtpu: 0.0.44.dev20260713+nightly
codegen_flags: <defaults>
</compile_context>

<pallas_src>
import functools

import jax
import jax.numpy as jnp
from jax import lax
from jax.experimental import pallas as pl
from jax.experimental.pallas import tpu as pltpu
from jax.experimental.pallas import tpu_sc as plsc

NDIM = 16
NKNOT = 32
LANES = 16
NWORKERS = 32

_NC = 10
_T_XX = 0
_T_YY = NDIM * NKNOT
_T_D = 2 * NDIM * NKNOT
_T_C = 3 * NDIM * NKNOT
_T_LEN = 3 * NDIM * NKNOT + NDIM * _NC * LANES

_NCOLS = 1000000
_CHUNK = 512
_SC_K = 41
_SC_COLS = NWORKERS * _SC_K * _CHUNK
_TC_COLS = _NCOLS - _SC_COLS
_BC = 2048

_LN2 = 0.6931471805599453
_LOG_COEF = (
    9.09649109370747e-08,
    0.9999914499316742,
    -0.49980110932854144,
    0.33133371651864063,
    -0.2391898880613915,
    0.16478215592875825,
    -0.09231255283440946,
    0.03441802524375755,
    -0.006074773332369956,
)


def _softlog(a):
    i = lax.bitcast_convert_type(a, jnp.int32)
    e = (i >> 23) - 127
    z = lax.bitcast_convert_type(
        (i & 0x007FFFFF) | 0x3F800000, jnp.float32) - 1.0
    p = jnp.full((LANES,), _LOG_COEF[8], jnp.float32)
    for k in range(7, -1, -1):
        p = p * z + _LOG_COEF[k]
    return e.astype(jnp.float32) * _LN2 + p


def _spline_vec(tab_v, xv, bvec, b16, consts):
    xx0, xx31, d0, cleft, d31, cright, ld0, ld31, xmid = consts
    c = jnp.where(xmid < xv, b16, bvec)
    for s in (8, 4, 2, 1):
        v = plsc.load_gather(tab_v, [c + (s - 1)])
        c = jnp.where(v < xv, c + s, c)
    lo = jnp.maximum(c - 1, bvec)
    lo_y = lo + _T_YY
    lo_d = lo + _T_D
    x_lo = plsc.load_gather(tab_v, [lo])
    x_hi = plsc.load_gather(tab_v, [lo + 1])
    y_lo = plsc.load_gather(tab_v, [lo_y])
    y_hi = plsc.load_gather(tab_v, [lo_y + 1])
    d_lo = plsc.load_gather(tab_v, [lo_d])
    d_hi = plsc.load_gather(tab_v, [lo_d + 1])

    rdx = 1.0 / (x_hi - x_lo)
    xi = (xv - x_lo) * rdx
    dy = y_hi - y_lo
    sl = dy * rdx
    u = xi * (1.0 - xi)
    xi1 = 1.0 - xi
    r = (sl + sl) * u
    den = (d_hi + d_lo) * u - r + sl
    rden = 1.0 / den
    xi2 = xi * xi
    y_mid = y_lo + dy * rden * (sl * xi2 + d_lo * u)
    num = d_lo * (xi1 * xi1) + (d_hi * xi2 + r)
    t = sl * rden
    ld_mid = _softlog((t * t) * num)

    y_left = cleft + xv * d0
    y_right = cright + xv * d31
    sel0 = jnp.logical_not(xx0 < xv)
    seln = xx31 < xv
    y = jnp.where(sel0, y_left, jnp.where(seln, y_right, y_mid))
    ld = jnp.where(sel0, ld0, jnp.where(seln, ld31, ld_mid))
    return y, ld


def _do_chunk(tab_v, xb, yb, ldb, ncols):
    per_dim = ncols // LANES
    shift = per_dim.bit_length() - 1
    assert per_dim == 1 << shift

    @plsc.parallel_loop(0, NDIM * per_dim, unroll=16)
    def vec_body(j):
        d = j >> shift
        sl_ = pl.ds((j - (d << shift)) * LANES, LANES)
        cbase = _T_C + d * (_NC * LANES)
        consts = tuple(
            tab_v[pl.ds(cbase + i * LANES, LANES)] for i in range(9))
        bvec = jnp.full((LANES,), d * NKNOT, jnp.int32)
        b16 = jnp.full((LANES,), d * NKNOT + 16, jnp.int32)
        y, ld = _spline_vec(tab_v, xb[d, sl_], bvec, b16, consts)
        yb[d, sl_] = y
        ldb[d, sl_] = ld


def _sc_body(x_hbm, tab_hbm, y_hbm, ld_hbm,
             tab_v, xb, yb, ldb, sin, soy, sold):
    wid = lax.axis_index("s") * 2 + lax.axis_index("c")
    base = wid * (_SC_K * _CHUNK)
    nchunks = _SC_K

    pltpu.sync_copy(tab_hbm, tab_v)

    def start_in(g):
        b = g & 1
        c0 = base + g * _CHUNK
        pltpu.async_copy(x_hbm.at[:, pl.ds(c0, _CHUNK)], xb.at[b],
                         sin.at[b])

    start_in(0)
    start_in(1)

    def chunk_body(g, carry):
        b = g & 1
        c0 = base + g * _CHUNK
        pltpu.make_async_copy(x_hbm.at[:, pl.ds(c0, _CHUNK)], xb.at[b],
                              sin.at[b]).wait()

        @pl.when(g >= 2)
        def _drain():
            c0p = c0 - 2 * _CHUNK
            pltpu.make_async_copy(yb.at[b], y_hbm.at[:, pl.ds(c0p, _CHUNK)],
                                  soy.at[b]).wait()
            pltpu.make_async_copy(ldb.at[b], ld_hbm.at[:, pl.ds(c0p, _CHUNK)],
                                  sold.at[b]).wait()

        _do_chunk(tab_v, xb.at[b], yb.at[b], ldb.at[b], _CHUNK)
        pltpu.async_copy(yb.at[b], y_hbm.at[:, pl.ds(c0, _CHUNK)], soy.at[b])
        pltpu.async_copy(ldb.at[b], ld_hbm.at[:, pl.ds(c0, _CHUNK)],
                         sold.at[b])

        @pl.when(g + 2 < nchunks)
        def _prefetch():
            start_in(g + 2)

        return carry

    lax.fori_loop(0, nchunks, chunk_body, 0)

    for off in (2, 1):
        g = nchunks - off
        b = g & 1
        c0 = base + g * _CHUNK
        pltpu.make_async_copy(yb.at[b], y_hbm.at[:, pl.ds(c0, _CHUNK)],
                              soy.at[b]).wait()
        pltpu.make_async_copy(ldb.at[b], ld_hbm.at[:, pl.ds(c0, _CHUNK)],
                              sold.at[b]).wait()


def _tc_body(xx_r, yy_r, dd_r, lds_r, dxx_r, dyy_r, ddl_r,
             x_r, y_r, ld_r):
    x = x_r[...]
    xx = xx_r[...]
    yy = yy_r[...]
    dd = dd_r[...]
    lds = lds_r[...]
    dxx = dxx_r[...]
    dyy = dyy_r[...]
    ddl = ddl_r[...]
    shp = x.shape

    x_lo = jnp.broadcast_to(xx[:, 0:1], shp)
    x_hi = jnp.broadcast_to(xx[:, 1:2], shp)
    y_lo = jnp.broadcast_to(yy[:, 0:1], shp)
    y_hi = jnp.broadcast_to(yy[:, 1:2], shp)
    d_lo = jnp.broadcast_to(dd[:, 0:1], shp)
    d_hi = jnp.broadcast_to(dd[:, 1:2], shp)
    for j in range(1, NKNOT - 1):
        m = jnp.where(xx[:, j:j + 1] < x, 1.0, 0.0).astype(jnp.float32)
        x_lo = x_lo + m * dxx[:, j:j + 1]
        x_hi = x_hi + m * dxx[:, j + 1:j + 2]
        y_lo = y_lo + m * dyy[:, j:j + 1]
        y_hi = y_hi + m * dyy[:, j + 1:j + 2]
        d_lo = d_lo + m * ddl[:, j:j + 1]
        d_hi = d_hi + m * ddl[:, j + 1:j + 2]

    rdx = 1.0 / (x_hi - x_lo)
    xi = (x - x_lo) * rdx
    dy = y_hi - y_lo
    sl = dy * rdx
    xi1 = 1.0 - xi
    u = xi * xi1
    r = (sl + sl) * u
    den = (d_hi + d_lo) * u - r + sl
    rden = 1.0 / den
    xi2 = xi * xi
    y_mid = y_lo + dy * rden * (sl * xi2 + d_lo * u)
    num = d_lo * (xi1 * xi1) + (d_hi * xi2 + r)
    t = sl * rden
    ld_mid = jnp.log((t * t) * num)

    y_left = yy[:, 0:1] + (x - xx[:, 0:1]) * dd[:, 0:1]
    y_right = yy[:, -1:] + (x - xx[:, -1:]) * dd[:, -1:]
    sel0 = jnp.logical_not(xx[:, 0:1] < x)
    seln = xx[:, -1:] < x
    y_r[...] = jnp.where(sel0, y_left, jnp.where(seln, y_right, y_mid))
    ld_r[...] = jnp.where(
        sel0, jnp.broadcast_to(lds[:, 0:1], shp),
        jnp.where(seln, jnp.broadcast_to(lds[:, 1:2], shp), ld_mid))


def kernel(x, params):
    n = x.shape[0]
    assert x.shape == (n, NDIM) and params.shape == (3 * NDIM * NKNOT,)
    assert n == _NCOLS

    x0 = params[:NDIM]
    y0 = params[NDIM:2 * NDIM]
    off = 2 * NDIM
    logdx = params[off:off + NDIM * (NKNOT - 1)].reshape(NDIM, NKNOT - 1)
    off += NDIM * (NKNOT - 1)
    logdy = params[off:off + NDIM * (NKNOT - 1)].reshape(NDIM, NKNOT - 1)
    off += NDIM * (NKNOT - 1)
    logd = params[off:].reshape(NDIM, NKNOT)
    xx = jnp.concatenate(
        [x0[:, None], jnp.cumsum(jnp.exp(logdx), axis=1) + x0[:, None]], 1)
    yy = jnp.concatenate(
        [y0[:, None], jnp.cumsum(jnp.exp(logdy), axis=1) + y0[:, None]], 1)
    delta = jnp.exp(logd)
    cvals = jnp.stack(
        [xx[:, 0], xx[:, -1],
         delta[:, 0], yy[:, 0] - xx[:, 0] * delta[:, 0],
         delta[:, -1], yy[:, -1] - xx[:, -1] * delta[:, -1],
         logd[:, 0], logd[:, -1], xx[:, 15],
         jnp.zeros((NDIM,), jnp.float32)], axis=1)
    cpack = jnp.broadcast_to(
        cvals[:, :, None], (NDIM, _NC, LANES)).reshape(-1)
    tab = jnp.concatenate(
        [xx.reshape(-1), yy.reshape(-1), delta.reshape(-1), cpack], 0)

    mesh = plsc.VectorSubcoreMesh(core_axis_name="c", subcore_axis_name="s")
    out = jax.ShapeDtypeStruct((NDIM, n), jnp.float32)
    f = pl.kernel(
        _sc_body,
        out_type=[out, out],
        mesh=mesh,
        compiler_params=pltpu.CompilerParams(needs_layout_passes=False),
        scratch_types=[
            pltpu.VMEM((_T_LEN,), jnp.float32),
            pltpu.VMEM((2, NDIM, _CHUNK), jnp.float32),
            pltpu.VMEM((2, NDIM, _CHUNK), jnp.float32),
            pltpu.VMEM((2, NDIM, _CHUNK), jnp.float32),
            pltpu.SemaphoreType.DMA((2,)),
            pltpu.SemaphoreType.DMA((2,)),
            pltpu.SemaphoreType.DMA((2,)),
        ],
    )
    xt = x.T
    yt, ldt = f(xt, tab)

    dxx = jnp.concatenate(
        [jnp.zeros((NDIM, 1), jnp.float32), xx[:, 1:] - xx[:, :-1]], 1)
    dyy = jnp.concatenate(
        [jnp.zeros((NDIM, 1), jnp.float32), yy[:, 1:] - yy[:, :-1]], 1)
    ddl = jnp.concatenate(
        [jnp.zeros((NDIM, 1), jnp.float32), delta[:, 1:] - delta[:, :-1]], 1)
    lds = jnp.stack([logd[:, 0], logd[:, -1]], axis=1)
    nblocks = (_TC_COLS + _BC - 1) // _BC
    tab_spec = pl.BlockSpec((NDIM, NKNOT), lambda i: (0, 0))
    out_tc = jax.ShapeDtypeStruct((NDIM, _TC_COLS), jnp.float32)
    y_tc, ld_tc = pl.pallas_call(
        _tc_body,
        grid=(nblocks,),
        in_specs=[
            tab_spec, tab_spec, tab_spec,
            pl.BlockSpec((NDIM, 2), lambda i: (0, 0)),
            tab_spec, tab_spec, tab_spec,
            pl.BlockSpec((NDIM, _BC), lambda i: (0, _SC_COLS // _BC + i)),
        ],
        out_specs=[
            pl.BlockSpec((NDIM, _BC), lambda i: (0, i)),
            pl.BlockSpec((NDIM, _BC), lambda i: (0, i)),
        ],
        out_shape=[out_tc, out_tc],
    )(xx, yy, delta, lds, dxx, dyy, ddl, xt)

    yt = lax.dynamic_update_slice(yt, y_tc, (0, _SC_COLS))
    ldt = lax.dynamic_update_slice(ldt, ld_tc, (0, _SC_COLS))
    return yt.T, ldt.T

# --- scband reference (transcript-rebuilt; emitter-appended) ---
"""Pipeline reference for scband-rqspline-7464653161051 (READ-ONLY COPY).

The authoritative reference and input builder live on the scoring server;
editing this copy changes nothing except your own understanding.
"""

import jax, jax.numpy as jnp
import numpy as np

NDIM = 16
NKNOT = 32
NDATA = 1000000


def setup_inputs(seed: int = 0) -> dict:
    key = jax.random.key(seed)
    k1, k2 = jax.random.split(key)
    x = jax.random.normal(k1, (NDATA, NDIM), dtype=jnp.float32) * 5.0
    params = jax.random.normal(k2, (3 * NDIM * NKNOT,), dtype=jnp.float32)
    return {"x": x, "params": params}


def _get_params(params):
    n = NDIM
    off = 0
    x0 = params[off:off + n].reshape(n, 1); off += n
    y0 = params[off:off + n].reshape(n, 1); off += n
    logdx = params[off:off + n * (NKNOT - 1)].reshape(n, NKNOT - 1); off += n * (NKNOT - 1)
    logdy = params[off:off + n * (NKNOT - 1)].reshape(n, NKNOT - 1); off += n * (NKNOT - 1)
    logderiv = params[off:off + n * NKNOT].reshape(n, NKNOT)
    return x0, y0, logdx, logdy, logderiv


def _prepare(x0, y0, logdx, logdy, logderiv):
    xx = jnp.cumsum(jnp.exp(logdx), axis=1) + x0
    xx = jnp.concatenate((x0, xx), axis=1)
    yy = jnp.cumsum(jnp.exp(logdy), axis=1) + y0
    yy = jnp.concatenate((y0, yy), axis=1)
    delta = jnp.exp(logderiv)
    return xx, yy, delta


def _forward(x, params):
    x0, y0, logdx, logdy, logderiv = _get_params(params)
    xx, yy, delta = _prepare(x0, y0, logdx, logdy, logderiv)
    # per-dim searchsorted (binning), same semantics as torch.searchsorted side='left'
    index = jax.vmap(jnp.searchsorted)(xx, x.T).T  # (ndata, ndim)
    dims = jnp.arange(NDIM)[None, :]
    ic = jnp.clip(index, 1, NKNOT - 1)
    x_lo = xx[dims, ic - 1]
    x_hi = xx[dims, ic]
    y_lo = yy[dims, ic - 1]
    y_hi = yy[dims, ic]
    d_lo = delta[dims, ic - 1]
    d_hi = delta[dims, ic]
    # xi in [0,1] for interior points; clip keeps out-of-range (boundary-branch) points NaN-free
    xi = jnp.clip((x - x_lo) / (x_hi - x_lo), 0.0, 1.0)
    s = (y_hi - y_lo) / (x_hi - x_lo)
    xi1_xi = xi * (1.0 - xi)
    delta_sum = d_hi + d_lo - 2.0 * s
    den = s + delta_sum * xi1_xi
    xi2 = xi ** 2
    y_mid = y_lo + (y_hi - y_lo) * (s * xi2 + d_lo * xi1_xi) / den
    logd_mid = 2.0 * jnp.log(s) + jnp.log(d_hi * xi2 + 2.0 * s * xi1_xi + d_lo * (1.0 - xi) ** 2) - 2.0 * jnp.log(den)
    # linear tails
    y_left = yy[:, 0][None, :] + (x - xx[:, 0][None, :]) * delta[:, 0][None, :]
    logd_left = jnp.broadcast_to(logderiv[:, 0][None, :], x.shape)
    y_right = yy[:, -1][None, :] + (x - xx[:, -1][None, :]) * delta[:, -1][None, :]
    logd_right = jnp.broadcast_to(logderiv[:, -1][None, :], x.shape)
    sel0 = index == 0
    seln = index == NKNOT
    y = jnp.where(sel0, y_left, jnp.where(seln, y_right, y_mid))
    new_logderiv = jnp.where(sel0, logd_left, jnp.where(seln, logd_right, logd_mid))
    return y, new_logderiv


def reference(x, params):
    return _forward(x, params)

if __name__ == "__main__":
    import jax
    _d = setup_inputs()
    print(jax.jit(kernel)(*tuple(_d.values())))

</pallas_src>

<mosaic_0001>
#map = affine_map<(d0, d1) -> (0, 0)>
#map1 = affine_map<(d0, d1) -> (0)>
module attributes {stable_mosaic.version = 14 : i64} {
  func.func @_sc_body(%arg0: i32, %arg1: i32, %arg2: memref<16x1000000xf32, #tpu.memory_space<hbm>>, %arg3: memref<4096xf32, #tpu.memory_space<hbm>>, %arg4: memref<16x1000000xf32, #tpu.memory_space<hbm>>, %arg5: memref<16x1000000xf32, #tpu.memory_space<hbm>>, %arg6: memref<4096xf32, #tpu.memory_space<vmem>>, %arg7: memref<2x16x512xf32, #tpu.memory_space<vmem>>, %arg8: memref<2x16x512xf32, #tpu.memory_space<vmem>>, %arg9: memref<2x16x512xf32, #tpu.memory_space<vmem>>, %arg10: memref<2x!tpu.dma_semaphore, #tpu.memory_space<semaphore_mem>>, %arg11: memref<2x!tpu.dma_semaphore, #tpu.memory_space<semaphore_mem>>, %arg12: memref<2x!tpu.dma_semaphore, #tpu.memory_space<semaphore_mem>>) attributes {dimension_semantics = [#tpu.dimension_semantics<core_parallel>, #tpu.dimension_semantics<subcore_parallel>], iteration_bounds = array<i64: 2, 16>, scalar_prefetch = 0 : i64, scratch_operands = 7 : i64, tpu.core_type = #tpu.core_type<sc_vector_subcore>, window_params = [{transform_indices = #map}, {transform_indices = #map1}, {transform_indices = #map}, {transform_indices = #map}]} {
    %mul3A = arith.constant 2 : i32
    %mul3A_0 = arith.muli %arg1, %mul3A : i32
    %add3A = arith.addi %mul3A_0, %arg0 : i32
    %mul3A_1 = arith.constant 20992 : i32
    %mul3A_2 = arith.muli %add3A, %mul3A_1 : i32
    "tpu.region"() ({
      %run_scoped3A = tpu.sem_alloc : memref<!tpu.dma_semaphore, #tpu.memory_space<semaphore_mem>>
      tpu.enqueue_dma source(%arg3 : memref<4096xf32, #tpu.memory_space<hbm>>) target(%arg6 : memref<4096xf32, #tpu.memory_space<vmem>>) target_semaphore(%run_scoped3A : memref<!tpu.dma_semaphore, #tpu.memory_space<semaphore_mem>>)
      tpu.wait_dma2 semaphore(%run_scoped3A : memref<!tpu.dma_semaphore, #tpu.memory_space<semaphore_mem>>) src(%arg3 : memref<4096xf32, #tpu.memory_space<hbm>>) dst(%arg6 : memref<4096xf32, #tpu.memory_space<vmem>>)
      tpu.yield
    }) : () -> ()
    %add3A_3 = arith.constant 0 : i32
    %add3A_4 = arith.addi %mul3A_2, %add3A_3 : i32
    %dma_start3A = arith.constant 0 : i32
    %dma_start3A_5 = arith.constant 0 : i32
    %dma_start3A_6 = arith.constant 0 : i32
    %dma_start3A_7 = arith.constant 0 : i32
    %dma_start3A_8 = tpu.memref_slice %arg7[%dma_start3A, %dma_start3A_6, %dma_start3A_7] : memref<2x16x512xf32, #tpu.memory_space<vmem>> -> memref<1x16x512xf32, #tpu.memory_space<vmem>>
    %dma_start3A_9 = tpu.memref_squeeze %dma_start3A_8 : memref<1x16x512xf32, #tpu.memory_space<vmem>> -> memref<16x512xf32, #tpu.memory_space<vmem>>
    %dma_start3A_10 = arith.constant 0 : i32
    %dma_start3A_11 = tpu.memref_slice %arg2[%dma_start3A_10, %add3A_4] : memref<16x1000000xf32, #tpu.memory_space<hbm>> -> memref<16x512xf32, #tpu.memory_space<hbm>>
    %dma_start3A_12 = tpu.memref_slice %arg10[%dma_start3A_5] : memref<2x!tpu.dma_semaphore, #tpu.memory_space<semaphore_mem>> -> memref<1x!tpu.dma_semaphore, #tpu.memory_space<semaphore_mem>>
    %dma_start3A_13 = tpu.memref_squeeze %dma_start3A_12 : memref<1x!tpu.dma_semaphore, #tpu.memory_space<semaphore_mem>> -> memref<!tpu.dma_semaphore, #tpu.memory_space<semaphore_mem>>
    %dma_start3A_14 = arith.constant 0 : i32
    %dma_start3A_15 = arith.constant 0 : i32
    %dma_start3A_16 = tpu.memref_slice %arg7[%dma_start3A, %dma_start3A_14, %dma_start3A_15] : memref<2x16x512xf32, #tpu.memory_space<vmem>> -> memref<1x16x512xf32, #tpu.memory_space<vmem>>
    %dma_start3A_17 = tpu.memref_squeeze %dma_start3A_16 : memref<1x16x512xf32, #tpu.memory_space<vmem>> -> memref<16x512xf32, #tpu.memory_space<vmem>>
    %dma_start3A_18 = arith.constant 0 : i32
    %dma_start3A_19 = tpu.memref_slice %arg2[%dma_start3A_18, %add3A_4] : memref<16x1000000xf32, #tpu.memory_space<hbm>> -> memref<16x512xf32, #tpu.memory_space<hbm>>
    tpu.enqueue_dma source(%dma_start3A_19 : memref<16x512xf32, #tpu.memory_space<hbm>>) target(%dma_start3A_17 : memref<16x512xf32, #tpu.memory_space<vmem>>) target_semaphore(%dma_start3A_13 : memref<!tpu.dma_semaphore, #tpu.memory_space<semaphore_mem>>)
    %add3A_20 = arith.constant 512 : i32
    %add3A_21 = arith.addi %mul3A_2, %add3A_20 : i32
    %dma_start3A_22 = arith.constant 1 : i32
    %dma_start3A_23 = arith.constant 1 : i32
    %dma_start3A_24 = arith.constant 0 : i32
    %dma_start3A_25 = arith.constant 0 : i32
    %dma_start3A_26 = tpu.memref_slice %arg7[%dma_start3A_22, %dma_start3A_24, %dma_start3A_25] : memref<2x16x512xf32, #tpu.memory_space<vmem>> -> memref<1x16x512xf32, #tpu.memory_space<vmem>>
    %dma_start3A_27 = tpu.memref_squeeze %dma_start3A_26 : memref<1x16x512xf32, #tpu.memory_space<vmem>> -> memref<16x512xf32, #tpu.memory_space<vmem>>
    %dma_start3A_28 = arith.constant 0 : i32
    %dma_start3A_29 = tpu.memref_slice %arg2[%dma_start3A_28, %add3A_21] : memref<16x1000000xf32, #tpu.memory_space<hbm>> -> memref<16x512xf32, #tpu.memory_space<hbm>>
    %dma_start3A_30 = tpu.memref_slice %arg10[%dma_start3A_23] : memref<2x!tpu.dma_semaphore, #tpu.memory_space<semaphore_mem>> -> memref<1x!tpu.dma_semaphore, #tpu.memory_space<semaphore_mem>>
    %dma_start3A_31 = tpu.memref_squeeze %dma_start3A_30 : memref<1x!tpu.dma_semaphore, #tpu.memory_space<semaphore_mem>> -> memref<!tpu.dma_semaphore, #tpu.memory_space<semaphore_mem>>
    %dma_start3A_32 = arith.constant 0 : i32
    %dma_start3A_33 = arith.constant 0 : i32
    %dma_start3A_34 = tpu.memref_slice %arg7[%dma_start3A_22, %dma_start3A_32, %dma_start3A_33] : memref<2x16x512xf32, #tpu.memory_space<vmem>> -> memref<1x16x512xf32, #tpu.memory_space<vmem>>
    %dma_start3A_35 = tpu.memref_squeeze %dma_start3A_34 : memref<1x16x512xf32, #tpu.memory_space<vmem>> -> memref<16x512xf32, #tpu.memory_space<vmem>>
    %dma_start3A_36 = arith.constant 0 : i32
    %dma_start3A_37 = tpu.memref_slice %arg2[%dma_start3A_36, %add3A_21] : memref<16x1000000xf32, #tpu.memory_space<hbm>> -> memref<16x512xf32, #tpu.memory_space<hbm>>
    tpu.enqueue_dma source(%dma_start3A_37 : memref<16x512xf32, #tpu.memory_space<hbm>>) target(%dma_start3A_35 : memref<16x512xf32, #tpu.memory_space<vmem>>) target_semaphore(%dma_start3A_31 : memref<!tpu.dma_semaphore, #tpu.memory_space<semaphore_mem>>)
    %scan3A = arith.constant 0 : i32
    %scan3A_38 = arith.constant 0 : i32
    %scan3A_39 = arith.constant 41 : i32
    %scan3A_40 = arith.addi %scan3A_38, %scan3A_39 : i32
    %scan3A_41 = arith.constant 1 : i32
    scf.for %scan3A_110 = %scan3A_38 to %scan3A_40 step %scan3A_41  : i32 {
      %and3A = arith.constant 1 : i32
      %and3A_111 = arith.andi %scan3A_110, %and3A : i32
      %mul3A_112 = arith.constant 512 : i32
      %mul3A_113 = arith.muli %scan3A_110, %mul3A_112 : i32
      %add3A_114 = arith.addi %mul3A_2, %mul3A_113 : i32
      %dma_wait3A_115 = arith.constant 0 : i32
      %dma_wait3A_116 = arith.constant 0 : i32
      %dma_wait3A_117 = tpu.memref_slice %arg7[%and3A_111, %dma_wait3A_115, %dma_wait3A_116] : memref<2x16x512xf32, #tpu.memory_space<vmem>> -> memref<1x16x512xf32, #tpu.memory_space<vmem>>
      %dma_wait3A_118 = tpu.memref_squeeze %dma_wait3A_117 : memref<1x16x512xf32, #tpu.memory_space<vmem>> -> memref<16x512xf32, #tpu.memory_space<vmem>>
      %dma_wait3A_119 = arith.constant 0 : i32
      %dma_wait3A_120 = tpu.memref_slice %arg2[%dma_wait3A_119, %add3A_114] : memref<16x1000000xf32, #tpu.memory_space<hbm>> -> memref<16x512xf32, #tpu.memory_space<hbm>>
      %dma_wait3A_121 = tpu.memref_slice %arg10[%and3A_111] : memref<2x!tpu.dma_semaphore, #tpu.memory_space<semaphore_mem>> -> memref<1x!tpu.dma_semaphore, #tpu.memory_space<semaphore_mem>>
      %dma_wait3A_122 = tpu.memref_squeeze %dma_wait3A_121 : memref<1x!tpu.dma_semaphore, #tpu.memory_space<semaphore_mem>> -> memref<!tpu.dma_semaphore, #tpu.memory_space<semaphore_mem>>
      %dma_wait3A_123 = arith.constant 0 : i32
      %dma_wait3A_124 = arith.constant 0 : i32
      %dma_wait3A_125 = tpu.memref_slice %arg7[%and3A_111, %dma_wait3A_123, %dma_wait3A_124] : memref<2x16x512xf32, #tpu.memory_space<vmem>> -> memref<1x16x512xf32, #tpu.memory_space<vmem>>
      %dma_wait3A_126 = tpu.memref_squeeze %dma_wait3A_125 : memref<1x16x512xf32, #tpu.memory_space<vmem>> -> memref<16x512xf32, #tpu.memory_space<vmem>>
      %dma_wait3A_127 = arith.constant 0 : i32
      %dma_wait3A_128 = tpu.memref_slice %arg2[%dma_wait3A_127, %add3A_114] : memref<16x1000000xf32, #tpu.memory_space<hbm>> -> memref<16x512xf32, #tpu.memory_space<hbm>>
      tpu.wait_dma2 semaphore(%dma_wait3A_122 : memref<!tpu.dma_semaphore, #tpu.memory_space<semaphore_mem>>) src(%dma_wait3A_128 : memref<16x512xf32, #tpu.memory_space<hbm>>) dst(%dma_wait3A_126 : memref<16x512xf32, #tpu.memory_space<vmem>>)
      %ge3A = arith.constant 2 : i32
      %ge3A_129 = arith.cmpi sge, %scan3A_110, %ge3A : i32
      %convert_element_type3A = arith.extui %ge3A_129 : i1 to i32
      %cond3A = arith.constant 0 : i32
      %cond3A_130 = arith.cmpi ne, %convert_element_type3A, %cond3A : i32
      scf.if %cond3A_130 {
        %sub3A = arith.constant 1024 : i32
        %sub3A_167 = arith.subi %add3A_114, %sub3A : i32
        %dma_wait3A_168 = arith.constant 0 : i32
        %dma_wait3A_169 = arith.constant 0 : i32
        %dma_wait3A_170 = tpu.memref_slice %arg8[%and3A_111, %dma_wait3A_168, %dma_wait3A_169] : memref<2x16x512xf32, #tpu.memory_space<vmem>> -> memref<1x16x512xf32, #tpu.memory_space<vmem>>
        %dma_wait3A_171 = tpu.memref_squeeze %dma_wait3A_170 : memref<1x16x512xf32, #tpu.memory_space<vmem>> -> memref<16x512xf32, #tpu.memory_space<vmem>>
        %dma_wait3A_172 = arith.constant 0 : i32
        %dma_wait3A_173 = tpu.memref_slice %arg4[%dma_wait3A_172, %sub3A_167] : memref<16x1000000xf32, #tpu.memory_space<hbm>> -> memref<16x512xf32, #tpu.memory_space<hbm>>
        %dma_wait3A_174 = tpu.memref_slice %arg11[%and3A_111] : memref<2x!tpu.dma_semaphore, #tpu.memory_space<semaphore_mem>> -> memref<1x!tpu.dma_semaphore, #tpu.memory_space<semaphore_mem>>
        %dma_wait3A_175 = tpu.memref_squeeze %dma_wait3A_174 : memref<1x!tpu.dma_semaphore, #tpu.memory_space<semaphore_mem>> -> memref<!tpu.dma_semaphore, #tpu.memory_space<semaphore_mem>>
        %dma_wait3A_176 = arith.constant 0 : i32
        %dma_wait3A_177 = tpu.memref_slice %arg4[%dma_wait3A_176, %sub3A_167] : memref<16x1000000xf32, #tpu.memory_space<hbm>> -> memref<16x512xf32, #tpu.memory_space<hbm>>
        %dma_wait3A_178 = arith.constant 0 : i32
        %dma_wait3A_179 = arith.constant 0 : i32
        %dma_wait3A_180 = tpu.memref_slice %arg8[%and3A_111, %dma_wait3A_178, %dma_wait3A_179] : memref<2x16x512xf32, #tpu.memory_space<vmem>> -> memref<1x16x512xf32, #tpu.memory_space<vmem>>
        %dma_wait3A_181 = tpu.memref_squeeze %dma_wait3A_180 : memref<1x16x512xf32, #tpu.memory_space<vmem>> -> memref<16x512xf32, #tpu.memory_space<vmem>>
        tpu.wait_dma2 semaphore(%dma_wait3A_175 : memref<!tpu.dma_semaphore, #tpu.memory_space<semaphore_mem>>) src(%dma_wait3A_181 : memref<16x512xf32, #tpu.memory_space<vmem>>) dst(%dma_wait3A_177 : memref<16x512xf32, #tpu.memory_space<hbm>>)
        %dma_wait3A_182 = arith.constant 0 : i32
        %dma_wait3A_183 = arith.constant 0 : i32
        %dma_wait3A_184 = tpu.memref_slice %arg9[%and3A_111, %dma_wait3A_182, %dma_wait3A_183] : memref<2x16x512xf32, #tpu.memory_space<vmem>> -> memref<1x16x512xf32, #tpu.memory_space<vmem>>
        %dma_wait3A_185 = tpu.memref_squeeze %dma_wait3A_184 : memref<1x16x512xf32, #tpu.memory_space<vmem>> -> memref<16x512xf32, #tpu.memory_space<vmem>>
        %dma_wait3A_186 = arith.constant 0 : i32
        %dma_wait3A_187 = tpu.memref_slice %arg5[%dma_wait3A_186, %sub3A_167] : memref<16x1000000xf32, #tpu.memory_space<hbm>> -> memref<16x512xf32, #tpu.memory_space<hbm>>
        %dma_wait3A_188 = tpu.memref_slice %arg12[%and3A_111] : memref<2x!tpu.dma_semaphore, #tpu.memory_space<semaphore_mem>> -> memref<1x!tpu.dma_semaphore, #tpu.memory_space<semaphore_mem>>
        %dma_wait3A_189 = tpu.memref_squeeze %dma_wait3A_188 : memref<1x!tpu.dma_semaphore, #tpu.memory_space<semaphore_mem>> -> memref<!tpu.dma_semaphore, #tpu.memory_space<semaphore_mem>>
        %dma_wait3A_190 = arith.constant 0 : i32
        %dma_wait3A_191 = tpu.memref_slice %arg5[%dma_wait3A_190, %sub3A_167] : memref<16x1000000xf32, #tpu.memory_space<hbm>> -> memref<16x512xf32, #tpu.memory_space<hbm>>
        %dma_wait3A_192 = arith.constant 0 : i32
        %dma_wait3A_193 = arith.constant 0 : i32
        %dma_wait3A_194 = tpu.memref_slice %arg9[%and3A_111, %dma_wait3A_192, %dma_wait3A_193] : memref<2x16x512xf32, #tpu.memory_space<vmem>> -> memref<1x16x512xf32, #tpu.memory_space<vmem>>
        %dma_wait3A_195 = tpu.memref_squeeze %dma_wait3A_194 : memref<1x16x512xf32, #tpu.memory_space<vmem>> -> memref<16x512xf32, #tpu.memory_space<vmem>>
        tpu.wait_dma2 semaphore(%dma_wait3A_189 : memref<!tpu.dma_semaphore, #tpu.memory_space<semaphore_mem>>) src(%dma_wait3A_195 : memref<16x512xf32, #tpu.memory_space<vmem>>) dst(%dma_wait3A_191 : memref<16x512xf32, #tpu.memory_space<hbm>>)
      } else {
      }
      %parallel_loop3A = arith.constant 0 : i32
      %parallel_loop3A_131 = arith.constant 512 : i32
      %parallel_loop3A_132 = arith.constant 1 : i32
      scf.for %parallel_loop3A_167 = %parallel_loop3A to %parallel_loop3A_131 step %parallel_loop3A_132  : i32 {
        %parallel_loop3A_168 = arith.constant 5 : i32
        %parallel_loop3A_169 = arith.shrsi %parallel_loop3A_167, %parallel_loop3A_168 : i32
        %parallel_loop3A_170 = arith.constant 5 : i32
        %parallel_loop3A_171 = arith.shli %parallel_loop3A_169, %parallel_loop3A_170 : i32
        %parallel_loop3A_172 = arith.subi %parallel_loop3A_167, %parallel_loop3A_171 : i32
        %parallel_loop3A_173 = arith.constant 16 : i32
        %parallel_loop3A_174 = arith.muli %parallel_loop3A_172, %parallel_loop3A_173 : i32
        %parallel_loop3A_175 = arith.constant 160 : i32
        %parallel_loop3A_176 = arith.muli %parallel_loop3A_169, %parallel_loop3A_175 : i32
        %parallel_loop3A_177 = arith.constant 1536 : i32
        %parallel_loop3A_178 = arith.addi %parallel_loop3A_177, %parallel_loop3A_176 : i32
        %parallel_loop3A_179 = arith.constant 0 : i32
        %parallel_loop3A_180 = arith.addi %parallel_loop3A_178, %parallel_loop3A_179 : i32
        %parallel_loop3A_181 = arith.index_cast %parallel_loop3A_180 : i32 to index
        %parallel_loop3A_182 = tpu.vector_load %arg6[%parallel_loop3A_181] {strides = array<i32>} : memref<4096xf32, #tpu.memory_space<vmem>>, vector<16xf32>,
        %parallel_loop3A_183 = arith.constant 16 : i32
        %parallel_loop3A_184 = arith.addi %parallel_loop3A_178, %parallel_loop3A_183 : i32
        %parallel_loop3A_185 = arith.index_cast %parallel_loop3A_184 : i32 to index
        %parallel_loop3A_186 = tpu.vector_load %arg6[%parallel_loop3A_185] {strides = array<i32>} : memref<4096xf32, #tpu.memory_space<vmem>>, vector<16xf32>,
        %parallel_loop3A_187 = arith.constant 32 : i32
        %parallel_loop3A_188 = arith.addi %parallel_loop3A_178, %parallel_loop3A_187 : i32
        %parallel_loop3A_189 = arith.index_cast %parallel_loop3A_188 : i32 to index
        %parallel_loop3A_190 = tpu.vector_load %arg6[%parallel_loop3A_189] {strides = array<i32>} : memref<4096xf32, #tpu.memory_space<vmem>>, vector<16xf32>,
        %parallel_loop3A_191 = arith.constant 48 : i32
        %parallel_loop3A_192 = arith.addi %parallel_loop3A_178, %parallel_loop3A_191 : i32
        %parallel_loop3A_193 = arith.index_cast %parallel_loop3A_192 : i32 to index
        %parallel_loop3A_194 = tpu.vector_load %arg6[%parallel_loop3A_193] {strides = array<i32>} : memref<4096xf32, #tpu.memory_space<vmem>>, vector<16xf32>,
        %parallel_loop3A_195 = arith.constant 64 : i32
        %parallel_loop3A_196 = arith.addi %parallel_loop3A_178, %parallel_loop3A_195 : i32
        %parallel_loop3A_197 = arith.index_cast %parallel_loop3A_196 : i32 to index
        %parallel_loop3A_198 = tpu.vector_load %arg6[%parallel_loop3A_197] {strides = array<i32>} : memref<4096xf32, #tpu.memory_space<vmem>>, vector<16xf32>,
        %parallel_loop3A_199 = arith.constant 80 : i32
        %parallel_loop3A_200 = arith.addi %parallel_loop3A_178, %parallel_loop3A_199 : i32
        %parallel_loop3A_201 = arith.index_cast %parallel_loop3A_200 : i32 to index
        %parallel_loop3A_202 = tpu.vector_load %arg6[%parallel_loop3A_201] {strides = array<i32>} : memref<4096xf32, #tpu.memory_space<vmem>>, vector<16xf32>,
        %parallel_loop3A_203 = arith.constant 96 : i32
        %parallel_loop3A_204 = arith.addi %parallel_loop3A_178, %parallel_loop3A_203 : i32
        %parallel_loop3A_205 = arith.index_cast %parallel_loop3A_204 : i32 to index
        %parallel_loop3A_206 = tpu.vector_load %arg6[%parallel_loop3A_205] {strides = array<i32>} : memref<4096xf32, #tpu.memory_space<vmem>>, vector<16xf32>,
        %parallel_loop3A_207 = arith.constant 112 : i32
        %parallel_loop3A_208 = arith.addi %parallel_loop3A_178, %parallel_loop3A_207 : i32
        %parallel_loop3A_209 = arith.index_cast %parallel_loop3A_208 : i32 to index
        %parallel_loop3A_210 = tpu.vector_load %arg6[%parallel_loop3A_209] {strides = array<i32>} : memref<4096xf32, #tpu.memory_space<vmem>>, vector<16xf32>,
        %parallel_loop3A_211 = arith.constant 128 : i32
        %parallel_loop3A_212 = arith.addi %parallel_loop3A_178, %parallel_loop3A_211 : i32
        %parallel_loop3A_213 = arith.index_cast %parallel_loop3A_212 : i32 to index
        %parallel_loop3A_214 = tpu.vector_load %arg6[%parallel_loop3A_213] {strides = array<i32>} : memref<4096xf32, #tpu.memory_space<vmem>>, vector<16xf32>,
        %parallel_loop3A_215 = arith.constant 32 : i32
        %parallel_loop3A_216 = arith.muli %parallel_loop3A_169, %parallel_loop3A_215 : i32
        %parallel_loop3A_217 = vector.broadcast %parallel_loop3A_216 : i32 to vector<16xi32>
        %parallel_loop3A_218 = arith.constant 32 : i32
        %parallel_loop3A_219 = arith.muli %parallel_loop3A_169, %parallel_loop3A_218 : i32
        %parallel_loop3A_220 = arith.constant 16 : i32
        %parallel_loop3A_221 = arith.addi %parallel_loop3A_219, %parallel_loop3A_220 : i32
        %parallel_loop3A_222 = vector.broadcast %parallel_loop3A_221 : i32 to vector<16xi32>
        %parallel_loop3A_223 = arith.constant 0 : i32
        %parallel_loop3A_224 = arith.constant 0 : i32
        %parallel_loop3A_225 = tpu.memref_slice %arg7[%and3A_111, %parallel_loop3A_223, %parallel_loop3A_224] : memref<2x16x512xf32, #tpu.memory_space<vmem>> -> memref<1x16x512xf32, #tpu.memory_space<vmem>>
        %parallel_loop3A_226 = tpu.memref_squeeze %parallel_loop3A_225 : memref<1x16x512xf32, #tpu.memory_space<vmem>> -> memref<16x512xf32, #tpu.memory_space<vmem>>
        %parallel_loop3A_227 = arith.index_cast %parallel_loop3A_169 : i32 to index
        %parallel_loop3A_228 = arith.index_cast %parallel_loop3A_174 : i32 to index
        %parallel_loop3A_229 = tpu.vector_load %parallel_loop3A_226[%parallel_loop3A_227, %parallel_loop3A_228] {strides = array<i32>} : memref<16x512xf32, #tpu.memory_space<vmem>>, vector<16xf32>,
        %parallel_loop3A_230 = arith.cmpf olt, %parallel_loop3A_214, %parallel_loop3A_229 : vector<16xf32>
        %parallel_loop3A_231 = arith.select %parallel_loop3A_230, %parallel_loop3A_222, %parallel_loop3A_217 : vector<16xi1>, vector<16xi32>
        %parallel_loop3A_232 = arith.constant 7 : i32
        %parallel_loop3A_233 = vector.broadcast %parallel_loop3A_232 : i32 to vector<16xi32>
        %parallel_loop3A_234 = arith.addi %parallel_loop3A_231, %parallel_loop3A_233 : vector<16xi32>
        %parallel_loop3A_235 = tpu.vector_load_idx %arg6[%parallel_loop3A_234] : memref<4096xf32, #tpu.memory_space<vmem>>[vector<16xi32>], vector<16xf32>,
        %parallel_loop3A_236 = arith.cmpf olt, %parallel_loop3A_235, %parallel_loop3A_229 : vector<16xf32>
        %parallel_loop3A_237 = arith.constant 8 : i32
        %parallel_loop3A_238 = vector.broadcast %parallel_loop3A_237 : i32 to vector<16xi32>
        %parallel_loop3A_239 = arith.addi %parallel_loop3A_231, %parallel_loop3A_238 : vector<16xi32>
        %parallel_loop3A_240 = arith.select %parallel_loop3A_236, %parallel_loop3A_239, %parallel_loop3A_231 : vector<16xi1>, vector<16xi32>
        %parallel_loop3A_241 = arith.constant 3 : i32
        %parallel_loop3A_242 = vector.broadcast %parallel_loop3A_241 : i32 to vector<16xi32>
        %parallel_loop3A_243 = arith.addi %parallel_loop3A_240, %parallel_loop3A_242 : vector<16xi32>
        %parallel_loop3A_244 = tpu.vector_load_idx %arg6[%parallel_loop3A_243] : memref<4096xf32, #tpu.memory_space<vmem>>[vector<16xi32>], vector<16xf32>,
        %parallel_loop3A_245 = arith.cmpf olt, %parallel_loop3A_244, %parallel_loop3A_229 : vector<16xf32>
        %parallel_loop3A_246 = arith.constant 4 : i32
        %parallel_loop3A_247 = vector.broadcast %parallel_loop3A_246 : i32 to vector<16xi32>
        %parallel_loop3A_248 = arith.addi %parallel_loop3A_240, %parallel_loop3A_247 : vector<16xi32>
        %parallel_loop3A_249 = arith.select %parallel_loop3A_245, %parallel_loop3A_248, %parallel_loop3A_240 : vector<16xi1>, vector<16xi32>
        %parallel_loop3A_250 = arith.constant 1 : i32
        %parallel_loop3A_251 = vector.broadcast %parallel_loop3A_250 : i32 to vector<16xi32>
        %parallel_loop3A_252 = arith.addi %parallel_loop3A_249, %parallel_loop3A_251 : vector<16xi32>
        %parallel_loop3A_253 = tpu.vector_load_idx %arg6[%parallel_loop3A_252] : memref<4096xf32, #tpu.memory_space<vmem>>[vector<16xi32>], vector<16xf32>,
        %parallel_loop3A_254 = arith.cmpf olt, %parallel_loop3A_253, %parallel_loop3A_229 : vector<16xf32>
        %parallel_loop3A_255 = arith.constant 2 : i32
        %parallel_loop3A_256 = vector.broadcast %parallel_loop3A_255 : i32 to vector<16xi32>
        %parallel_loop3A_257 = arith.addi %parallel_loop3A_249, %parallel_loop3A_256 : vector<16xi32>
        %parallel_loop3A_258 = arith.select %parallel_loop3A_254, %parallel_loop3A_257, %parallel_loop3A_249 : vector<16xi1>, vector<16xi32>
        %parallel_loop3A_259 = arith.constant 0 : i32
        %parallel_loop3A_260 = vector.broadcast %parallel_loop3A_259 : i32 to vector<16xi32>
        %parallel_loop3A_261 = arith.addi %parallel_loop3A_258, %parallel_loop3A_260 : vector<16xi32>
        %parallel_loop3A_262 = tpu.vector_load_idx %arg6[%parallel_loop3A_261] : memref<4096xf32, #tpu.memory_space<vmem>>[vector<16xi32>], vector<16xf32>,
        %parallel_loop3A_263 = arith.cmpf olt, %parallel_loop3A_262, %parallel_loop3A_229 : vector<16xf32>
        %parallel_loop3A_264 = arith.constant 1 : i32
        %parallel_loop3A_265 = vector.broadcast %parallel_loop3A_264 : i32 to vector<16xi32>
        %parallel_loop3A_266 = arith.addi %parallel_loop3A_258, %parallel_loop3A_265 : vector<16xi32>
        %parallel_loop3A_267 = arith.select %parallel_loop3A_263, %parallel_loop3A_266, %parallel_loop3A_258 : vector<16xi1>, vector<16xi32>
        %parallel_loop3A_268 = arith.constant 1 : i32
        %parallel_loop3A_269 = vector.broadcast %parallel_loop3A_268 : i32 to vector<16xi32>
        %parallel_loop3A_270 = arith.subi %parallel_loop3A_267, %parallel_loop3A_269 : vector<16xi32>
        %parallel_loop3A_271 = arith.maxsi %parallel_loop3A_270, %parallel_loop3A_217 : vector<16xi32>
        %parallel_loop3A_272 = arith.constant 512 : i32
        %parallel_loop3A_273 = vector.broadcast %parallel_loop3A_272 : i32 to vector<16xi32>
        %parallel_loop3A_274 = arith.addi %parallel_loop3A_271, %parallel_loop3A_273 : vector<16xi32>
        %parallel_loop3A_275 = arith.constant 1024 : i32
        %parallel_loop3A_276 = vector.broadcast %parallel_loop3A_275 : i32 to vector<16xi32>
        %parallel_loop3A_277 = arith.addi %parallel_loop3A_271, %parallel_loop3A_276 : vector<16xi32>
        %parallel_loop3A_278 = tpu.vector_load_idx %arg6[%parallel_loop3A_271] : memref<4096xf32, #tpu.memory_space<vmem>>[vector<16xi32>], vector<16xf32>,
        %parallel_loop3A_279 = arith.constant 1 : i32
        %parallel_loop3A_280 = vector.broadcast %parallel_loop3A_279 : i32 to vector<16xi32>
        %parallel_loop3A_281 = arith.addi %parallel_loop3A_271, %parallel_loop3A_280 : vector<16xi32>
        %parallel_loop3A_282 = tpu.vector_load_idx %arg6[%parallel_loop3A_281] : memref<4096xf32, #tpu.memory_space<vmem>>[vector<16xi32>], vector<16xf32>,
        %parallel_loop3A_283 = tpu.vector_load_idx %arg6[%parallel_loop3A_274] : memref<4096xf32, #tpu.memory_space<vmem>>[vector<16xi32>], vector<16xf32>,
        %parallel_loop3A_284 = arith.constant 1 : i32
        %parallel_loop3A_285 = vector.broadcast %parallel_loop3A_284 : i32 to vector<16xi32>
        %parallel_loop3A_286 = arith.addi %parallel_loop3A_274, %parallel_loop3A_285 : vector<16xi32>
        %parallel_loop3A_287 = tpu.vector_load_idx %arg6[%parallel_loop3A_286] : memref<4096xf32, #tpu.memory_space<vmem>>[vector<16xi32>], vector<16xf32>,
        %parallel_loop3A_288 = tpu.vector_load_idx %arg6[%parallel_loop3A_277] : memref<4096xf32, #tpu.memory_space<vmem>>[vector<16xi32>], vector<16xf32>,
        %parallel_loop3A_289 = arith.constant 1 : i32
        %parallel_loop3A_290 = vector.broadcast %parallel_loop3A_289 : i32 to vector<16xi32>
        %parallel_loop3A_291 = arith.addi %parallel_loop3A_277, %parallel_loop3A_290 : vector<16xi32>
        %parallel_loop3A_292 = tpu.vector_load_idx %arg6[%parallel_loop3A_291] : memref<4096xf32, #tpu.memory_space<vmem>>[vector<16xi32>], vector<16xf32>,
        %parallel_loop3A_293 = arith.subf %parallel_loop3A_282, %parallel_loop3A_278 : vector<16xf32>
        %parallel_loop3A_294 = arith.constant 1.000000e+00 : f32
        %parallel_loop3A_295 = vector.broadcast %parallel_loop3A_294 : f32 to vector<16xf32>
        %parallel_loop3A_296 = arith.divf %parallel_loop3A_295, %parallel_loop3A_293 : vector<16xf32>
        %parallel_loop3A_297 = arith.subf %parallel_loop3A_229, %parallel_loop3A_278 : vector<16xf32>
        %parallel_loop3A_298 = arith.mulf %parallel_loop3A_297, %parallel_loop3A_296 : vector<16xf32>
        %parallel_loop3A_299 = arith.subf %parallel_loop3A_287, %parallel_loop3A_283 : vector<16xf32>
        %parallel_loop3A_300 = arith.mulf %parallel_loop3A_299, %parallel_loop3A_296 : vector<16xf32>
        %parallel_loop3A_301 = arith.constant 1.000000e+00 : f32
        %parallel_loop3A_302 = vector.broadcast %parallel_loop3A_301 : f32 to vector<16xf32>
        %parallel_loop3A_303 = arith.subf %parallel_loop3A_302, %parallel_loop3A_298 : vector<16xf32>
        %parallel_loop3A_304 = arith.mulf %parallel_loop3A_298, %parallel_loop3A_303 : vector<16xf32>
        %parallel_loop3A_305 = arith.constant 1.000000e+00 : f32
        %parallel_loop3A_306 = vector.broadcast %parallel_loop3A_305 : f32 to vector<16xf32>
        %parallel_loop3A_307 = arith.subf %parallel_loop3A_306, %parallel_loop3A_298 : vector<16xf32>
        %parallel_loop3A_308 = arith.addf %parallel_loop3A_300, %parallel_loop3A_300 : vector<16xf32>
        %parallel_loop3A_309 = arith.mulf %parallel_loop3A_308, %parallel_loop3A_304 : vector<16xf32>
        %parallel_loop3A_310 = arith.addf %parallel_loop3A_292, %parallel_loop3A_288 : vector<16xf32>
        %parallel_loop3A_311 = arith.mulf %parallel_loop3A_310, %parallel_loop3A_304 : vector<16xf32>
        %parallel_loop3A_312 = arith.subf %parallel_loop3A_311, %parallel_loop3A_309 : vector<16xf32>
        %parallel_loop3A_313 = arith.addf %parallel_loop3A_312, %parallel_loop3A_300 : vector<16xf32>
        %parallel_loop3A_314 = arith.constant 1.000000e+00 : f32
        %parallel_loop3A_315 = vector.broadcast %parallel_loop3A_314 : f32 to vector<16xf32>
        %parallel_loop3A_316 = arith.divf %parallel_loop3A_315, %parallel_loop3A_313 : vector<16xf32>
        %parallel_loop3A_317 = arith.mulf %parallel_loop3A_298, %parallel_loop3A_298 : vector<16xf32>
        %parallel_loop3A_318 = arith.mulf %parallel_loop3A_299, %parallel_loop3A_316 : vector<16xf32>
        %parallel_loop3A_319 = arith.mulf %parallel_loop3A_300, %parallel_loop3A_317 : vector<16xf32>
        %parallel_loop3A_320 = arith.mulf %parallel_loop3A_288, %parallel_loop3A_304 : vector<16xf32>
        %parallel_loop3A_321 = arith.addf %parallel_loop3A_319, %parallel_loop3A_320 : vector<16xf32>
        %parallel_loop3A_322 = arith.mulf %parallel_loop3A_318, %parallel_loop3A_321 : vector<16xf32>
        %parallel_loop3A_323 = arith.addf %parallel_loop3A_283, %parallel_loop3A_322 : vector<16xf32>
        %parallel_loop3A_324 = arith.mulf %parallel_loop3A_307, %parallel_loop3A_307 : vector<16xf32>
        %parallel_loop3A_325 = arith.mulf %parallel_loop3A_288, %parallel_loop3A_324 : vector<16xf32>
        %parallel_loop3A_326 = arith.mulf %parallel_loop3A_292, %parallel_loop3A_317 : vector<16xf32>
        %parallel_loop3A_327 = arith.addf %parallel_loop3A_326, %parallel_loop3A_309 : vector<16xf32>
        %parallel_loop3A_328 = arith.addf %parallel_loop3A_325, %parallel_loop3A_327 : vector<16xf32>
        %parallel_loop3A_329 = arith.mulf %parallel_loop3A_300, %parallel_loop3A_316 : vector<16xf32>
        %parallel_loop3A_330 = arith.mulf %parallel_loop3A_329, %parallel_loop3A_329 : vector<16xf32>
        %parallel_loop3A_331 = arith.mulf %parallel_loop3A_330, %parallel_loop3A_328 : vector<16xf32>
        %parallel_loop3A_332 = tpu.bitcast %parallel_loop3A_331 : vector<16xf32> -> vector<16xi32>
        %parallel_loop3A_333 = arith.constant 23 : i32
        %parallel_loop3A_334 = vector.broadcast %parallel_loop3A_333 : i32 to vector<16xi32>
        %parallel_loop3A_335 = arith.shrsi %parallel_loop3A_332, %parallel_loop3A_334 : vector<16xi32>
        %parallel_loop3A_336 = arith.constant 127 : i32
        %parallel_loop3A_337 = vector.broadcast %parallel_loop3A_336 : i32 to vector<16xi32>
        %parallel_loop3A_338 = arith.subi %parallel_loop3A_335, %parallel_loop3A_337 : vector<16xi32>
        %parallel_loop3A_339 = arith.constant 8388607 : i32
        %parallel_loop3A_340 = vector.broadcast %parallel_loop3A_339 : i32 to vector<16xi32>
        %parallel_loop3A_341 = arith.andi %parallel_loop3A_332, %parallel_loop3A_340 : vector<16xi32>
        %parallel_loop3A_342 = arith.constant 1065353216 : i32
        %parallel_loop3A_343 = vector.broadcast %parallel_loop3A_342 : i32 to vector<16xi32>
        %parallel_loop3A_344 = arith.ori %parallel_loop3A_341, %parallel_loop3A_343 : vector<16xi32>
        %parallel_loop3A_345 = tpu.bitcast %parallel_loop3A_344 : vector<16xi32> -> vector<16xf32>
        %parallel_loop3A_346 = arith.constant 1.000000e+00 : f32
        %parallel_loop3A_347 = vector.broadcast %parallel_loop3A_346 : f32 to vector<16xf32>
        %parallel_loop3A_348 = arith.subf %parallel_loop3A_345, %parallel_loop3A_347 : vector<16xf32>
        %parallel_loop3A_349 = arith.constant -0.00607477315 : f32
        %parallel_loop3A_350 = vector.broadcast %parallel_loop3A_349 : f32 to vector<16xf32>
        %parallel_loop3A_351 = arith.mulf %parallel_loop3A_350, %parallel_loop3A_348 : vector<16xf32>
        %parallel_loop3A_352 = arith.constant 0.0344180241 : f32
        %parallel_loop3A_353 = vector.broadcast %parallel_loop3A_352 : f32 to vector<16xf32>
        %parallel_loop3A_354 = arith.addf %parallel_loop3A_351, %parallel_loop3A_353 : vector<16xf32>
        %parallel_loop3A_355 = arith.mulf %parallel_loop3A_354, %parallel_loop3A_348 : vector<16xf32>
        %parallel_loop3A_356 = arith.constant -0.092312552 : f32
        %parallel_loop3A_357 = vector.broadcast %parallel_loop3A_356 : f32 to vector<16xf32>
        %parallel_loop3A_358 = arith.addf %parallel_loop3A_355, %parallel_loop3A_357 : vector<16xf32>
        %parallel_loop3A_359 = arith.mulf %parallel_loop3A_358, %parallel_loop3A_348 : vector<16xf32>
        %parallel_loop3A_360 = arith.constant 0.164782152 : f32
        %parallel_loop3A_361 = vector.broadcast %parallel_loop3A_360 : f32 to vector<16xf32>
        %parallel_loop3A_362 = arith.addf %parallel_loop3A_359, %parallel_loop3A_361 : vector<16xf32>
        %parallel_loop3A_363 = arith.mulf %parallel_loop3A_362, %parallel_loop3A_348 : vector<16xf32>
        %parallel_loop3A_364 = arith.constant -0.239189893 : f32
        %parallel_loop3A_365 = vector.broadcast %parallel_loop3A_364 : f32 to vector<16xf32>
        %parallel_loop3A_366 = arith.addf %parallel_loop3A_363, %parallel_loop3A_365 : vector<16xf32>
        %parallel_loop3A_367 = arith.mulf %parallel_loop3A_366, %parallel_loop3A_348 : vector<16xf32>
        %parallel_loop3A_368 = arith.constant 0.331333727 : f32
        %parallel_loop3A_369 = vector.broadcast %parallel_loop3A_368 : f32 to vector<16xf32>
        %parallel_loop3A_370 = arith.addf %parallel_loop3A_367, %parallel_loop3A_369 : vector<16xf32>
        %parallel_loop3A_371 = arith.mulf %parallel_loop3A_370, %parallel_loop3A_348 : vector<16xf32>
        %parallel_loop3A_372 = arith.constant -0.499801099 : f32
        %parallel_loop3A_373 = vector.broadcast %parallel_loop3A_372 : f32 to vector<16xf32>
        %parallel_loop3A_374 = arith.addf %parallel_loop3A_371, %parallel_loop3A_373 : vector<16xf32>
        %parallel_loop3A_375 = arith.mulf %parallel_loop3A_374, %parallel_loop3A_348 : vector<16xf32>
        %parallel_loop3A_376 = arith.constant 0.999991476 : f32
        %parallel_loop3A_377 = vector.broadcast %parallel_loop3A_376 : f32 to vector<16xf32>
        %parallel_loop3A_378 = arith.addf %parallel_loop3A_375, %parallel_loop3A_377 : vector<16xf32>
        %parallel_loop3A_379 = arith.mulf %parallel_loop3A_378, %parallel_loop3A_348 : vector<16xf32>
        %parallel_loop3A_380 = arith.constant 9.09649102E-8 : f32
        %parallel_loop3A_381 = vector.broadcast %parallel_loop3A_380 : f32 to vector<16xf32>
        %parallel_loop3A_382 = arith.addf %parallel_loop3A_379, %parallel_loop3A_381 : vector<16xf32>
        %parallel_loop3A_383 = arith.sitofp %parallel_loop3A_338 : vector<16xi32> to vector<16xf32>
        %parallel_loop3A_384 = arith.constant 0.693147182 : f32
        %parallel_loop3A_385 = vector.broadcast %parallel_loop3A_384 : f32 to vector<16xf32>
        %parallel_loop3A_386 = arith.mulf %parallel_loop3A_383, %parallel_loop3A_385 : vector<16xf32>
        %parallel_loop3A_387 = arith.addf %parallel_loop3A_386, %parallel_loop3A_382 : vector<16xf32>
        %parallel_loop3A_388 = arith.mulf %parallel_loop3A_229, %parallel_loop3A_190 : vector<16xf32>
        %parallel_loop3A_389 = arith.addf %parallel_loop3A_194, %parallel_loop3A_388 : vector<16xf32>
        %parallel_loop3A_390 = arith.mulf %parallel_loop3A_229, %parallel_loop3A_198 : vector<16xf32>
        %parallel_loop3A_391 = arith.addf %parallel_loop3A_202, %parallel_loop3A_390 : vector<16xf32>
        %parallel_loop3A_392 = arith.cmpf olt, %parallel_loop3A_182, %parallel_loop3A_229 : vector<16xf32>
        %parallel_loop3A_393 = arith.constant dense<true> : vector<16xi1>
        %parallel_loop3A_394 = arith.xori %parallel_loop3A_392, %parallel_loop3A_393 : vector<16xi1>
        %parallel_loop3A_395 = arith.cmpf olt, %parallel_loop3A_186, %parallel_loop3A_229 : vector<16xf32>
        %parallel_loop3A_396 = arith.select %parallel_loop3A_395, %parallel_loop3A_391, %parallel_loop3A_323 : vector<16xi1>, vector<16xf32>
        %parallel_loop3A_397 = arith.select %parallel_loop3A_394, %parallel_loop3A_389, %parallel_loop3A_396 : vector<16xi1>, vector<16xf32>
        %parallel_loop3A_398 = arith.select %parallel_loop3A_395, %parallel_loop3A_210, %parallel_loop3A_387 : vector<16xi1>, vector<16xf32>
        %parallel_loop3A_399 = arith.select %parallel_loop3A_394, %parallel_loop3A_206, %parallel_loop3A_398 : vector<16xi1>, vector<16xf32>
        %parallel_loop3A_400 = arith.constant 0 : i32
        %parallel_loop3A_401 = arith.constant 0 : i32
        %parallel_loop3A_402 = tpu.memref_slice %arg8[%and3A_111, %parallel_loop3A_400, %parallel_loop3A_401] : memref<2x16x512xf32, #tpu.memory_space<vmem>> -> memref<1x16x512xf32, #tpu.memory_space<vmem>>
        %parallel_loop3A_403 = tpu.memref_squeeze %parallel_loop3A_402 : memref<1x16x512xf32, #tpu.memory_space<vmem>> -> memref<16x512xf32, #tpu.memory_space<vmem>>
        %parallel_loop3A_404 = arith.index_cast %parallel_loop3A_169 : i32 to index
        %parallel_loop3A_405 = arith.index_cast %parallel_loop3A_174 : i32 to index
        %parallel_loop3A_406 = tpu.vector_load %parallel_loop3A_403[%parallel_loop3A_404, %parallel_loop3A_405] {strides = array<i32>} : memref<16x512xf32, #tpu.memory_space<vmem>>, vector<16xf32>,
        tpu.vector_store %parallel_loop3A_403[%parallel_loop3A_404, %parallel_loop3A_405], %parallel_loop3A_397 {strides = array<i32>} : memref<16x512xf32, #tpu.memory_space<vmem>>, vector<16xf32>,
        %parallel_loop3A_407 = arith.constant 0 : i32
        %parallel_loop3A_408 = arith.constant 0 : i32
        %parallel_loop3A_409 = tpu.memref_slice %arg9[%and3A_111, %parallel_loop3A_407, %parallel_loop3A_408] : memref<2x16x512xf32, #tpu.memory_space<vmem>> -> memref<1x16x512xf32, #tpu.memory_space<vmem>>
        %parallel_loop3A_410 = tpu.memref_squeeze %parallel_loop3A_409 : memref<1x16x512xf32, #tpu.memory_space<vmem>> -> memref<16x512xf32, #tpu.memory_space<vmem>>
        %parallel_loop3A_411 = arith.index_cast %parallel_loop3A_169 : i32 to index
        %parallel_loop3A_412 = arith.index_cast %parallel_loop3A_174 : i32 to index
        %parallel_loop3A_413 = tpu.vector_load %parallel_loop3A_410[%parallel_loop3A_411, %parallel_loop3A_412] {strides = array<i32>} : memref<16x512xf32, #tpu.memory_space<vmem>>, vector<16xf32>,
        tpu.vector_store %parallel_loop3A_410[%parallel_loop3A_411, %parallel_loop3A_412], %parallel_loop3A_399 {strides = array<i32>} : memref<16x512xf32, #tpu.memory_space<vmem>>, vector<16xf32>,
      } {sc.loop_unroll_factor = 16 : i64, sc.parallel_access}
      %dma_start3A_133 = arith.constant 0 : i32
      %dma_start3A_134 = arith.constant 0 : i32
      %dma_start3A_135 = tpu.memref_slice %arg8[%and3A_111, %dma_start3A_133, %dma_start3A_134] : memref<2x16x512xf32, #tpu.memory_space<vmem>> -> memref<1x16x512xf32, #tpu.memory_space<vmem>>
      %dma_start3A_136 = tpu.memref_squeeze %dma_start3A_135 : memref<1x16x512xf32, #tpu.memory_space<vmem>> -> memref<16x512xf32, #tpu.memory_space<vmem>>
      %dma_start3A_137 = arith.constant 0 : i32
      %dma_start3A_138 = tpu.memref_slice %arg4[%dma_start3A_137, %add3A_114] : memref<16x1000000xf32, #tpu.memory_space<hbm>> -> memref<16x512xf32, #tpu.memory_space<hbm>>
      %dma_start3A_139 = tpu.memref_slice %arg11[%and3A_111] : memref<2x!tpu.dma_semaphore, #tpu.memory_space<semaphore_mem>> -> memref<1x!tpu.dma_semaphore, #tpu.memory_space<semaphore_mem>>
      %dma_start3A_140 = tpu.memref_squeeze %dma_start3A_139 : memref<1x!tpu.dma_semaphore, #tpu.memory_space<semaphore_mem>> -> memref<!tpu.dma_semaphore, #tpu.memory_space<semaphore_mem>>
      %dma_start3A_141 = arith.constant 0 : i32
      %dma_start3A_142 = tpu.memref_slice %arg4[%dma_start3A_141, %add3A_114] : memref<16x1000000xf32, #tpu.memory_space<hbm>> -> memref<16x512xf32, #tpu.memory_space<hbm>>
      %dma_start3A_143 = arith.constant 0 : i32
      %dma_start3A_144 = arith.constant 0 : i32
      %dma_start3A_145 = tpu.memref_slice %arg8[%and3A_111, %dma_start3A_143, %dma_start3A_144] : memref<2x16x512xf32, #tpu.memory_space<vmem>> -> memref<1x16x512xf32, #tpu.memory_space<vmem>>
      %dma_start3A_146 = tpu.memref_squeeze %dma_start3A_145 : memref<1x16x512xf32, #tpu.memory_space<vmem>> -> memref<16x512xf32, #tpu.memory_space<vmem>>
      tpu.enqueue_dma source(%dma_start3A_146 : memref<16x512xf32, #tpu.memory_space<vmem>>) target(%dma_start3A_142 : memref<16x512xf32, #tpu.memory_space<hbm>>) target_semaphore(%dma_start3A_140 : memref<!tpu.dma_semaphore, #tpu.memory_space<semaphore_mem>>)
      %dma_start3A_147 = arith.constant 0 : i32
      %dma_start3A_148 = arith.constant 0 : i32
      %dma_start3A_149 = tpu.memref_slice %arg9[%and3A_111, %dma_start3A_147, %dma_start3A_148] : memref<2x16x512xf32, #tpu.memory_space<vmem>> -> memref<1x16x512xf32, #tpu.memory_space<vmem>>
      %dma_start3A_150 = tpu.memref_squeeze %dma_start3A_149 : memref<1x16x512xf32, #tpu.memory_space<vmem>> -> memref<16x512xf32, #tpu.memory_space<vmem>>
      %dma_start3A_151 = arith.constant 0 : i32
      %dma_start3A_152 = tpu.memref_slice %arg5[%dma_start3A_151, %add3A_114] : memref<16x1000000xf32, #tpu.memory_space<hbm>> -> memref<16x512xf32, #tpu.memory_space<hbm>>
      %dma_start3A_153 = tpu.memref_slice %arg12[%and3A_111] : memref<2x!tpu.dma_semaphore, #tpu.memory_space<semaphore_mem>> -> memref<1x!tpu.dma_semaphore, #tpu.memory_space<semaphore_mem>>
      %dma_start3A_154 = tpu.memref_squeeze %dma_start3A_153 : memref<1x!tpu.dma_semaphore, #tpu.memory_space<semaphore_mem>> -> memref<!tpu.dma_semaphore, #tpu.memory_space<semaphore_mem>>
      %dma_start3A_155 = arith.constant 0 : i32
      %dma_start3A_156 = tpu.memref_slice %arg5[%dma_start3A_155, %add3A_114] : memref<16x1000000xf32, #tpu.memory_space<hbm>> -> memref<16x512xf32, #tpu.memory_space<hbm>>
      %dma_start3A_157 = arith.constant 0 : i32
      %dma_start3A_158 = arith.constant 0 : i32
      %dma_start3A_159 = tpu.memref_slice %arg9[%and3A_111, %dma_start3A_157, %dma_start3A_158] : memref<2x16x512xf32, #tpu.memory_space<vmem>> -> memref<1x16x512xf32, #tpu.memory_space<vmem>>
      %dma_start3A_160 = tpu.memref_squeeze %dma_start3A_159 : memref<1x16x512xf32, #tpu.memory_space<vmem>> -> memref<16x512xf32, #tpu.memory_space<vmem>>
      tpu.enqueue_dma source(%dma_start3A_160 : memref<16x512xf32, #tpu.memory_space<vmem>>) target(%dma_start3A_156 : memref<16x512xf32, #tpu.memory_space<hbm>>) target_semaphore(%dma_start3A_154 : memref<!tpu.dma_semaphore, #tpu.memory_space<semaphore_mem>>)
      %add3A_161 = arith.constant 2 : i32
      %add3A_162 = arith.addi %scan3A_110, %add3A_161 : i32
      %lt3A = arith.constant 41 : i32
      %lt3A_163 = arith.cmpi slt, %add3A_162, %lt3A : i32
      %convert_element_type3A_164 = arith.extui %lt3A_163 : i1 to i32
      %cond3A_165 = arith.constant 0 : i32
      %cond3A_166 = arith.cmpi ne, %convert_element_type3A_164, %cond3A_165 : i32
      scf.if %cond3A_166 {
        %add3A_167 = arith.constant 2 : i32
        %add3A_168 = arith.addi %scan3A_110, %add3A_167 : i32
        %and3A_169 = arith.constant 1 : i32
        %and3A_170 = arith.andi %add3A_168, %and3A_169 : i32
        %mul3A_171 = arith.constant 512 : i32
        %mul3A_172 = arith.muli %add3A_168, %mul3A_171 : i32
        %add3A_173 = arith.addi %mul3A_2, %mul3A_172 : i32
        %dma_start3A_174 = arith.constant 0 : i32
        %dma_start3A_175 = arith.constant 0 : i32
        %dma_start3A_176 = tpu.memref_slice %arg7[%and3A_170, %dma_start3A_174, %dma_start3A_175] : memref<2x16x512xf32, #tpu.memory_space<vmem>> -> memref<1x16x512xf32, #tpu.memory_space<vmem>>
        %dma_start3A_177 = tpu.memref_squeeze %dma_start3A_176 : memref<1x16x512xf32, #tpu.memory_space<vmem>> -> memref<16x512xf32, #tpu.memory_space<vmem>>
        %dma_start3A_178 = arith.constant 0 : i32
        %dma_start3A_179 = tpu.memref_slice %arg2[%dma_start3A_178, %add3A_173] : memref<16x1000000xf32, #tpu.memory_space<hbm>> -> memref<16x512xf32, #tpu.memory_space<hbm>>
        %dma_start3A_180 = tpu.memref_slice %arg10[%and3A_170] : memref<2x!tpu.dma_semaphore, #tpu.memory_space<semaphore_mem>> -> memref<1x!tpu.dma_semaphore, #tpu.memory_space<semaphore_mem>>
        %dma_start3A_181 = tpu.memref_squeeze %dma_start3A_180 : memref<1x!tpu.dma_semaphore, #tpu.memory_space<semaphore_mem>> -> memref<!tpu.dma_semaphore, #tpu.memory_space<semaphore_mem>>
        %dma_start3A_182 = arith.constant 0 : i32
        %dma_start3A_183 = arith.constant 0 : i32
        %dma_start3A_184 = tpu.memref_slice %arg7[%and3A_170, %dma_start3A_182, %dma_start3A_183] : memref<2x16x512xf32, #tpu.memory_space<vmem>> -> memref<1x16x512xf32, #tpu.memory_space<vmem>>
        %dma_start3A_185 = tpu.memref_squeeze %dma_start3A_184 : memref<1x16x512xf32, #tpu.memory_space<vmem>> -> memref<16x512xf32, #tpu.memory_space<vmem>>
        %dma_start3A_186 = arith.constant 0 : i32
        %dma_start3A_187 = tpu.memref_slice %arg2[%dma_start3A_186, %add3A_173] : memref<16x1000000xf32, #tpu.memory_space<hbm>> -> memref<16x512xf32, #tpu.memory_space<hbm>>
        tpu.enqueue_dma source(%dma_start3A_187 : memref<16x512xf32, #tpu.memory_space<hbm>>) target(%dma_start3A_185 : memref<16x512xf32, #tpu.memory_space<vmem>>) target_semaphore(%dma_start3A_181 : memref<!tpu.dma_semaphore, #tpu.memory_space<semaphore_mem>>)
      } else {
      }
    }
    %scan3A_42 = arith.constant 41 : i32
    %add3A_43 = arith.constant 19968 : i32
    %add3A_44 = arith.addi %mul3A_2, %add3A_43 : i32
    %dma_wait3A = arith.constant 1 : i32
    %dma_wait3A_45 = arith.constant 1 : i32
    %dma_wait3A_46 = arith.constant 0 : i32
    %dma_wait3A_47 = arith.constant 0 : i32
    %dma_wait3A_48 = tpu.memref_slice %arg8[%dma_wait3A, %dma_wait3A_46, %dma_wait3A_47] : memref<2x16x512xf32, #tpu.memory_space<vmem>> -> memref<1x16x512xf32, #tpu.memory_space<vmem>>
    %dma_wait3A_49 = tpu.memref_squeeze %dma_wait3A_48 : memref<1x16x512xf32, #tpu.memory_space<vmem>> -> memref<16x512xf32, #tpu.memory_space<vmem>>
    %dma_wait3A_50 = arith.constant 0 : i32
    %dma_wait3A_51 = tpu.memref_slice %arg4[%dma_wait3A_50, %add3A_44] : memref<16x1000000xf32, #tpu.memory_space<hbm>> -> memref<16x512xf32, #tpu.memory_space<hbm>>
    %dma_wait3A_52 = tpu.memref_slice %arg11[%dma_wait3A_45] : memref<2x!tpu.dma_semaphore, #tpu.memory_space<semaphore_mem>> -> memref<1x!tpu.dma_semaphore, #tpu.memory_space<semaphore_mem>>
    %dma_wait3A_53 = tpu.memref_squeeze %dma_wait3A_52 : memref<1x!tpu.dma_semaphore, #tpu.memory_space<semaphore_mem>> -> memref<!tpu.dma_semaphore, #tpu.memory_space<semaphore_mem>>
    %dma_wait3A_54 = arith.constant 0 : i32
    %dma_wait3A_55 = tpu.memref_slice %arg4[%dma_wait3A_54, %add3A_44] : memref<16x1000000xf32, #tpu.memory_space<hbm>> -> memref<16x512xf32, #tpu.memory_space<hbm>>
    %dma_wait3A_56 = arith.constant 0 : i32
    %dma_wait3A_57 = arith.constant 0 : i32
    %dma_wait3A_58 = tpu.memref_slice %arg8[%dma_wait3A, %dma_wait3A_56, %dma_wait3A_57] : memref<2x16x512xf32, #tpu.memory_space<vmem>> -> memref<1x16x512xf32, #tpu.memory_space<vmem>>
    %dma_wait3A_59 = tpu.memref_squeeze %dma_wait3A_58 : memref<1x16x512xf32, #tpu.memory_space<vmem>> -> memref<16x512xf32, #tpu.memory_space<vmem>>
    tpu.wait_dma2 semaphore(%dma_wait3A_53 : memref<!tpu.dma_semaphore, #tpu.memory_space<semaphore_mem>>) src(%dma_wait3A_59 : memref<16x512xf32, #tpu.memory_space<vmem>>) dst(%dma_wait3A_55 : memref<16x512xf32, #tpu.memory_space<hbm>>)
    %dma_wait3A_60 = arith.constant 1 : i32
    %dma_wait3A_61 = arith.constant 1 : i32
    %dma_wait3A_62 = arith.constant 0 : i32
    %dma_wait3A_63 = arith.constant 0 : i32
    %dma_wait3A_64 = tpu.memref_slice %arg9[%dma_wait3A_60, %dma_wait3A_62, %dma_wait3A_63] : memref<2x16x512xf32, #tpu.memory_space<vmem>> -> memref<1x16x512xf32, #tpu.memory_space<vmem>>
    %dma_wait3A_65 = tpu.memref_squeeze %dma_wait3A_64 : memref<1x16x512xf32, #tpu.memory_space<vmem>> -> memref<16x512xf32, #tpu.memory_space<vmem>>
    %dma_wait3A_66 = arith.constant 0 : i32
    %dma_wait3A_67 = tpu.memref_slice %arg5[%dma_wait3A_66, %add3A_44] : memref<16x1000000xf32, #tpu.memory_space<hbm>> -> memref<16x512xf32, #tpu.memory_space<hbm>>
    %dma_wait3A_68 = tpu.memref_slice %arg12[%dma_wait3A_61] : memref<2x!tpu.dma_semaphore, #tpu.memory_space<semaphore_mem>> -> memref<1x!tpu.dma_semaphore, #tpu.memory_space<semaphore_mem>>
    %dma_wait3A_69 = tpu.memref_squeeze %dma_wait3A_68 : memref<1x!tpu.dma_semaphore, #tpu.memory_space<semaphore_mem>> -> memref<!tpu.dma_semaphore, #tpu.memory_space<semaphore_mem>>
    %dma_wait3A_70 = arith.constant 0 : i32
    %dma_wait3A_71 = tpu.memref_slice %arg5[%dma_wait3A_70, %add3A_44] : memref<16x1000000xf32, #tpu.memory_space<hbm>> -> memref<16x512xf32, #tpu.memory_space<hbm>>
    %dma_wait3A_72 = arith.constant 0 : i32
    %dma_wait3A_73 = arith.constant 0 : i32
    %dma_wait3A_74 = tpu.memref_slice %arg9[%dma_wait3A_60, %dma_wait3A_72, %dma_wait3A_73] : memref<2x16x512xf32, #tpu.memory_space<vmem>> -> memref<1x16x512xf32, #tpu.memory_space<vmem>>
    %dma_wait3A_75 = tpu.memref_squeeze %dma_wait3A_74 : memref<1x16x512xf32, #tpu.memory_space<vmem>> -> memref<16x512xf32, #tpu.memory_space<vmem>>
    tpu.wait_dma2 semaphore(%dma_wait3A_69 : memref<!tpu.dma_semaphore, #tpu.memory_space<semaphore_mem>>) src(%dma_wait3A_75 : memref<16x512xf32, #tpu.memory_space<vmem>>) dst(%dma_wait3A_71 : memref<16x512xf32, #tpu.memory_space<hbm>>)
    %add3A_76 = arith.constant 20480 : i32
    %add3A_77 = arith.addi %mul3A_2, %add3A_76 : i32
    %dma_wait3A_78 = arith.constant 0 : i32
    %dma_wait3A_79 = arith.constant 0 : i32
    %dma_wait3A_80 = arith.constant 0 : i32
    %dma_wait3A_81 = arith.constant 0 : i32
    %dma_wait3A_82 = tpu.memref_slice %arg8[%dma_wait3A_78, %dma_wait3A_80, %dma_wait3A_81] : memref<2x16x512xf32, #tpu.memory_space<vmem>> -> memref<1x16x512xf32, #tpu.memory_space<vmem>>
    %dma_wait3A_83 = tpu.memref_squeeze %dma_wait3A_82 : memref<1x16x512xf32, #tpu.memory_space<vmem>> -> memref<16x512xf32, #tpu.memory_space<vmem>>
    %dma_wait3A_84 = arith.constant 0 : i32
    %dma_wait3A_85 = tpu.memref_slice %arg4[%dma_wait3A_84, %add3A_77] : memref<16x1000000xf32, #tpu.memory_space<hbm>> -> memref<16x512xf32, #tpu.memory_space<hbm>>
    %dma_wait3A_86 = tpu.memref_slice %arg11[%dma_wait3A_79] : memref<2x!tpu.dma_semaphore, #tpu.memory_space<semaphore_mem>> -> memref<1x!tpu.dma_semaphore, #tpu.memory_space<semaphore_mem>>
    %dma_wait3A_87 = tpu.memref_squeeze %dma_wait3A_86 : memref<1x!tpu.dma_semaphore, #tpu.memory_space<semaphore_mem>> -> memref<!tpu.dma_semaphore, #tpu.memory_space<semaphore_mem>>
    %dma_wait3A_88 = arith.constant 0 : i32
    %dma_wait3A_89 = tpu.memref_slice %arg4[%dma_wait3A_88, %add3A_77] : memref<16x1000000xf32, #tpu.memory_space<hbm>> -> memref<16x512xf32, #tpu.memory_space<hbm>>
    %dma_wait3A_90 = arith.constant 0 : i32
    %dma_wait3A_91 = arith.constant 0 : i32
    %dma_wait3A_92 = tpu.memref_slice %arg8[%dma_wait3A_78, %dma_wait3A_90, %dma_wait3A_91] : memref<2x16x512xf32, #tpu.memory_space<vmem>> -> memref<1x16x512xf32, #tpu.memory_space<vmem>>
    %dma_wait3A_93 = tpu.memref_squeeze %dma_wait3A_92 : memref<1x16x512xf32, #tpu.memory_space<vmem>> -> memref<16x512xf32, #tpu.memory_space<vmem>>
    tpu.wait_dma2 semaphore(%dma_wait3A_87 : memref<!tpu.dma_semaphore, #tpu.memory_space<semaphore_mem>>) src(%dma_wait3A_93 : memref<16x512xf32, #tpu.memory_space<vmem>>) dst(%dma_wait3A_89 : memref<16x512xf32, #tpu.memory_space<hbm>>)
    %dma_wait3A_94 = arith.constant 0 : i32
    %dma_wait3A_95 = arith.constant 0 : i32
    %dma_wait3A_96 = arith.constant 0 : i32
    %dma_wait3A_97 = arith.constant 0 : i32
    %dma_wait3A_98 = tpu.memref_slice %arg9[%dma_wait3A_94, %dma_wait3A_96, %dma_wait3A_97] : memref<2x16x512xf32, #tpu.memory_space<vmem>> -> memref<1x16x512xf32, #tpu.memory_space<vmem>>
    %dma_wait3A_99 = tpu.memref_squeeze %dma_wait3A_98 : memref<1x16x512xf32, #tpu.memory_space<vmem>> -> memref<16x512xf32, #tpu.memory_space<vmem>>
    %dma_wait3A_100 = arith.constant 0 : i32
    %dma_wait3A_101 = tpu.memref_slice %arg5[%dma_wait3A_100, %add3A_77] : memref<16x1000000xf32, #tpu.memory_space<hbm>> -> memref<16x512xf32, #tpu.memory_space<hbm>>
    %dma_wait3A_102 = tpu.memref_slice %arg12[%dma_wait3A_95] : memref<2x!tpu.dma_semaphore, #tpu.memory_space<semaphore_mem>> -> memref<1x!tpu.dma_semaphore, #tpu.memory_space<semaphore_mem>>
    %dma_wait3A_103 = tpu.memref_squeeze %dma_wait3A_102 : memref<1x!tpu.dma_semaphore, #tpu.memory_space<semaphore_mem>> -> memref<!tpu.dma_semaphore, #tpu.memory_space<semaphore_mem>>
    %dma_wait3A_104 = arith.constant 0 : i32
    %dma_wait3A_105 = tpu.memref_slice %arg5[%dma_wait3A_104, %add3A_77] : memref<16x1000000xf32, #tpu.memory_space<hbm>> -> memref<16x512xf32, #tpu.memory_space<hbm>>
    %dma_wait3A_106 = arith.constant 0 : i32
    %dma_wait3A_107 = arith.constant 0 : i32
    %dma_wait3A_108 = tpu.memref_slice %arg9[%dma_wait3A_94, %dma_wait3A_106, %dma_wait3A_107] : memref<2x16x512xf32, #tpu.memory_space<vmem>> -> memref<1x16x512xf32, #tpu.memory_space<vmem>>
    %dma_wait3A_109 = tpu.memref_squeeze %dma_wait3A_108 : memref<1x16x512xf32, #tpu.memory_space<vmem>> -> memref<16x512xf32, #tpu.memory_space<vmem>>
    tpu.wait_dma2 semaphore(%dma_wait3A_103 : memref<!tpu.dma_semaphore, #tpu.memory_space<semaphore_mem>>) src(%dma_wait3A_109 : memref<16x512xf32, #tpu.memory_space<vmem>>) dst(%dma_wait3A_105 : memref<16x512xf32, #tpu.memory_space<hbm>>)
    return
  }
}

module attributes {stable_mosaic.version = 14 : i64} {
  func.func @_tc_body(%arg0: i32, %arg1: memref<16x32xf32, #tpu.memory_space<vmem>>, %arg2: memref<16x32xf32, #tpu.memory_space<vmem>>, %arg3: memref<16x32xf32, #tpu.memory_space<vmem>>, %arg4: memref<16x2xf32, #tpu.memory_space<vmem>>, %arg5: memref<16x32xf32, #tpu.memory_space<vmem>>, %arg6: memref<16x32xf32, #tpu.memory_space<vmem>>, %arg7: memref<16x32xf32, #tpu.memory_space<vmem>>, %arg8: memref<16x2048xf32, #tpu.memory_space<vmem>>, %arg9: memref<16x2048xf32, #tpu.memory_space<vmem>>, %arg10: memref<16x2048xf32, #tpu.memory_space<vmem>>) attributes {dimension_semantics = [#tpu.dimension_semantics<arbitrary>], iteration_bounds = array<i64: 161>, scalar_prefetch = 0 : i64, scratch_operands = 0 : i64, tpu.core_type = #tpu.core_type<tc>, window_params = [{pipeline_mode = #tpu.pipeline_mode<synchronous>, transform_indices = @transform_0, window_bounds = array<i64: 16, 32>}, {pipeline_mode = #tpu.pipeline_mode<synchronous>, transform_indices = @transform_1, window_bounds = array<i64: 16, 32>}, {pipeline_mode = #tpu.pipeline_mode<synchronous>, transform_indices = @transform_2, window_bounds = array<i64: 16, 32>}, {pipeline_mode = #tpu.pipeline_mode<synchronous>, transform_indices = @transform_3, window_bounds = array<i64: 16, 2>}, {pipeline_mode = #tpu.pipeline_mode<synchronous>, transform_indices = @transform_4, window_bounds = array<i64: 16, 32>}, {pipeline_mode = #tpu.pipeline_mode<synchronous>, transform_indices = @transform_5, window_bounds = array<i64: 16, 32>}, {pipeline_mode = #tpu.pipeline_mode<synchronous>, transform_indices = @transform_6, window_bounds = array<i64: 16, 32>}, {transform_indices = @transform_7, window_bounds = array<i64: 16, 2048>}, {transform_indices = @transform_8, window_bounds = array<i64: 16, 2048>}, {transform_indices = @transform_9, window_bounds = array<i64: 16, 2048>}]} {
    %get3A = arith.constant 0 : index
    %get3A_0 = arith.constant 0 : index
    %get3A_1 = vector.load %arg8[%get3A, %get3A_0] : memref<16x2048xf32, #tpu.memory_space<vmem>>, vector<16x2048xf32>
    %get3A_2 = arith.constant 0 : index
    %get3A_3 = arith.constant 0 : index
    %get3A_4 = vector.load %arg1[%get3A_2, %get3A_3] : memref<16x32xf32, #tpu.memory_space<vmem>>, vector<16x32xf32>
    %get3A_5 = arith.constant 0 : index
    %get3A_6 = arith.constant 0 : index
    %get3A_7 = vector.load %arg2[%get3A_5, %get3A_6] : memref<16x32xf32, #tpu.memory_space<vmem>>, vector<16x32xf32>
    %get3A_8 = arith.constant 0 : index
    %get3A_9 = arith.constant 0 : index
    %get3A_10 = vector.load %arg3[%get3A_8, %get3A_9] : memref<16x32xf32, #tpu.memory_space<vmem>>, vector<16x32xf32>
    %get3A_11 = arith.constant 0 : index
    %get3A_12 = arith.constant 0 : index
    %get3A_13 = vector.load %arg4[%get3A_11, %get3A_12] : memref<16x2xf32, #tpu.memory_space<vmem>>, vector<16x2xf32>
    %get3A_14 = arith.constant 0 : index
    %get3A_15 = arith.constant 0 : index
    %get3A_16 = vector.load %arg5[%get3A_14, %get3A_15] : memref<16x32xf32, #tpu.memory_space<vmem>>, vector<16x32xf32>
    %get3A_17 = arith.constant 0 : index
    %get3A_18 = arith.constant 0 : index
    %get3A_19 = vector.load %arg6[%get3A_17, %get3A_18] : memref<16x32xf32, #tpu.memory_space<vmem>>, vector<16x32xf32>
    %get3A_20 = arith.constant 0 : index
    %get3A_21 = arith.constant 0 : index
    %get3A_22 = vector.load %arg7[%get3A_20, %get3A_21] : memref<16x32xf32, #tpu.memory_space<vmem>>, vector<16x32xf32>
    %slice3A = vector.extract_strided_slice %get3A_4 {offsets = [0, 0], sizes = [16, 1], strides = [1, 1]} : vector<16x32xf32> to vector<16x1xf32>
    %broadcast_in_dim3A = vector.shape_cast %slice3A : vector<16x1xf32> to vector<16x1xf32>
    %broadcast_in_dim3A_23 = vector.broadcast %broadcast_in_dim3A : vector<16x1xf32> to vector<16x2048xf32>
    %slice3A_24 = vector.extract_strided_slice %get3A_4 {offsets = [0, 1], sizes = [16, 1], strides = [1, 1]} : vector<16x32xf32> to vector<16x1xf32>
    %broadcast_in_dim3A_25 = vector.shape_cast %slice3A_24 : vector<16x1xf32> to vector<16x1xf32>
    %broadcast_in_dim3A_26 = vector.broadcast %broadcast_in_dim3A_25 : vector<16x1xf32> to vector<16x2048xf32>
    %slice3A_27 = vector.extract_strided_slice %get3A_7 {offsets = [0, 0], sizes = [16, 1], strides = [1, 1]} : vector<16x32xf32> to vector<16x1xf32>
    %broadcast_in_dim3A_28 = vector.shape_cast %slice3A_27 : vector<16x1xf32> to vector<16x1xf32>
    %broadcast_in_dim3A_29 = vector.broadcast %broadcast_in_dim3A_28 : vector<16x1xf32> to vector<16x2048xf32>
    %slice3A_30 = vector.extract_strided_slice %get3A_7 {offsets = [0, 1], sizes = [16, 1], strides = [1, 1]} : vector<16x32xf32> to vector<16x1xf32>
    %broadcast_in_dim3A_31 = vector.shape_cast %slice3A_30 : vector<16x1xf32> to vector<16x1xf32>
    %broadcast_in_dim3A_32 = vector.broadcast %broadcast_in_dim3A_31 : vector<16x1xf32> to vector<16x2048xf32>
    %slice3A_33 = vector.extract_strided_slice %get3A_10 {offsets = [0, 0], sizes = [16, 1], strides = [1, 1]} : vector<16x32xf32> to vector<16x1xf32>
    %broadcast_in_dim3A_34 = vector.shape_cast %slice3A_33 : vector<16x1xf32> to vector<16x1xf32>
    %broadcast_in_dim3A_35 = vector.broadcast %broadcast_in_dim3A_34 : vector<16x1xf32> to vector<16x2048xf32>
    %slice3A_36 = vector.extract_strided_slice %get3A_10 {offsets = [0, 1], sizes = [16, 1], strides = [1, 1]} : vector<16x32xf32> to vector<16x1xf32>
    %broadcast_in_dim3A_37 = vector.shape_cast %slice3A_36 : vector<16x1xf32> to vector<16x1xf32>
    %broadcast_in_dim3A_38 = vector.broadcast %broadcast_in_dim3A_37 : vector<16x1xf32> to vector<16x2048xf32>
    %slice3A_39 = vector.extract_strided_slice %get3A_4 {offsets = [0, 1], sizes = [16, 1], strides = [1, 1]} : vector<16x32xf32> to vector<16x1xf32>
    %lt3A = vector.broadcast %slice3A_39 : vector<16x1xf32> to vector<16x2048xf32>
    %lt3A_40 = arith.cmpf olt, %lt3A, %get3A_1 : vector<16x2048xf32>
    %jit3A = arith.constant 1.000000e+00 : f32
    %jit3A_41 = arith.constant 0.000000e+00 : f32
    %broadcast_in_dim3A_42 = vector.broadcast %jit3A : f32 to vector<16x2048xf32>
    %broadcast_in_dim3A_43 = vector.broadcast %jit3A_41 : f32 to vector<16x2048xf32>
    %select_n3A = arith.select %lt3A_40, %broadcast_in_dim3A_42, %broadcast_in_dim3A_43 : vector<16x2048xi1>, vector<16x2048xf32>
    %slice3A_44 = vector.extract_strided_slice %get3A_16 {offsets = [0, 1], sizes = [16, 1], strides = [1, 1]} : vector<16x32xf32> to vector<16x1xf32>
    %mul3A = vector.broadcast %slice3A_44 : vector<16x1xf32> to vector<16x2048xf32>
    %mul3A_45 = arith.mulf %select_n3A, %mul3A : vector<16x2048xf32>
    %add3A = arith.addf %broadcast_in_dim3A_23, %mul3A_45 : vector<16x2048xf32>
    %slice3A_46 = vector.extract_strided_slice %get3A_16 {offsets = [0, 2], sizes = [16, 1], strides = [1, 1]} : vector<16x32xf32> to vector<16x1xf32>
    %mul3A_47 = vector.broadcast %slice3A_46 : vector<16x1xf32> to vector<16x2048xf32>
    %mul3A_48 = arith.mulf %select_n3A, %mul3A_47 : vector<16x2048xf32>
    %add3A_49 = arith.addf %broadcast_in_dim3A_26, %mul3A_48 : vector<16x2048xf32>
    %slice3A_50 = vector.extract_strided_slice %get3A_19 {offsets = [0, 1], sizes = [16, 1], strides = [1, 1]} : vector<16x32xf32> to vector<16x1xf32>
    %mul3A_51 = vector.broadcast %slice3A_50 : vector<16x1xf32> to vector<16x2048xf32>
    %mul3A_52 = arith.mulf %select_n3A, %mul3A_51 : vector<16x2048xf32>
    %add3A_53 = arith.addf %broadcast_in_dim3A_29, %mul3A_52 : vector<16x2048xf32>
    %slice3A_54 = vector.extract_strided_slice %get3A_19 {offsets = [0, 2], sizes = [16, 1], strides = [1, 1]} : vector<16x32xf32> to vector<16x1xf32>
    %mul3A_55 = vector.broadcast %slice3A_54 : vector<16x1xf32> to vector<16x2048xf32>
    %mul3A_56 = arith.mulf %select_n3A, %mul3A_55 : vector<16x2048xf32>
    %add3A_57 = arith.addf %broadcast_in_dim3A_32, %mul3A_56 : vector<16x2048xf32>
    %slice3A_58 = vector.extract_strided_slice %get3A_22 {offsets = [0, 1], sizes = [16, 1], strides = [1, 1]} : vector<16x32xf32> to vector<16x1xf32>
    %mul3A_59 = vector.broadcast %slice3A_58 : vector<16x1xf32> to vector<16x2048xf32>
    %mul3A_60 = arith.mulf %select_n3A, %mul3A_59 : vector<16x2048xf32>
    %add3A_61 = arith.addf %broadcast_in_dim3A_35, %mul3A_60 : vector<16x2048xf32>
    %slice3A_62 = vector.extract_strided_slice %get3A_22 {offsets = [0, 2], sizes = [16, 1], strides = [1, 1]} : vector<16x32xf32> to vector<16x1xf32>
    %mul3A_63 = vector.broadcast %slice3A_62 : vector<16x1xf32> to vector<16x2048xf32>
    %mul3A_64 = arith.mulf %select_n3A, %mul3A_63 : vector<16x2048xf32>
    %add3A_65 = arith.addf %broadcast_in_dim3A_38, %mul3A_64 : vector<16x2048xf32>
    %slice3A_66 = vector.extract_strided_slice %get3A_4 {offsets = [0, 2], sizes = [16, 1], strides = [1, 1]} : vector<16x32xf32> to vector<16x1xf32>
    %lt3A_67 = vector.broadcast %slice3A_66 : vector<16x1xf32> to vector<16x2048xf32>
    %lt3A_68 = arith.cmpf olt, %lt3A_67, %get3A_1 : vector<16x2048xf32>
    %jit3A_69 = arith.constant 1.000000e+00 : f32
    %jit3A_70 = arith.constant 0.000000e+00 : f32
    %broadcast_in_dim3A_71 = vector.broadcast %jit3A_69 : f32 to vector<16x2048xf32>
    %broadcast_in_dim3A_72 = vector.broadcast %jit3A_70 : f32 to vector<16x2048xf32>
    %select_n3A_73 = arith.select %lt3A_68, %broadcast_in_dim3A_71, %broadcast_in_dim3A_72 : vector<16x2048xi1>, vector<16x2048xf32>
    %slice3A_74 = vector.extract_strided_slice %get3A_16 {offsets = [0, 2], sizes = [16, 1], strides = [1, 1]} : vector<16x32xf32> to vector<16x1xf32>
    %mul3A_75 = vector.broadcast %slice3A_74 : vector<16x1xf32> to vector<16x2048xf32>
    %mul3A_76 = arith.mulf %select_n3A_73, %mul3A_75 : vector<16x2048xf32>
    %add3A_77 = arith.addf %add3A, %mul3A_76 : vector<16x2048xf32>
    %slice3A_78 = vector.extract_strided_slice %get3A_16 {offsets = [0, 3], sizes = [16, 1], strides = [1, 1]} : vector<16x32xf32> to vector<16x1xf32>
    %mul3A_79 = vector.broadcast %slice3A_78 : vector<16x1xf32> to vector<16x2048xf32>
    %mul3A_80 = arith.mulf %select_n3A_73, %mul3A_79 : vector<16x2048xf32>
    %add3A_81 = arith.addf %add3A_49, %mul3A_80 : vector<16x2048xf32>
    %slice3A_82 = vector.extract_strided_slice %get3A_19 {offsets = [0, 2], sizes = [16, 1], strides = [1, 1]} : vector<16x32xf32> to vector<16x1xf32>
    %mul3A_83 = vector.broadcast %slice3A_82 : vector<16x1xf32> to vector<16x2048xf32>
    %mul3A_84 = arith.mulf %select_n3A_73, %mul3A_83 : vector<16x2048xf32>
    %add3A_85 = arith.addf %add3A_53, %mul3A_84 : vector<16x2048xf32>
    %slice3A_86 = vector.extract_strided_slice %get3A_19 {offsets = [0, 3], sizes = [16, 1], strides = [1, 1]} : vector<16x32xf32> to vector<16x1xf32>
    %mul3A_87 = vector.broadcast %slice3A_86 : vector<16x1xf32> to vector<16x2048xf32>
    %mul3A_88 = arith.mulf %select_n3A_73, %mul3A_87 : vector<16x2048xf32>
    %add3A_89 = arith.addf %add3A_57, %mul3A_88 : vector<16x2048xf32>
    %slice3A_90 = vector.extract_strided_slice %get3A_22 {offsets = [0, 2], sizes = [16, 1], strides = [1, 1]} : vector<16x32xf32> to vector<16x1xf32>
    %mul3A_91 = vector.broadcast %slice3A_90 : vector<16x1xf32> to vector<16x2048xf32>
    %mul3A_92 = arith.mulf %select_n3A_73, %mul3A_91 : vector<16x2048xf32>
    %add3A_93 = arith.addf %add3A_61, %mul3A_92 : vector<16x2048xf32>
    %slice3A_94 = vector.extract_strided_slice %get3A_22 {offsets = [0, 3], sizes = [16, 1], strides = [1, 1]} : vector<16x32xf32> to vector<16x1xf32>
    %mul3A_95 = vector.broadcast %slice3A_94 : vector<16x1xf32> to vector<16x2048xf32>
    %mul3A_96 = arith.mulf %select_n3A_73, %mul3A_95 : vector<16x2048xf32>
    %add3A_97 = arith.addf %add3A_65, %mul3A_96 : vector<16x2048xf32>
    %slice3A_98 = vector.extract_strided_slice %get3A_4 {offsets = [0, 3], sizes = [16, 1], strides = [1, 1]} : vector<16x32xf32> to vector<16x1xf32>
    %lt3A_99 = vector.broadcast %slice3A_98 : vector<16x1xf32> to vector<16x2048xf32>
    %lt3A_100 = arith.cmpf olt, %lt3A_99, %get3A_1 : vector<16x2048xf32>
    %jit3A_101 = arith.constant 1.000000e+00 : f32
    %jit3A_102 = arith.constant 0.000000e+00 : f32
    %broadcast_in_dim3A_103 = vector.broadcast %jit3A_101 : f32 to vector<16x2048xf32>
    %broadcast_in_dim3A_104 = vector.broadcast %jit3A_102 : f32 to vector<16x2048xf32>
    %select_n3A_105 = arith.select %lt3A_100, %broadcast_in_dim3A_103, %broadcast_in_dim3A_104 : vector<16x2048xi1>, vector<16x2048xf32>
    %slice3A_106 = vector.extract_strided_slice %get3A_16 {offsets = [0, 3], sizes = [16, 1], strides = [1, 1]} : vector<16x32xf32> to vector<16x1xf32>
    %mul3A_107 = vector.broadcast %slice3A_106 : vector<16x1xf32> to vector<16x2048xf32>
    %mul3A_108 = arith.mulf %select_n3A_105, %mul3A_107 : vector<16x2048xf32>
    %add3A_109 = arith.addf %add3A_77, %mul3A_108 : vector<16x2048xf32>
    %slice3A_110 = vector.extract_strided_slice %get3A_16 {offsets = [0, 4], sizes = [16, 1], strides = [1, 1]} : vector<16x32xf32> to vector<16x1xf32>
    %mul3A_111 = vector.broadcast %slice3A_110 : vector<16x1xf32> to vector<16x2048xf32>
    %mul3A_112 = arith.mulf %select_n3A_105, %mul3A_111 : vector<16x2048xf32>
    %add3A_113 = arith.addf %add3A_81, %mul3A_112 : vector<16x2048xf32>
    %slice3A_114 = vector.extract_strided_slice %get3A_19 {offsets = [0, 3], sizes = [16, 1], strides = [1, 1]} : vector<16x32xf32> to vector<16x1xf32>
    %mul3A_115 = vector.broadcast %slice3A_114 : vector<16x1xf32> to vector<16x2048xf32>
    %mul3A_116 = arith.mulf %select_n3A_105, %mul3A_115 : vector<16x2048xf32>
    %add3A_117 = arith.addf %add3A_85, %mul3A_116 : vector<16x2048xf32>
    %slice3A_118 = vector.extract_strided_slice %get3A_19 {offsets = [0, 4], sizes = [16, 1], strides = [1, 1]} : vector<16x32xf32> to vector<16x1xf32>
    %mul3A_119 = vector.broadcast %slice3A_118 : vector<16x1xf32> to vector<16x2048xf32>
    %mul3A_120 = arith.mulf %select_n3A_105, %mul3A_119 : vector<16x2048xf32>
    %add3A_121 = arith.addf %add3A_89, %mul3A_120 : vector<16x2048xf32>
    %slice3A_122 = vector.extract_strided_slice %get3A_22 {offsets = [0, 3], sizes = [16, 1], strides = [1, 1]} : vector<16x32xf32> to vector<16x1xf32>
    %mul3A_123 = vector.broadcast %slice3A_122 : vector<16x1xf32> to vector<16x2048xf32>
    %mul3A_124 = arith.mulf %select_n3A_105, %mul3A_123 : vector<16x2048xf32>
    %add3A_125 = arith.addf %add3A_93, %mul3A_124 : vector<16x2048xf32>
    %slice3A_126 = vector.extract_strided_slice %get3A_22 {offsets = [0, 4], sizes = [16, 1], strides = [1, 1]} : vector<16x32xf32> to vector<16x1xf32>
    %mul3A_127 = vector.broadcast %slice3A_126 : vector<16x1xf32> to vector<16x2048xf32>
    %mul3A_128 = arith.mulf %select_n3A_105, %mul3A_127 : vector<16x2048xf32>
    %add3A_129 = arith.addf %add3A_97, %mul3A_128 : vector<16x2048xf32>
    %slice3A_130 = vector.extract_strided_slice %get3A_4 {offsets = [0, 4], sizes = [16, 1], strides = [1, 1]} : vector<16x32xf32> to vector<16x1xf32>
    %lt3A_131 = vector.broadcast %slice3A_130 : vector<16x1xf32> to vector<16x2048xf32>
    %lt3A_132 = arith.cmpf olt, %lt3A_131, %get3A_1 : vector<16x2048xf32>
    %jit3A_133 = arith.constant 1.000000e+00 : f32
    %jit3A_134 = arith.constant 0.000000e+00 : f32
    %broadcast_in_dim3A_135 = vector.broadcast %jit3A_133 : f32 to vector<16x2048xf32>
    %broadcast_in_dim3A_136 = vector.broadcast %jit3A_134 : f32 to vector<16x2048xf32>
    %select_n3A_137 = arith.select %lt3A_132, %broadcast_in_dim3A_135, %broadcast_in_dim3A_136 : vector<16x2048xi1>, vector<16x2048xf32>
    %slice3A_138 = vector.extract_strided_slice %get3A_16 {offsets = [0, 4], sizes = [16, 1], strides = [1, 1]} : vector<16x32xf32> to vector<16x1xf32>
    %mul3A_139 = vector.broadcast %slice3A_138 : vector<16x1xf32> to vector<16x2048xf32>
    %mul3A_140 = arith.mulf %select_n3A_137, %mul3A_139 : vector<16x2048xf32>
    %add3A_141 = arith.addf %add3A_109, %mul3A_140 : vector<16x2048xf32>
    %slice3A_142 = vector.extract_strided_slice %get3A_16 {offsets = [0, 5], sizes = [16, 1], strides = [1, 1]} : vector<16x32xf32> to vector<16x1xf32>
    %mul3A_143 = vector.broadcast %slice3A_142 : vector<16x1xf32> to vector<16x2048xf32>
    %mul3A_144 = arith.mulf %select_n3A_137, %mul3A_143 : vector<16x2048xf32>
    %add3A_145 = arith.addf %add3A_113, %mul3A_144 : vector<16x2048xf32>
    %slice3A_146 = vector.extract_strided_slice %get3A_19 {offsets = [0, 4], sizes = [16, 1], strides = [1, 1]} : vector<16x32xf32> to vector<16x1xf32>
    %mul3A_147 = vector.broadcast %slice3A_146 : vector<16x1xf32> to vector<16x2048xf32>
    %mul3A_148 = arith.mulf %select_n3A_137, %mul3A_147 : vector<16x2048xf32>
    %add3A_149 = arith.addf %add3A_117, %mul3A_148 : vector<16x2048xf32>
    %slice3A_150 = vector.extract_strided_slice %get3A_19 {offsets = [0, 5], sizes = [16, 1], strides = [1, 1]} : vector<16x32xf32> to vector<16x1xf32>
    %mul3A_151 = vector.broadcast %slice3A_150 : vector<16x1xf32> to vector<16x2048xf32>
    %mul3A_152 = arith.mulf %select_n3A_137, %mul3A_151 : vector<16x2048xf32>
    %add3A_153 = arith.addf %add3A_121, %mul3A_152 : vector<16x2048xf32>
    %slice3A_154 = vector.extract_strided_slice %get3A_22 {offsets = [0, 4], sizes = [16, 1], strides = [1, 1]} : vector<16x32xf32> to vector<16x1xf32>
    %mul3A_155 = vector.broadcast %slice3A_154 : vector<16x1xf32> to vector<16x2048xf32>
    %mul3A_156 = arith.mulf %select_n3A_137, %mul3A_155 : vector<16x2048xf32>
    %add3A_157 = arith.addf %add3A_125, %mul3A_156 : vector<16x2048xf32>
    %slice3A_158 = vector.extract_strided_slice %get3A_22 {offsets = [0, 5], sizes = [16, 1], strides = [1, 1]} : vector<16x32xf32> to vector<16x1xf32>
    %mul3A_159 = vector.broadcast %slice3A_158 : vector<16x1xf32> to vector<16x2048xf32>
    %mul3A_160 = arith.mulf %select_n3A_137, %mul3A_159 : vector<16x2048xf32>
    %add3A_161 = arith.addf %add3A_129, %mul3A_160 : vector<16x2048xf32>
    %slice3A_162 = vector.extract_strided_slice %get3A_4 {offsets = [0, 5], sizes = [16, 1], strides = [1, 1]} : vector<16x32xf32> to vector<16x1xf32>
    %lt3A_163 = vector.broadcast %slice3A_162 : vector<16x1xf32> to vector<16x2048xf32>
    %lt3A_164 = arith.cmpf olt, %lt3A_163, %get3A_1 : vector<16x2048xf32>
    %jit3A_165 = arith.constant 1.000000e+00 : f32
    %jit3A_166 = arith.constant 0.000000e+00 : f32
    %broadcast_in_dim3A_167 = vector.broadcast %jit3A_165 : f32 to vector<16x2048xf32>
    %broadcast_in_dim3A_168 = vector.broadcast %jit3A_166 : f32 to vector<16x2048xf32>
    %select_n3A_169 = arith.select %lt3A_164, %broadcast_in_dim3A_167, %broadcast_in_dim3A_168 : vector<16x2048xi1>, vector<16x2048xf32>
    %slice3A_170 = vector.extract_strided_slice %get3A_16 {offsets = [0, 5], sizes = [16, 1], strides = [1, 1]} : vector<16x32xf32> to vector<16x1xf32>
    %mul3A_171 = vector.broadcast %slice3A_170 : vector<16x1xf32> to vector<16x2048xf32>
    %mul3A_172 = arith.mulf %select_n3A_169, %mul3A_171 : vector<16x2048xf32>
    %add3A_173 = arith.addf %add3A_141, %mul3A_172 : vector<16x2048xf32>
    %slice3A_174 = vector.extract_strided_slice %get3A_16 {offsets = [0, 6], sizes = [16, 1], strides = [1, 1]} : vector<16x32xf32> to vector<16x1xf32>
    %mul3A_175 = vector.broadcast %slice3A_174 : vector<16x1xf32> to vector<16x2048xf32>
    %mul3A_176 = arith.mulf %select_n3A_169, %mul3A_175 : vector<16x2048xf32>
    %add3A_177 = arith.addf %add3A_145, %mul3A_176 : vector<16x2048xf32>
    %slice3A_178 = vector.extract_strided_slice %get3A_19 {offsets = [0, 5], sizes = [16, 1], strides = [1, 1]} : vector<16x32xf32> to vector<16x1xf32>
    %mul3A_179 = vector.broadcast %slice3A_178 : vector<16x1xf32> to vector<16x2048xf32>
    %mul3A_180 = arith.mulf %select_n3A_169, %mul3A_179 : vector<16x2048xf32>
    %add3A_181 = arith.addf %add3A_149, %mul3A_180 : vector<16x2048xf32>
    %slice3A_182 = vector.extract_strided_slice %get3A_19 {offsets = [0, 6], sizes = [16, 1], strides = [1, 1]} : vector<16x32xf32> to vector<16x1xf32>
    %mul3A_183 = vector.broadcast %slice3A_182 : vector<16x1xf32> to vector<16x2048xf32>
    %mul3A_184 = arith.mulf %select_n3A_169, %mul3A_183 : vector<16x2048xf32>
    %add3A_185 = arith.addf %add3A_153, %mul3A_184 : vector<16x2048xf32>
    %slice3A_186 = vector.extract_strided_slice %get3A_22 {offsets = [0, 5], sizes = [16, 1], strides = [1, 1]} : vector<16x32xf32> to vector<16x1xf32>
    %mul3A_187 = vector.broadcast %slice3A_186 : vector<16x1xf32> to vector<16x2048xf32>
    %mul3A_188 = arith.mulf %select_n3A_169, %mul3A_187 : vector<16x2048xf32>
    %add3A_189 = arith.addf %add3A_157, %mul3A_188 : vector<16x2048xf32>
    %slice3A_190 = vector.extract_strided_slice %get3A_22 {offsets = [0, 6], sizes = [16, 1], strides = [1, 1]} : vector<16x32xf32> to vector<16x1xf32>
    %mul3A_191 = vector.broadcast %slice3A_190 : vector<16x1xf32> to vector<16x2048xf32>
    %mul3A_192 = arith.mulf %select_n3A_169, %mul3A_191 : vector<16x2048xf32>
    %add3A_193 = arith.addf %add3A_161, %mul3A_192 : vector<16x2048xf32>
    %slice3A_194 = vector.extract_strided_slice %get3A_4 {offsets = [0, 6], sizes = [16, 1], strides = [1, 1]} : vector<16x32xf32> to vector<16x1xf32>
    %lt3A_195 = vector.broadcast %slice3A_194 : vector<16x1xf32> to vector<16x2048xf32>
    %lt3A_196 = arith.cmpf olt, %lt3A_195, %get3A_1 : vector<16x2048xf32>
    %jit3A_197 = arith.constant 1.000000e+00 : f32
    %jit3A_198 = arith.constant 0.000000e+00 : f32
    %broadcast_in_dim3A_199 = vector.broadcast %jit3A_197 : f32 to vector<16x2048xf32>
    %broadcast_in_dim3A_200 = vector.broadcast %jit3A_198 : f32 to vector<16x2048xf32>
    %select_n3A_201 = arith.select %lt3A_196, %broadcast_in_dim3A_199, %broadcast_in_dim3A_200 : vector<16x2048xi1>, vector<16x2048xf32>
    %slice3A_202 = vector.extract_strided_slice %get3A_16 {offsets = [0, 6], sizes = [16, 1], strides = [1, 1]} : vector<16x32xf32> to vector<16x1xf32>
    %mul3A_203 = vector.broadcast %slice3A_202 : vector<16x1xf32> to vector<16x2048xf32>
    %mul3A_204 = arith.mulf %select_n3A_201, %mul3A_203 : vector<16x2048xf32>
    %add3A_205 = arith.addf %add3A_173, %mul3A_204 : vector<16x2048xf32>
    %slice3A_206 = vector.extract_strided_slice %get3A_16 {offsets = [0, 7], sizes = [16, 1], strides = [1, 1]} : vector<16x32xf32> to vector<16x1xf32>
    %mul3A_207 = vector.broadcast %slice3A_206 : vector<16x1xf32> to vector<16x2048xf32>
    %mul3A_208 = arith.mulf %select_n3A_201, %mul3A_207 : vector<16x2048xf32>
    %add3A_209 = arith.addf %add3A_177, %mul3A_208 : vector<16x2048xf32>
    %slice3A_210 = vector.extract_strided_slice %get3A_19 {offsets = [0, 6], sizes = [16, 1], strides = [1, 1]} : vector<16x32xf32> to vector<16x1xf32>
    %mul3A_211 = vector.broadcast %slice3A_210 : vector<16x1xf32> to vector<16x2048xf32>
    %mul3A_212 = arith.mulf %select_n3A_201, %mul3A_211 : vector<16x2048xf32>
    %add3A_213 = arith.addf %add3A_181, %mul3A_212 : vector<16x2048xf32>
    %slice3A_214 = vector.extract_strided_slice %get3A_19 {offsets = [0, 7], sizes = [16, 1], strides = [1, 1]} : vector<16x32xf32> to vector<16x1xf32>
    %mul3A_215 = vector.broadcast %slice3A_214 : vector<16x1xf32> to vector<16x2048xf32>
    %mul3A_216 = arith.mulf %select_n3A_201, %mul3A_215 : vector<16x2048xf32>
    %add3A_217 = arith.addf %add3A_185, %mul3A_216 : vector<16x2048xf32>
    %slice3A_218 = vector.extract_strided_slice %get3A_22 {offsets = [0, 6], sizes = [16, 1], strides = [1, 1]} : vector<16x32xf32> to vector<16x1xf32>
    %mul3A_219 = vector.broadcast %slice3A_218 : vector<16x1xf32> to vector<16x2048xf32>
    %mul3A_220 = arith.mulf %select_n3A_201, %mul3A_219 : vector<16x2048xf32>
    %add3A_221 = arith.addf %add3A_189, %mul3A_220 : vector<16x2048xf32>
    %slice3A_222 = vector.extract_strided_slice %get3A_22 {offsets = [0, 7], sizes = [16, 1], strides = [1, 1]} : vector<16x32xf32> to vector<16x1xf32>
    %mul3A_223 = vector.broadcast %slice3A_222 : vector<16x1xf32> to vector<16x2048xf32>
    %mul3A_224 = arith.mulf %select_n3A_201, %mul3A_223 : vector<16x2048xf32>
    %add3A_225 = arith.addf %add3A_193, %mul3A_224 : vector<16x2048xf32>
    %slice3A_226 = vector.extract_strided_slice %get3A_4 {offsets = [0, 7], sizes = [16, 1], strides = [1, 1]} : vector<16x32xf32> to vector<16x1xf32>
    %lt3A_227 = vector.broadcast %slice3A_226 : vector<16x1xf32> to vector<16x2048xf32>
    %lt3A_228 = arith.cmpf olt, %lt3A_227, %get3A_1 : vector<16x2048xf32>
    %jit3A_229 = arith.constant 1.000000e+00 : f32
    %jit3A_230 = arith.constant 0.000000e+00 : f32
    %broadcast_in_dim3A_231 = vector.broadcast %jit3A_229 : f32 to vector<16x2048xf32>
    %broadcast_in_dim3A_232 = vector.broadcast %jit3A_230 : f32 to vector<16x2048xf32>
    %select_n3A_233 = arith.select %lt3A_228, %broadcast_in_dim3A_231, %broadcast_in_dim3A_232 : vector<16x2048xi1>, vector<16x2048xf32>
    %slice3A_234 = vector.extract_strided_slice %get3A_16 {offsets = [0, 7], sizes = [16, 1], strides = [1, 1]} : vector<16x32xf32> to vector<16x1xf32>
    %mul3A_235 = vector.broadcast %slice3A_234 : vector<16x1xf32> to vector<16x2048xf32>
    %mul3A_236 = arith.mulf %select_n3A_233, %mul3A_235 : vector<16x2048xf32>
    %add3A_237 = arith.addf %add3A_205, %mul3A_236 : vector<16x2048xf32>
    %slice3A_238 = vector.extract_strided_slice %get3A_16 {offsets = [0, 8], sizes = [16, 1], strides = [1, 1]} : vector<16x32xf32> to vector<16x1xf32>
    %mul3A_239 = vector.broadcast %slice3A_238 : vector<16x1xf32> to vector<16x2048xf32>
    %mul3A_240 = arith.mulf %select_n3A_233, %mul3A_239 : vector<16x2048xf32>
    %add3A_241 = arith.addf %add3A_209, %mul3A_240 : vector<16x2048xf32>
    %slice3A_242 = vector.extract_strided_slice %get3A_19 {offsets = [0, 7], sizes = [16, 1], strides = [1, 1]} : vector<16x32xf32> to vector<16x1xf32>
    %mul3A_243 = vector.broadcast %slice3A_242 : vector<16x1xf32> to vector<16x2048xf32>
    %mul3A_244 = arith.mulf %select_n3A_233, %mul3A_243 : vector<16x2048xf32>
    %add3A_245 = arith.addf %add3A_213, %mul3A_244 : vector<16x2048xf32>
    %slice3A_246 = vector.extract_strided_slice %get3A_19 {offsets = [0, 8], sizes = [16, 1], strides = [1, 1]} : vector<16x32xf32> to vector<16x1xf32>
    %mul3A_247 = vector.broadcast %slice3A_246 : vector<16x1xf32> to vector<16x2048xf32>
    %mul3A_248 = arith.mulf %select_n3A_233, %mul3A_247 : vector<16x2048xf32>
    %add3A_249 = arith.addf %add3A_217, %mul3A_248 : vector<16x2048xf32>
    %slice3A_250 = vector.extract_strided_slice %get3A_22 {offsets = [0, 7], sizes = [16, 1], strides = [1, 1]} : vector<16x32xf32> to vector<16x1xf32>
    %mul3A_251 = vector.broadcast %slice3A_250 : vector<16x1xf32> to vector<16x2048xf32>
    %mul3A_252 = arith.mulf %select_n3A_233, %mul3A_251 : vector<16x2048xf32>
    %add3A_253 = arith.addf %add3A_221, %mul3A_252 : vector<16x2048xf32>
    %slice3A_254 = vector.extract_strided_slice %get3A_22 {offsets = [0, 8], sizes = [16, 1], strides = [1, 1]} : vector<16x32xf32> to vector<16x1xf32>
    %mul3A_255 = vector.broadcast %slice3A_254 : vector<16x1xf32> to vector<16x2048xf32>
    %mul3A_256 = arith.mulf %select_n3A_233, %mul3A_255 : vector<16x2048xf32>
    %add3A_257 = arith.addf %add3A_225, %mul3A_256 : vector<16x2048xf32>
    %slice3A_258 = vector.extract_strided_slice %get3A_4 {offsets = [0, 8], sizes = [16, 1], strides = [1, 1]} : vector<16x32xf32> to vector<16x1xf32>
    %lt3A_259 = vector.broadcast %slice3A_258 : vector<16x1xf32> to vector<16x2048xf32>
    %lt3A_260 = arith.cmpf olt, %lt3A_259, %get3A_1 : vector<16x2048xf32>
    %jit3A_261 = arith.constant 1.000000e+00 : f32
    %jit3A_262 = arith.constant 0.000000e+00 : f32
    %broadcast_in_dim3A_263 = vector.broadcast %jit3A_261 : f32 to vector<16x2048xf32>
    %broadcast_in_dim3A_264 = vector.broadcast %jit3A_262 : f32 to vector<16x2048xf32>
    %select_n3A_265 = arith.select %lt3A_260, %broadcast_in_dim3A_263, %broadcast_in_dim3A_264 : vector<16x2048xi1>, vector<16x2048xf32>
    %slice3A_266 = vector.extract_strided_slice %get3A_16 {offsets = [0, 8], sizes = [16, 1], strides = [1, 1]} : vector<16x32xf32> to vector<16x1xf32>
    %mul3A_267 = vector.broadcast %slice3A_266 : vector<16x1xf32> to vector<16x2048xf32>
    %mul3A_268 = arith.mulf %select_n3A_265, %mul3A_267 : vector<16x2048xf32>
    %add3A_269 = arith.addf %add3A_237, %mul3A_268 : vector<16x2048xf32>
    %slice3A_270 = vector.extract_strided_slice %get3A_16 {offsets = [0, 9], sizes = [16, 1], strides = [1, 1]} : vector<16x32xf32> to vector<16x1xf32>
    %mul3A_271 = vector.broadcast %slice3A_270 : vector<16x1xf32> to vector<16x2048xf32>
    %mul3A_272 = arith.mulf %select_n3A_265, %mul3A_271 : vector<16x2048xf32>
    %add3A_273 = arith.addf %add3A_241, %mul3A_272 : vector<16x2048xf32>
    %slice3A_274 = vector.extract_strided_slice %get3A_19 {offsets = [0, 8], sizes = [16, 1], strides = [1, 1]} : vector<16x32xf32> to vector<16x1xf32>
    %mul3A_275 = vector.broadcast %slice3A_274 : vector<16x1xf32> to vector<16x2048xf32>
    %mul3A_276 = arith.mulf %select_n3A_265, %mul3A_275 : vector<16x2048xf32>
    %add3A_277 = arith.addf %add3A_245, %mul3A_276 : vector<16x2048xf32>
    %slice3A_278 = vector.extract_strided_slice %get3A_19 {offsets = [0, 9], sizes = [16, 1], strides = [1, 1]} : vector<16x32xf32> to vector<16x1xf32>
    %mul3A_279 = vector.broadcast %slice3A_278 : vector<16x1xf32> to vector<16x2048xf32>
    %mul3A_280 = arith.mulf %select_n3A_265, %mul3A_279 : vector<16x2048xf32>
    %add3A_281 = arith.addf %add3A_249, %mul3A_280 : vector<16x2048xf32>
    %slice3A_282 = vector.extract_strided_slice %get3A_22 {offsets = [0, 8], sizes = [16, 1], strides = [1, 1]} : vector<16x32xf32> to vector<16x1xf32>
    %mul3A_283 = vector.broadcast %slice3A_282 : vector<16x1xf32> to vector<16x2048xf32>
    %mul3A_284 = arith.mulf %select_n3A_265, %mul3A_283 : vector<16x2048xf32>
    %add3A_285 = arith.addf %add3A_253, %mul3A_284 : vector<16x2048xf32>
    %slice3A_286 = vector.extract_strided_slice %get3A_22 {offsets = [0, 9], sizes = [16, 1], strides = [1, 1]} : vector<16x32xf32> to vector<16x1xf32>
    %mul3A_287 = vector.broadcast %slice3A_286 : vector<16x1xf32> to vector<16x2048xf32>
    %mul3A_288 = arith.mulf %select_n3A_265, %mul3A_287 : vector<16x2048xf32>
    %add3A_289 = arith.addf %add3A_257, %mul3A_288 : vector<16x2048xf32>
    %slice3A_290 = vector.extract_strided_slice %get3A_4 {offsets = [0, 9], sizes = [16, 1], strides = [1, 1]} : vector<16x32xf32> to vector<16x1xf32>
    %lt3A_291 = vector.broadcast %slice3A_290 : vector<16x1xf32> to vector<16x2048xf32>
    %lt3A_292 = arith.cmpf olt, %lt3A_291, %get3A_1 : vector<16x2048xf32>
    %jit3A_293 = arith.constant 1.000000e+00 : f32
    %jit3A_294 = arith.constant 0.000000e+00 : f32
    %broadcast_in_dim3A_295 = vector.broadcast %jit3A_293 : f32 to vector<16x2048xf32>
    %broadcast_in_dim3A_296 = vector.broadcast %jit3A_294 : f32 to vector<16x2048xf32>
    %select_n3A_297 = arith.select %lt3A_292, %broadcast_in_dim3A_295, %broadcast_in_dim3A_296 : vector<16x2048xi1>, vector<16x2048xf32>
    %slice3A_298 = vector.extract_strided_slice %get3A_16 {offsets = [0, 9], sizes = [16, 1], strides = [1, 1]} : vector<16x32xf32> to vector<16x1xf32>
    %mul3A_299 = vector.broadcast %slice3A_298 : vector<16x1xf32> to vector<16x2048xf32>
    %mul3A_300 = arith.mulf %select_n3A_297, %mul3A_299 : vector<16x2048xf32>
    %add3A_301 = arith.addf %add3A_269, %mul3A_300 : vector<16x2048xf32>
    %slice3A_302 = vector.extract_strided_slice %get3A_16 {offsets = [0, 10], sizes = [16, 1], strides = [1, 1]} : vector<16x32xf32> to vector<16x1xf32>
    %mul3A_303 = vector.broadcast %slice3A_302 : vector<16x1xf32> to vector<16x2048xf32>
    %mul3A_304 = arith.mulf %select_n3A_297, %mul3A_303 : vector<16x2048xf32>
    %add3A_305 = arith.addf %add3A_273, %mul3A_304 : vector<16x2048xf32>
    %slice3A_306 = vector.extract_strided_slice %get3A_19 {offsets = [0, 9], sizes = [16, 1], strides = [1, 1]} : vector<16x32xf32> to vector<16x1xf32>
    %mul3A_307 = vector.broadcast %slice3A_306 : vector<16x1xf32> to vector<16x2048xf32>
    %mul3A_308 = arith.mulf %select_n3A_297, %mul3A_307 : vector<16x2048xf32>
    %add3A_309 = arith.addf %add3A_277, %mul3A_308 : vector<16x2048xf32>
    %slice3A_310 = vector.extract_strided_slice %get3A_19 {offsets = [0, 10], sizes = [16, 1], strides = [1, 1]} : vector<16x32xf32> to vector<16x1xf32>
    %mul3A_311 = vector.broadcast %slice3A_310 : vector<16x1xf32> to vector<16x2048xf32>
    %mul3A_312 = arith.mulf %select_n3A_297, %mul3A_311 : vector<16x2048xf32>
    %add3A_313 = arith.addf %add3A_281, %mul3A_312 : vector<16x2048xf32>
    %slice3A_314 = vector.extract_strided_slice %get3A_22 {offsets = [0, 9], sizes = [16, 1], strides = [1, 1]} : vector<16x32xf32> to vector<16x1xf32>
    %mul3A_315 = vector.broadcast %slice3A_314 : vector<16x1xf32> to vector<16x2048xf32>
    %mul3A_316 = arith.mulf %select_n3A_297, %mul3A_315 : vector<16x2048xf32>
    %add3A_317 = arith.addf %add3A_285, %mul3A_316 : vector<16x2048xf32>
    %slice3A_318 = vector.extract_strided_slice %get3A_22 {offsets = [0, 10], sizes = [16, 1], strides = [1, 1]} : vector<16x32xf32> to vector<16x1xf32>
    %mul3A_319 = vector.broadcast %slice3A_318 : vector<16x1xf32> to vector<16x2048xf32>
    %mul3A_320 = arith.mulf %select_n3A_297, %mul3A_319 : vector<16x2048xf32>
    %add3A_321 = arith.addf %add3A_289, %mul3A_320 : vector<16x2048xf32>
    %slice3A_322 = vector.extract_strided_slice %get3A_4 {offsets = [0, 10], sizes = [16, 1], strides = [1, 1]} : vector<16x32xf32> to vector<16x1xf32>
    %lt3A_323 = vector.broadcast %slice3A_322 : vector<16x1xf32> to vector<16x2048xf32>
    %lt3A_324 = arith.cmpf olt, %lt3A_323, %get3A_1 : vector<16x2048xf32>
    %jit3A_325 = arith.constant 1.000000e+00 : f32
    %jit3A_326 = arith.constant 0.000000e+00 : f32
    %broadcast_in_dim3A_327 = vector.broadcast %jit3A_325 : f32 to vector<16x2048xf32>
    %broadcast_in_dim3A_328 = vector.broadcast %jit3A_326 : f32 to vector<16x2048xf32>
    %select_n3A_329 = arith.select %lt3A_324, %broadcast_in_dim3A_327, %broadcast_in_dim3A_328 : vector<16x2048xi1>, vector<16x2048xf32>
    %slice3A_330 = vector.extract_strided_slice %get3A_16 {offsets = [0, 10], sizes = [16, 1], strides = [1, 1]} : vector<16x32xf32> to vector<16x1xf32>
    %mul3A_331 = vector.broadcast %slice3A_330 : vector<16x1xf32> to vector<16x2048xf32>
    %mul3A_332 = arith.mulf %select_n3A_329, %mul3A_331 : vector<16x2048xf32>
    %add3A_333 = arith.addf %add3A_301, %mul3A_332 : vector<16x2048xf32>
    %slice3A_334 = vector.extract_strided_slice %get3A_16 {offsets = [0, 11], sizes = [16, 1], strides = [1, 1]} : vector<16x32xf32> to vector<16x1xf32>
    %mul3A_335 = vector.broadcast %slice3A_334 : vector<16x1xf32> to vector<16x2048xf32>
    %mul3A_336 = arith.mulf %select_n3A_329, %mul3A_335 : vector<16x2048xf32>
    %add3A_337 = arith.addf %add3A_305, %mul3A_336 : vector<16x2048xf32>
    %slice3A_338 = vector.extract_strided_slice %get3A_19 {offsets = [0, 10], sizes = [16, 1], strides = [1, 1]} : vector<16x32xf32> to vector<16x1xf32>
    %mul3A_339 = vector.broadcast %slice3A_338 : vector<16x1xf32> to vector<16x2048xf32>
    %mul3A_340 = arith.mulf %select_n3A_329, %mul3A_339 : vector<16x2048xf32>
    %add3A_341 = arith.addf %add3A_309, %mul3A_340 : vector<16x2048xf32>
    %slice3A_342 = vector.extract_strided_slice %get3A_19 {offsets = [0, 11], sizes = [16, 1], strides = [1, 1]} : vector<16x32xf32> to vector<16x1xf32>
    %mul3A_343 = vector.broadcast %slice3A_342 : vector<16x1xf32> to vector<16x2048xf32>
    %mul3A_344 = arith.mulf %select_n3A_329, %mul3A_343 : vector<16x2048xf32>
    %add3A_345 = arith.addf %add3A_313, %mul3A_344 : vector<16x2048xf32>
    %slice3A_346 = vector.extract_strided_slice %get3A_22 {offsets = [0, 10], sizes = [16, 1], strides = [1, 1]} : vector<16x32xf32> to vector<16x1xf32>
    %mul3A_347 = vector.broadcast %slice3A_346 : vector<16x1xf32> to vector<16x2048xf32>
    %mul3A_348 = arith.mulf %select_n3A_329, %mul3A_347 : vector<16x2048xf32>
    %add3A_349 = arith.addf %add3A_317, %mul3A_348 : vector<16x2048xf32>
    %slice3A_350 = vector.extract_strided_slice %get3A_22 {offsets = [0, 11], sizes = [16, 1], strides = [1, 1]} : vector<16x32xf32> to vector<16x1xf32>
    %mul3A_351 = vector.broadcast %slice3A_350 : vector<16x1xf32> to vector<16x2048xf32>
    %mul3A_352 = arith.mulf %select_n3A_329, %mul3A_351 : vector<16x2048xf32>
    %add3A_353 = arith.addf %add3A_321, %mul3A_352 : vector<16x2048xf32>
    %slice3A_354 = vector.extract_strided_slice %get3A_4 {offsets = [0, 11], sizes = [16, 1], strides = [1, 1]} : vector<16x32xf32> to vector<16x1xf32>
    %lt3A_355 = vector.broadcast %slice3A_354 : vector<16x1xf32> to vector<16x2048xf32>
    %lt3A_356 = arith.cmpf olt, %lt3A_355, %get3A_1 : vector<16x2048xf32>
    %jit3A_357 = arith.constant 1.000000e+00 : f32
    %jit3A_358 = arith.constant 0.000000e+00 : f32
    %broadcast_in_dim3A_359 = vector.broadcast %jit3A_357 : f32 to vector<16x2048xf32>
    %broadcast_in_dim3A_360 = vector.broadcast %jit3A_358 : f32 to vector<16x2048xf32>
    %select_n3A_361 = arith.select %lt3A_356, %broadcast_in_dim3A_359, %broadcast_in_dim3A_360 : vector<16x2048xi1>, vector<16x2048xf32>
    %slice3A_362 = vector.extract_strided_slice %get3A_16 {offsets = [0, 11], sizes = [16, 1], strides = [1, 1]} : vector<16x32xf32> to vector<16x1xf32>
    %mul3A_363 = vector.broadcast %slice3A_362 : vector<16x1xf32> to vector<16x2048xf32>
    %mul3A_364 = arith.mulf %select_n3A_361, %mul3A_363 : vector<16x2048xf32>
    %add3A_365 = arith.addf %add3A_333, %mul3A_364 : vector<16x2048xf32>
    %slice3A_366 = vector.extract_strided_slice %get3A_16 {offsets = [0, 12], sizes = [16, 1], strides = [1, 1]} : vector<16x32xf32> to vector<16x1xf32>
    %mul3A_367 = vector.broadcast %slice3A_366 : vector<16x1xf32> to vector<16x2048xf32>
    %mul3A_368 = arith.mulf %select_n3A_361, %mul3A_367 : vector<16x2048xf32>
    %add3A_369 = arith.addf %add3A_337, %mul3A_368 : vector<16x2048xf32>
    %slice3A_370 = vector.extract_strided_slice %get3A_19 {offsets = [0, 11], sizes = [16, 1], strides = [1, 1]} : vector<16x32xf32> to vector<16x1xf32>
    %mul3A_371 = vector.broadcast %slice3A_370 : vector<16x1xf32> to vector<16x2048xf32>
    %mul3A_372 = arith.mulf %select_n3A_361, %mul3A_371 : vector<16x2048xf32>
    %add3A_373 = arith.addf %add3A_341, %mul3A_372 : vector<16x2048xf32>
    %slice3A_374 = vector.extract_strided_slice %get3A_19 {offsets = [0, 12], sizes = [16, 1], strides = [1, 1]} : vector<16x32xf32> to vector<16x1xf32>
    %mul3A_375 = vector.broadcast %slice3A_374 : vector<16x1xf32> to vector<16x2048xf32>
    %mul3A_376 = arith.mulf %select_n3A_361, %mul3A_375 : vector<16x2048xf32>
    %add3A_377 = arith.addf %add3A_345, %mul3A_376 : vector<16x2048xf32>
    %slice3A_378 = vector.extract_strided_slice %get3A_22 {offsets = [0, 11], sizes = [16, 1], strides = [1, 1]} : vector<16x32xf32> to vector<16x1xf32>
    %mul3A_379 = vector.broadcast %slice3A_378 : vector<16x1xf32> to vector<16x2048xf32>
    %mul3A_380 = arith.mulf %select_n3A_361, %mul3A_379 : vector<16x2048xf32>
    %add3A_381 = arith.addf %add3A_349, %mul3A_380 : vector<16x2048xf32>
    %slice3A_382 = vector.extract_strided_slice %get3A_22 {offsets = [0, 12], sizes = [16, 1], strides = [1, 1]} : vector<16x32xf32> to vector<16x1xf32>
    %mul3A_383 = vector.broadcast %slice3A_382 : vector<16x1xf32> to vector<16x2048xf32>
    %mul3A_384 = arith.mulf %select_n3A_361, %mul3A_383 : vector<16x2048xf32>
    %add3A_385 = arith.addf %add3A_353, %mul3A_384 : vector<16x2048xf32>
    %slice3A_386 = vector.extract_strided_slice %get3A_4 {offsets = [0, 12], sizes = [16, 1], strides = [1, 1]} : vector<16x32xf32> to vector<16x1xf32>
    %lt3A_387 = vector.broadcast %slice3A_386 : vector<16x1xf32> to vector<16x2048xf32>
    %lt3A_388 = arith.cmpf olt, %lt3A_387, %get3A_1 : vector<16x2048xf32>
    %jit3A_389 = arith.constant 1.000000e+00 : f32
    %jit3A_390 = arith.constant 0.000000e+00 : f32
    %broadcast_in_dim3A_391 = vector.broadcast %jit3A_389 : f32 to vector<16x2048xf32>
    %broadcast_in_dim3A_392 = vector.broadcast %jit3A_390 : f32 to vector<16x2048xf32>
    %select_n3A_393 = arith.select %lt3A_388, %broadcast_in_dim3A_391, %broadcast_in_dim3A_392 : vector<16x2048xi1>, vector<16x2048xf32>
    %slice3A_394 = vector.extract_strided_slice %get3A_16 {offsets = [0, 12], sizes = [16, 1], strides = [1, 1]} : vector<16x32xf32> to vector<16x1xf32>
    %mul3A_395 = vector.broadcast %slice3A_394 : vector<16x1xf32> to vector<16x2048xf32>
    %mul3A_396 = arith.mulf %select_n3A_393, %mul3A_395 : vector<16x2048xf32>
    %add3A_397 = arith.addf %add3A_365, %mul3A_396 : vector<16x2048xf32>
    %slice3A_398 = vector.extract_strided_slice %get3A_16 {offsets = [0, 13], sizes = [16, 1], strides = [1, 1]} : vector<16x32xf32> to vector<16x1xf32>
    %mul3A_399 = vector.broadcast %slice3A_398 : vector<16x1xf32> to vector<16x2048xf32>
    %mul3A_400 = arith.mulf %select_n3A_393, %mul3A_399 : vector<16x2048xf32>
    %add3A_401 = arith.addf %add3A_369, %mul3A_400 : vector<16x2048xf32>
    %slice3A_402 = vector.extract_strided_slice %get3A_19 {offsets = [0, 12], sizes = [16, 1], strides = [1, 1]} : vector<16x32xf32> to vector<16x1xf32>
    %mul3A_403 = vector.broadcast %slice3A_402 : vector<16x1xf32> to vector<16x2048xf32>
    %mul3A_404 = arith.mulf %select_n3A_393, %mul3A_403 : vector<16x2048xf32>
    %add3A_405 = arith.addf %add3A_373, %mul3A_404 : vector<16x2048xf32>
    %slice3A_406 = vector.extract_strided_slice %get3A_19 {offsets = [0, 13], sizes = [16, 1], strides = [1, 1]} : vector<16x32xf32> to vector<16x1xf32>
    %mul3A_407 = vector.broadcast %slice3A_406 : vector<16x1xf32> to vector<16x2048xf32>
    %mul3A_408 = arith.mulf %select_n3A_393, %mul3A_407 : vector<16x2048xf32>
    %add3A_409 = arith.addf %add3A_377, %mul3A_408 : vector<16x2048xf32>
    %slice3A_410 = vector.extract_strided_slice %get3A_22 {offsets = [0, 12], sizes = [16, 1], strides = [1, 1]} : vector<16x32xf32> to vector<16x1xf32>
    %mul3A_411 = vector.broadcast %slice3A_410 : vector<16x1xf32> to vector<16x2048xf32>
    %mul3A_412 = arith.mulf %select_n3A_393, %mul3A_411 : vector<16x2048xf32>
    %add3A_413 = arith.addf %add3A_381, %mul3A_412 : vector<16x2048xf32>
    %slice3A_414 = vector.extract_strided_slice %get3A_22 {offsets = [0, 13], sizes = [16, 1], strides = [1, 1]} : vector<16x32xf32> to vector<16x1xf32>
    %mul3A_415 = vector.broadcast %slice3A_414 : vector<16x1xf32> to vector<16x2048xf32>
    %mul3A_416 = arith.mulf %select_n3A_393, %mul3A_415 : vector<16x2048xf32>
    %add3A_417 = arith.addf %add3A_385, %mul3A_416 : vector<16x2048xf32>
    %slice3A_418 = vector.extract_strided_slice %get3A_4 {offsets = [0, 13], sizes = [16, 1], strides = [1, 1]} : vector<16x32xf32> to vector<16x1xf32>
    %lt3A_419 = vector.broadcast %slice3A_418 : vector<16x1xf32> to vector<16x2048xf32>
    %lt3A_420 = arith.cmpf olt, %lt3A_419, %get3A_1 : vector<16x2048xf32>
    %jit3A_421 = arith.constant 1.000000e+00 : f32
    %jit3A_422 = arith.constant 0.000000e+00 : f32
    %broadcast_in_dim3A_423 = vector.broadcast %jit3A_421 : f32 to vector<16x2048xf32>
    %broadcast_in_dim3A_424 = vector.broadcast %jit3A_422 : f32 to vector<16x2048xf32>
    %select_n3A_425 = arith.select %lt3A_420, %broadcast_in_dim3A_423, %broadcast_in_dim3A_424 : vector<16x2048xi1>, vector<16x2048xf32>
    %slice3A_426 = vector.extract_strided_slice %get3A_16 {offsets = [0, 13], sizes = [16, 1], strides = [1, 1]} : vector<16x32xf32> to vector<16x1xf32>
    %mul3A_427 = vector.broadcast %slice3A_426 : vector<16x1xf32> to vector<16x2048xf32>
    %mul3A_428 = arith.mulf %select_n3A_425, %mul3A_427 : vector<16x2048xf32>
    %add3A_429 = arith.addf %add3A_397, %mul3A_428 : vector<16x2048xf32>
    %slice3A_430 = vector.extract_strided_slice %get3A_16 {offsets = [0, 14], sizes = [16, 1], strides = [1, 1]} : vector<16x32xf32> to vector<16x1xf32>
    %mul3A_431 = vector.broadcast %slice3A_430 : vector<16x1xf32> to vector<16x2048xf32>
    %mul3A_432 = arith.mulf %select_n3A_425, %mul3A_431 : vector<16x2048xf32>
    %add3A_433 = arith.addf %add3A_401, %mul3A_432 : vector<16x2048xf32>
    %slice3A_434 = vector.extract_strided_slice %get3A_19 {offsets = [0, 13], sizes = [16, 1], strides = [1, 1]} : vector<16x32xf32> to vector<16x1xf32>
    %mul3A_435 = vector.broadcast %slice3A_434 : vector<16x1xf32> to vector<16x2048xf32>
    %mul3A_436 = arith.mulf %select_n3A_425, %mul3A_435 : vector<16x2048xf32>
    %add3A_437 = arith.addf %add3A_405, %mul3A_436 : vector<16x2048xf32>
    %slice3A_438 = vector.extract_strided_slice %get3A_19 {offsets = [0, 14], sizes = [16, 1], strides = [1, 1]} : vector<16x32xf32> to vector<16x1xf32>
    %mul3A_439 = vector.broadcast %slice3A_438 : vector<16x1xf32> to vector<16x2048xf32>
    %mul3A_440 = arith.mulf %select_n3A_425, %mul3A_439 : vector<16x2048xf32>
    %add3A_441 = arith.addf %add3A_409, %mul3A_440 : vector<16x2048xf32>
    %slice3A_442 = vector.extract_strided_slice %get3A_22 {offsets = [0, 13], sizes = [16, 1], strides = [1, 1]} : vector<16x32xf32> to vector<16x1xf32>
    %mul3A_443 = vector.broadcast %slice3A_442 : vector<16x1xf32> to vector<16x2048xf32>
    %mul3A_444 = arith.mulf %select_n3A_425, %mul3A_443 : vector<16x2048xf32>
    %add3A_445 = arith.addf %add3A_413, %mul3A_444 : vector<16x2048xf32>
    %slice3A_446 = vector.extract_strided_slice %get3A_22 {offsets = [0, 14], sizes = [16, 1], strides = [1, 1]} : vector<16x32xf32> to vector<16x1xf32>
    %mul3A_447 = vector.broadcast %slice3A_446 : vector<16x1xf32> to vector<16x2048xf32>
    %mul3A_448 = arith.mulf %select_n3A_425, %mul3A_447 : vector<16x2048xf32>
    %add3A_449 = arith.addf %add3A_417, %mul3A_448 : vector<16x2048xf32>
    %slice3A_450 = vector.extract_strided_slice %get3A_4 {offsets = [0, 14], sizes = [16, 1], strides = [1, 1]} : vector<16x32xf32> to vector<16x1xf32>
    %lt3A_451 = vector.broadcast %slice3A_450 : vector<16x1xf32> to vector<16x2048xf32>
    %lt3A_452 = arith.cmpf olt, %lt3A_451, %get3A_1 : vector<16x2048xf32>
    %jit3A_453 = arith.constant 1.000000e+00 : f32
    %jit3A_454 = arith.constant 0.000000e+00 : f32
    %broadcast_in_dim3A_455 = vector.broadcast %jit3A_453 : f32 to vector<16x2048xf32>
    %broadcast_in_dim3A_456 = vector.broadcast %jit3A_454 : f32 to vector<16x2048xf32>
    %select_n3A_457 = arith.select %lt3A_452, %broadcast_in_dim3A_455, %broadcast_in_dim3A_456 : vector<16x2048xi1>, vector<16x2048xf32>
    %slice3A_458 = vector.extract_strided_slice %get3A_16 {offsets = [0, 14], sizes = [16, 1], strides = [1, 1]} : vector<16x32xf32> to vector<16x1xf32>
    %mul3A_459 = vector.broadcast %slice3A_458 : vector<16x1xf32> to vector<16x2048xf32>
    %mul3A_460 = arith.mulf %select_n3A_457, %mul3A_459 : vector<16x2048xf32>
    %add3A_461 = arith.addf %add3A_429, %mul3A_460 : vector<16x2048xf32>
    %slice3A_462 = vector.extract_strided_slice %get3A_16 {offsets = [0, 15], sizes = [16, 1], strides = [1, 1]} : vector<16x32xf32> to vector<16x1xf32>
    %mul3A_463 = vector.broadcast %slice3A_462 : vector<16x1xf32> to vector<16x2048xf32>
    %mul3A_464 = arith.mulf %select_n3A_457, %mul3A_463 : vector<16x2048xf32>
    %add3A_465 = arith.addf %add3A_433, %mul3A_464 : vector<16x2048xf32>
    %slice3A_466 = vector.extract_strided_slice %get3A_19 {offsets = [0, 14], sizes = [16, 1], strides = [1, 1]} : vector<16x32xf32> to vector<16x1xf32>
    %mul3A_467 = vector.broadcast %slice3A_466 : vector<16x1xf32> to vector<16x2048xf32>
    %mul3A_468 = arith.mulf %select_n3A_457, %mul3A_467 : vector<16x2048xf32>
    %add3A_469 = arith.addf %add3A_437, %mul3A_468 : vector<16x2048xf32>
    %slice3A_470 = vector.extract_strided_slice %get3A_19 {offsets = [0, 15], sizes = [16, 1], strides = [1, 1]} : vector<16x32xf32> to vector<16x1xf32>
    %mul3A_471 = vector.broadcast %slice3A_470 : vector<16x1xf32> to vector<16x2048xf32>
    %mul3A_472 = arith.mulf %select_n3A_457, %mul3A_471 : vector<16x2048xf32>
    %add3A_473 = arith.addf %add3A_441, %mul3A_472 : vector<16x2048xf32>
    %slice3A_474 = vector.extract_strided_slice %get3A_22 {offsets = [0, 14], sizes = [16, 1], strides = [1, 1]} : vector<16x32xf32> to vector<16x1xf32>
    %mul3A_475 = vector.broadcast %slice3A_474 : vector<16x1xf32> to vector<16x2048xf32>
    %mul3A_476 = arith.mulf %select_n3A_457, %mul3A_475 : vector<16x2048xf32>
    %add3A_477 = arith.addf %add3A_445, %mul3A_476 : vector<16x2048xf32>
    %slice3A_478 = vector.extract_strided_slice %get3A_22 {offsets = [0, 15], sizes = [16, 1], strides = [1, 1]} : vector<16x32xf32> to vector<16x1xf32>
    %mul3A_479 = vector.broadcast %slice3A_478 : vector<16x1xf32> to vector<16x2048xf32>
    %mul3A_480 = arith.mulf %select_n3A_457, %mul3A_479 : vector<16x2048xf32>
    %add3A_481 = arith.addf %add3A_449, %mul3A_480 : vector<16x2048xf32>
    %slice3A_482 = vector.extract_strided_slice %get3A_4 {offsets = [0, 15], sizes = [16, 1], strides = [1, 1]} : vector<16x32xf32> to vector<16x1xf32>
    %lt3A_483 = vector.broadcast %slice3A_482 : vector<16x1xf32> to vector<16x2048xf32>
    %lt3A_484 = arith.cmpf olt, %lt3A_483, %get3A_1 : vector<16x2048xf32>
    %jit3A_485 = arith.constant 1.000000e+00 : f32
    %jit3A_486 = arith.constant 0.000000e+00 : f32
    %broadcast_in_dim3A_487 = vector.broadcast %jit3A_485 : f32 to vector<16x2048xf32>
    %broadcast_in_dim3A_488 = vector.broadcast %jit3A_486 : f32 to vector<16x2048xf32>
    %select_n3A_489 = arith.select %lt3A_484, %broadcast_in_dim3A_487, %broadcast_in_dim3A_488 : vector<16x2048xi1>, vector<16x2048xf32>
    %slice3A_490 = vector.extract_strided_slice %get3A_16 {offsets = [0, 15], sizes = [16, 1], strides = [1, 1]} : vector<16x32xf32> to vector<16x1xf32>
    %mul3A_491 = vector.broadcast %slice3A_490 : vector<16x1xf32> to vector<16x2048xf32>
    %mul3A_492 = arith.mulf %select_n3A_489, %mul3A_491 : vector<16x2048xf32>
    %add3A_493 = arith.addf %add3A_461, %mul3A_492 : vector<16x2048xf32>
    %slice3A_494 = vector.extract_strided_slice %get3A_16 {offsets = [0, 16], sizes = [16, 1], strides = [1, 1]} : vector<16x32xf32> to vector<16x1xf32>
    %mul3A_495 = vector.broadcast %slice3A_494 : vector<16x1xf32> to vector<16x2048xf32>
    %mul3A_496 = arith.mulf %select_n3A_489, %mul3A_495 : vector<16x2048xf32>
    %add3A_497 = arith.addf %add3A_465, %mul3A_496 : vector<16x2048xf32>
    %slice3A_498 = vector.extract_strided_slice %get3A_19 {offsets = [0, 15], sizes = [16, 1], strides = [1, 1]} : vector<16x32xf32> to vector<16x1xf32>
    %mul3A_499 = vector.broadcast %slice3A_498 : vector<16x1xf32> to vector<16x2048xf32>
    %mul3A_500 = arith.mulf %select_n3A_489, %mul3A_499 : vector<16x2048xf32>
    %add3A_501 = arith.addf %add3A_469, %mul3A_500 : vector<16x2048xf32>
    %slice3A_502 = vector.extract_strided_slice %get3A_19 {offsets = [0, 16], sizes = [16, 1], strides = [1, 1]} : vector<16x32xf32> to vector<16x1xf32>
    %mul3A_503 = vector.broadcast %slice3A_502 : vector<16x1xf32> to vector<16x2048xf32>
    %mul3A_504 = arith.mulf %select_n3A_489, %mul3A_503 : vector<16x2048xf32>
    %add3A_505 = arith.addf %add3A_473, %mul3A_504 : vector<16x2048xf32>
    %slice3A_506 = vector.extract_strided_slice %get3A_22 {offsets = [0, 15], sizes = [16, 1], strides = [1, 1]} : vector<16x32xf32> to vector<16x1xf32>
    %mul3A_507 = vector.broadcast %slice3A_506 : vector<16x1xf32> to vector<16x2048xf32>
    %mul3A_508 = arith.mulf %select_n3A_489, %mul3A_507 : vector<16x2048xf32>
    %add3A_509 = arith.addf %add3A_477, %mul3A_508 : vector<16x2048xf32>
    %slice3A_510 = vector.extract_strided_slice %get3A_22 {offsets = [0, 16], sizes = [16, 1], strides = [1, 1]} : vector<16x32xf32> to vector<16x1xf32>
    %mul3A_511 = vector.broadcast %slice3A_510 : vector<16x1xf32> to vector<16x2048xf32>
    %mul3A_512 = arith.mulf %select_n3A_489, %mul3A_511 : vector<16x2048xf32>
    %add3A_513 = arith.addf %add3A_481, %mul3A_512 : vector<16x2048xf32>
    %slice3A_514 = vector.extract_strided_slice %get3A_4 {offsets = [0, 16], sizes = [16, 1], strides = [1, 1]} : vector<16x32xf32> to vector<16x1xf32>
    %lt3A_515 = vector.broadcast %slice3A_514 : vector<16x1xf32> to vector<16x2048xf32>
    %lt3A_516 = arith.cmpf olt, %lt3A_515, %get3A_1 : vector<16x2048xf32>
    %jit3A_517 = arith.constant 1.000000e+00 : f32
    %jit3A_518 = arith.constant 0.000000e+00 : f32
    %broadcast_in_dim3A_519 = vector.broadcast %jit3A_517 : f32 to vector<16x2048xf32>
    %broadcast_in_dim3A_520 = vector.broadcast %jit3A_518 : f32 to vector<16x2048xf32>
    %select_n3A_521 = arith.select %lt3A_516, %broadcast_in_dim3A_519, %broadcast_in_dim3A_520 : vector<16x2048xi1>, vector<16x2048xf32>
    %slice3A_522 = vector.extract_strided_slice %get3A_16 {offsets = [0, 16], sizes = [16, 1], strides = [1, 1]} : vector<16x32xf32> to vector<16x1xf32>
    %mul3A_523 = vector.broadcast %slice3A_522 : vector<16x1xf32> to vector<16x2048xf32>
    %mul3A_524 = arith.mulf %select_n3A_521, %mul3A_523 : vector<16x2048xf32>
    %add3A_525 = arith.addf %add3A_493, %mul3A_524 : vector<16x2048xf32>
    %slice3A_526 = vector.extract_strided_slice %get3A_16 {offsets = [0, 17], sizes = [16, 1], strides = [1, 1]} : vector<16x32xf32> to vector<16x1xf32>
    %mul3A_527 = vector.broadcast %slice3A_526 : vector<16x1xf32> to vector<16x2048xf32>
    %mul3A_528 = arith.mulf %select_n3A_521, %mul3A_527 : vector<16x2048xf32>
    %add3A_529 = arith.addf %add3A_497, %mul3A_528 : vector<16x2048xf32>
    %slice3A_530 = vector.extract_strided_slice %get3A_19 {offsets = [0, 16], sizes = [16, 1], strides = [1, 1]} : vector<16x32xf32> to vector<16x1xf32>
    %mul3A_531 = vector.broadcast %slice3A_530 : vector<16x1xf32> to vector<16x2048xf32>
    %mul3A_532 = arith.mulf %select_n3A_521, %mul3A_531 : vector<16x2048xf32>
    %add3A_533 = arith.addf %add3A_501, %mul3A_532 : vector<16x2048xf32>
    %slice3A_534 = vector.extract_strided_slice %get3A_19 {offsets = [0, 17], sizes = [16, 1], strides = [1, 1]} : vector<16x32xf32> to vector<16x1xf32>
    %mul3A_535 = vector.broadcast %slice3A_534 : vector<16x1xf32> to vector<16x2048xf32>
    %mul3A_536 = arith.mulf %select_n3A_521, %mul3A_535 : vector<16x2048xf32>
    %add3A_537 = arith.addf %add3A_505, %mul3A_536 : vector<16x2048xf32>
    %slice3A_538 = vector.extract_strided_slice %get3A_22 {offsets = [0, 16], sizes = [16, 1], strides = [1, 1]} : vector<16x32xf32> to vector<16x1xf32>
    %mul3A_539 = vector.broadcast %slice3A_538 : vector<16x1xf32> to vector<16x2048xf32>
    %mul3A_540 = arith.mulf %select_n3A_521, %mul3A_539 : vector<16x2048xf32>
    %add3A_541 = arith.addf %add3A_509, %mul3A_540 : vector<16x2048xf32>
    %slice3A_542 = vector.extract_strided_slice %get3A_22 {offsets = [0, 17], sizes = [16, 1], strides = [1, 1]} : vector<16x32xf32> to vector<16x1xf32>
    %mul3A_543 = vector.broadcast %slice3A_542 : vector<16x1xf32> to vector<16x2048xf32>
    %mul3A_544 = arith.mulf %select_n3A_521, %mul3A_543 : vector<16x2048xf32>
    %add3A_545 = arith.addf %add3A_513, %mul3A_544 : vector<16x2048xf32>
    %slice3A_546 = vector.extract_strided_slice %get3A_4 {offsets = [0, 17], sizes = [16, 1], strides = [1, 1]} : vector<16x32xf32> to vector<16x1xf32>
    %lt3A_547 = vector.broadcast %slice3A_546 : vector<16x1xf32> to vector<16x2048xf32>
    %lt3A_548 = arith.cmpf olt, %lt3A_547, %get3A_1 : vector<16x2048xf32>
    %jit3A_549 = arith.constant 1.000000e+00 : f32
    %jit3A_550 = arith.constant 0.000000e+00 : f32
    %broadcast_in_dim3A_551 = vector.broadcast %jit3A_549 : f32 to vector<16x2048xf32>
    %broadcast_in_dim3A_552 = vector.broadcast %jit3A_550 : f32 to vector<16x2048xf32>
    %select_n3A_553 = arith.select %lt3A_548, %broadcast_in_dim3A_551, %broadcast_in_dim3A_552 : vector<16x2048xi1>, vector<16x2048xf32>
    %slice3A_554 = vector.extract_strided_slice %get3A_16 {offsets = [0, 17], sizes = [16, 1], strides = [1, 1]} : vector<16x32xf32> to vector<16x1xf32>
    %mul3A_555 = vector.broadcast %slice3A_554 : vector<16x1xf32> to vector<16x2048xf32>
    %mul3A_556 = arith.mulf %select_n3A_553, %mul3A_555 : vector<16x2048xf32>
    %add3A_557 = arith.addf %add3A_525, %mul3A_556 : vector<16x2048xf32>
    %slice3A_558 = vector.extract_strided_slice %get3A_16 {offsets = [0, 18], sizes = [16, 1], strides = [1, 1]} : vector<16x32xf32> to vector<16x1xf32>
    %mul3A_559 = vector.broadcast %slice3A_558 : vector<16x1xf32> to vector<16x2048xf32>
    %mul3A_560 = arith.mulf %select_n3A_553, %mul3A_559 : vector<16x2048xf32>
    %add3A_561 = arith.addf %add3A_529, %mul3A_560 : vector<16x2048xf32>
    %slice3A_562 = vector.extract_strided_slice %get3A_19 {offsets = [0, 17], sizes = [16, 1], strides = [1, 1]} : vector<16x32xf32> to vector<16x1xf32>
    %mul3A_563 = vector.broadcast %slice3A_562 : vector<16x1xf32> to vector<16x2048xf32>
    %mul3A_564 = arith.mulf %select_n3A_553, %mul3A_563 : vector<16x2048xf32>
    %add3A_565 = arith.addf %add3A_533, %mul3A_564 : vector<16x2048xf32>
    %slice3A_566 = vector.extract_strided_slice %get3A_19 {offsets = [0, 18], sizes = [16, 1], strides = [1, 1]} : vector<16x32xf32> to vector<16x1xf32>
    %mul3A_567 = vector.broadcast %slice3A_566 : vector<16x1xf32> to vector<16x2048xf32>
    %mul3A_568 = arith.mulf %select_n3A_553, %mul3A_567 : vector<16x2048xf32>
    %add3A_569 = arith.addf %add3A_537, %mul3A_568 : vector<16x2048xf32>
    %slice3A_570 = vector.extract_strided_slice %get3A_22 {offsets = [0, 17], sizes = [16, 1], strides = [1, 1]} : vector<16x32xf32> to vector<16x1xf32>
    %mul3A_571 = vector.broadcast %slice3A_570 : vector<16x1xf32> to vector<16x2048xf32>
    %mul3A_572 = arith.mulf %select_n3A_553, %mul3A_571 : vector<16x2048xf32>
    %add3A_573 = arith.addf %add3A_541, %mul3A_572 : vector<16x2048xf32>
    %slice3A_574 = vector.extract_strided_slice %get3A_22 {offsets = [0, 18], sizes = [16, 1], strides = [1, 1]} : vector<16x32xf32> to vector<16x1xf32>
    %mul3A_575 = vector.broadcast %slice3A_574 : vector<16x1xf32> to vector<16x2048xf32>
    %mul3A_576 = arith.mulf %select_n3A_553, %mul3A_575 : vector<16x2048xf32>
    %add3A_577 = arith.addf %add3A_545, %mul3A_576 : vector<16x2048xf32>
    %slice3A_578 = vector.extract_strided_slice %get3A_4 {offsets = [0, 18], sizes = [16, 1], strides = [1, 1]} : vector<16x32xf32> to vector<16x1xf32>
    %lt3A_579 = vector.broadcast %slice3A_578 : vector<16x1xf32> to vector<16x2048xf32>
    %lt3A_580 = arith.cmpf olt, %lt3A_579, %get3A_1 : vector<16x2048xf32>
    %jit3A_581 = arith.constant 1.000000e+00 : f32
    %jit3A_582 = arith.constant 0.000000e+00 : f32
    %broadcast_in_dim3A_583 = vector.broadcast %jit3A_581 : f32 to vector<16x2048xf32>
    %broadcast_in_dim3A_584 = vector.broadcast %jit3A_582 : f32 to vector<16x2048xf32>
    %select_n3A_585 = arith.select %lt3A_580, %broadcast_in_dim3A_583, %broadcast_in_dim3A_584 : vector<16x2048xi1>, vector<16x2048xf32>
    %slice3A_586 = vector.extract_strided_slice %get3A_16 {offsets = [0, 18], sizes = [16, 1], strides = [1, 1]} : vector<16x32xf32> to vector<16x1xf32>
    %mul3A_587 = vector.broadcast %slice3A_586 : vector<16x1xf32> to vector<16x2048xf32>
    %mul3A_588 = arith.mulf %select_n3A_585, %mul3A_587 : vector<16x2048xf32>
    %add3A_589 = arith.addf %add3A_557, %mul3A_588 : vector<16x2048xf32>
    %slice3A_590 = vector.extract_strided_slice %get3A_16 {offsets = [0, 19], sizes = [16, 1], strides = [1, 1]} : vector<16x32xf32> to vector<16x1xf32>
    %mul3A_591 = vector.broadcast %slice3A_590 : vector<16x1xf32> to vector<16x2048xf32>
    %mul3A_592 = arith.mulf %select_n3A_585, %mul3A_591 : vector<16x2048xf32>
    %add3A_593 = arith.addf %add3A_561, %mul3A_592 : vector<16x2048xf32>
    %slice3A_594 = vector.extract_strided_slice %get3A_19 {offsets = [0, 18], sizes = [16, 1], strides = [1, 1]} : vector<16x32xf32> to vector<16x1xf32>
    %mul3A_595 = vector.broadcast %slice3A_594 : vector<16x1xf32> to vector<16x2048xf32>
    %mul3A_596 = arith.mulf %select_n3A_585, %mul3A_595 : vector<16x2048xf32>
    %add3A_597 = arith.addf %add3A_565, %mul3A_596 : vector<16x2048xf32>
    %slice3A_598 = vector.extract_strided_slice %get3A_19 {offsets = [0, 19], sizes = [16, 1], strides = [1, 1]} : vector<16x32xf32> to vector<16x1xf32>
    %mul3A_599 = vector.broadcast %slice3A_598 : vector<16x1xf32> to vector<16x2048xf32>
    %mul3A_600 = arith.mulf %select_n3A_585, %mul3A_599 : vector<16x2048xf32>
    %add3A_601 = arith.addf %add3A_569, %mul3A_600 : vector<16x2048xf32>
    %slice3A_602 = vector.extract_strided_slice %get3A_22 {offsets = [0, 18], sizes = [16, 1], strides = [1, 1]} : vector<16x32xf32> to vector<16x1xf32>
    %mul3A_603 = vector.broadcast %slice3A_602 : vector<16x1xf32> to vector<16x2048xf32>
    %mul3A_604 = arith.mulf %select_n3A_585, %mul3A_603 : vector<16x2048xf32>
    %add3A_605 = arith.addf %add3A_573, %mul3A_604 : vector<16x2048xf32>
    %slice3A_606 = vector.extract_strided_slice %get3A_22 {offsets = [0, 19], sizes = [16, 1], strides = [1, 1]} : vector<16x32xf32> to vector<16x1xf32>
    %mul3A_607 = vector.broadcast %slice3A_606 : vector<16x1xf32> to vector<16x2048xf32>
    %mul3A_608 = arith.mulf %select_n3A_585, %mul3A_607 : vector<16x2048xf32>
    %add3A_609 = arith.addf %add3A_577, %mul3A_608 : vector<16x2048xf32>
    %slice3A_610 = vector.extract_strided_slice %get3A_4 {offsets = [0, 19], sizes = [16, 1], strides = [1, 1]} : vector<16x32xf32> to vector<16x1xf32>
    %lt3A_611 = vector.broadcast %slice3A_610 : vector<16x1xf32> to vector<16x2048xf32>
    %lt3A_612 = arith.cmpf olt, %lt3A_611, %get3A_1 : vector<16x2048xf32>
    %jit3A_613 = arith.constant 1.000000e+00 : f32
    %jit3A_614 = arith.constant 0.000000e+00 : f32
    %broadcast_in_dim3A_615 = vector.broadcast %jit3A_613 : f32 to vector<16x2048xf32>
    %broadcast_in_dim3A_616 = vector.broadcast %jit3A_614 : f32 to vector<16x2048xf32>
    %select_n3A_617 = arith.select %lt3A_612, %broadcast_in_dim3A_615, %broadcast_in_dim3A_616 : vector<16x2048xi1>, vector<16x2048xf32>
    %slice3A_618 = vector.extract_strided_slice %get3A_16 {offsets = [0, 19], sizes = [16, 1], strides = [1, 1]} : vector<16x32xf32> to vector<16x1xf32>
    %mul3A_619 = vector.broadcast %slice3A_618 : vector<16x1xf32> to vector<16x2048xf32>
    %mul3A_620 = arith.mulf %select_n3A_617, %mul3A_619 : vector<16x2048xf32>
    %add3A_621 = arith.addf %add3A_589, %mul3A_620 : vector<16x2048xf32>
    %slice3A_622 = vector.extract_strided_slice %get3A_16 {offsets = [0, 20], sizes = [16, 1], strides = [1, 1]} : vector<16x32xf32> to vector<16x1xf32>
    %mul3A_623 = vector.broadcast %slice3A_622 : vector<16x1xf32> to vector<16x2048xf32>
    %mul3A_624 = arith.mulf %select_n3A_617, %mul3A_623 : vector<16x2048xf32>
    %add3A_625 = arith.addf %add3A_593, %mul3A_624 : vector<16x2048xf32>
    %slice3A_626 = vector.extract_strided_slice %get3A_19 {offsets = [0, 19], sizes = [16, 1], strides = [1, 1]} : vector<16x32xf32> to vector<16x1xf32>
    %mul3A_627 = vector.broadcast %slice3A_626 : vector<16x1xf32> to vector<16x2048xf32>
    %mul3A_628 = arith.mulf %select_n3A_617, %mul3A_627 : vector<16x2048xf32>
    %add3A_629 = arith.addf %add3A_597, %mul3A_628 : vector<16x2048xf32>
    %slice3A_630 = vector.extract_strided_slice %get3A_19 {offsets = [0, 20], sizes = [16, 1], strides = [1, 1]} : vector<16x32xf32> to vector<16x1xf32>
    %mul3A_631 = vector.broadcast %slice3A_630 : vector<16x1xf32> to vector<16x2048xf32>
    %mul3A_632 = arith.mulf %select_n3A_617, %mul3A_631 : vector<16x2048xf32>
    %add3A_633 = arith.addf %add3A_601, %mul3A_632 : vector<16x2048xf32>
    %slice3A_634 = vector.extract_strided_slice %get3A_22 {offsets = [0, 19], sizes = [16, 1], strides = [1, 1]} : vector<16x32xf32> to vector<16x1xf32>
    %mul3A_635 = vector.broadcast %slice3A_634 : vector<16x1xf32> to vector<16x2048xf32>
    %mul3A_636 = arith.mulf %select_n3A_617, %mul3A_635 : vector<16x2048xf32>
    %add3A_637 = arith.addf %add3A_605, %mul3A_636 : vector<16x2048xf32>
    %slice3A_638 = vector.extract_strided_slice %get3A_22 {offsets = [0, 20], sizes = [16, 1], strides = [1, 1]} : vector<16x32xf32> to vector<16x1xf32>
    %mul3A_639 = vector.broadcast %slice3A_638 : vector<16x1xf32> to vector<16x2048xf32>
    %mul3A_640 = arith.mulf %select_n3A_617, %mul3A_639 : vector<16x2048xf32>
    %add3A_641 = arith.addf %add3A_609, %mul3A_640 : vector<16x2048xf32>
    %slice3A_642 = vector.extract_strided_slice %get3A_4 {offsets = [0, 20], sizes = [16, 1], strides = [1, 1]} : vector<16x32xf32> to vector<16x1xf32>
    %lt3A_643 = vector.broadcast %slice3A_642 : vector<16x1xf32> to vector<16x2048xf32>
    %lt3A_644 = arith.cmpf olt, %lt3A_643, %get3A_1 : vector<16x2048xf32>
    %jit3A_645 = arith.constant 1.000000e+00 : f32
    %jit3A_646 = arith.constant 0.000000e+00 : f32
    %broadcast_in_dim3A_647 = vector.broadcast %jit3A_645 : f32 to vector<16x2048xf32>
    %broadcast_in_dim3A_648 = vector.broadcast %jit3A_646 : f32 to vector<16x2048xf32>
    %select_n3A_649 = arith.select %lt3A_644, %broadcast_in_dim3A_647, %broadcast_in_dim3A_648 : vector<16x2048xi1>, vector<16x2048xf32>
    %slice3A_650 = vector.extract_strided_slice %get3A_16 {offsets = [0, 20], sizes = [16, 1], strides = [1, 1]} : vector<16x32xf32> to vector<16x1xf32>
    %mul3A_651 = vector.broadcast %slice3A_650 : vector<16x1xf32> to vector<16x2048xf32>
    %mul3A_652 = arith.mulf %select_n3A_649, %mul3A_651 : vector<16x2048xf32>
    %add3A_653 = arith.addf %add3A_621, %mul3A_652 : vector<16x2048xf32>
    %slice3A_654 = vector.extract_strided_slice %get3A_16 {offsets = [0, 21], sizes = [16, 1], strides = [1, 1]} : vector<16x32xf32> to vector<16x1xf32>
    %mul3A_655 = vector.broadcast %slice3A_654 : vector<16x1xf32> to vector<16x2048xf32>
    %mul3A_656 = arith.mulf %select_n3A_649, %mul3A_655 : vector<16x2048xf32>
    %add3A_657 = arith.addf %add3A_625, %mul3A_656 : vector<16x2048xf32>
    %slice3A_658 = vector.extract_strided_slice %get3A_19 {offsets = [0, 20], sizes = [16, 1], strides = [1, 1]} : vector<16x32xf32> to vector<16x1xf32>
    %mul3A_659 = vector.broadcast %slice3A_658 : vector<16x1xf32> to vector<16x2048xf32>
    %mul3A_660 = arith.mulf %select_n3A_649, %mul3A_659 : vector<16x2048xf32>
    %add3A_661 = arith.addf %add3A_629, %mul3A_660 : vector<16x2048xf32>
    %slice3A_662 = vector.extract_strided_slice %get3A_19 {offsets = [0, 21], sizes = [16, 1], strides = [1, 1]} : vector<16x32xf32> to vector<16x1xf32>
    %mul3A_663 = vector.broadcast %slice3A_662 : vector<16x1xf32> to vector<16x2048xf32>
    %mul3A_664 = arith.mulf %select_n3A_649, %mul3A_663 : vector<16x2048xf32>
    %add3A_665 = arith.addf %add3A_633, %mul3A_664 : vector<16x2048xf32>
    %slice3A_666 = vector.extract_strided_slice %get3A_22 {offsets = [0, 20], sizes = [16, 1], strides = [1, 1]} : vector<16x32xf32> to vector<16x1xf32>
    %mul3A_667 = vector.broadcast %slice3A_666 : vector<16x1xf32> to vector<16x2048xf32>
    %mul3A_668 = arith.mulf %select_n3A_649, %mul3A_667 : vector<16x2048xf32>
    %add3A_669 = arith.addf %add3A_637, %mul3A_668 : vector<16x2048xf32>
    %slice3A_670 = vector.extract_strided_slice %get3A_22 {offsets = [0, 21], sizes = [16, 1], strides = [1, 1]} : vector<16x32xf32> to vector<16x1xf32>
    %mul3A_671 = vector.broadcast %slice3A_670 : vector<16x1xf32> to vector<16x2048xf32>
    %mul3A_672 = arith.mulf %select_n3A_649, %mul3A_671 : vector<16x2048xf32>
    %add3A_673 = arith.addf %add3A_641, %mul3A_672 : vector<16x2048xf32>
    %slice3A_674 = vector.extract_strided_slice %get3A_4 {offsets = [0, 21], sizes = [16, 1], strides = [1, 1]} : vector<16x32xf32> to vector<16x1xf32>
    %lt3A_675 = vector.broadcast %slice3A_674 : vector<16x1xf32> to vector<16x2048xf32>
    %lt3A_676 = arith.cmpf olt, %lt3A_675, %get3A_1 : vector<16x2048xf32>
    %jit3A_677 = arith.constant 1.000000e+00 : f32
    %jit3A_678 = arith.constant 0.000000e+00 : f32
    %broadcast_in_dim3A_679 = vector.broadcast %jit3A_677 : f32 to vector<16x2048xf32>
    %broadcast_in_dim3A_680 = vector.broadcast %jit3A_678 : f32 to vector<16x2048xf32>
    %select_n3A_681 = arith.select %lt3A_676, %broadcast_in_dim3A_679, %broadcast_in_dim3A_680 : vector<16x2048xi1>, vector<16x2048xf32>
    %slice3A_682 = vector.extract_strided_slice %get3A_16 {offsets = [0, 21], sizes = [16, 1], strides = [1, 1]} : vector<16x32xf32> to vector<16x1xf32>
    %mul3A_683 = vector.broadcast %slice3A_682 : vector<16x1xf32> to vector<16x2048xf32>
    %mul3A_684 = arith.mulf %select_n3A_681, %mul3A_683 : vector<16x2048xf32>
    %add3A_685 = arith.addf %add3A_653, %mul3A_684 : vector<16x2048xf32>
    %slice3A_686 = vector.extract_strided_slice %get3A_16 {offsets = [0, 22], sizes = [16, 1], strides = [1, 1]} : vector<16x32xf32> to vector<16x1xf32>
    %mul3A_687 = vector.broadcast %slice3A_686 : vector<16x1xf32> to vector<16x2048xf32>
    %mul3A_688 = arith.mulf %select_n3A_681, %mul3A_687 : vector<16x2048xf32>
    %add3A_689 = arith.addf %add3A_657, %mul3A_688 : vector<16x2048xf32>
    %slice3A_690 = vector.extract_strided_slice %get3A_19 {offsets = [0, 21], sizes = [16, 1], strides = [1, 1]} : vector<16x32xf32> to vector<16x1xf32>
    %mul3A_691 = vector.broadcast %slice3A_690 : vector<16x1xf32> to vector<16x2048xf32>
    %mul3A_692 = arith.mulf %select_n3A_681, %mul3A_691 : vector<16x2048xf32>
    %add3A_693 = arith.addf %add3A_661, %mul3A_692 : vector<16x2048xf32>
    %slice3A_694 = vector.extract_strided_slice %get3A_19 {offsets = [0, 22], sizes = [16, 1], strides = [1, 1]} : vector<16x32xf32> to vector<16x1xf32>
    %mul3A_695 = vector.broadcast %slice3A_694 : vector<16x1xf32> to vector<16x2048xf32>
    %mul3A_696 = arith.mulf %select_n3A_681, %mul3A_695 : vector<16x2048xf32>
    %add3A_697 = arith.addf %add3A_665, %mul3A_696 : vector<16x2048xf32>
    %slice3A_698 = vector.extract_strided_slice %get3A_22 {offsets = [0, 21], sizes = [16, 1], strides = [1, 1]} : vector<16x32xf32> to vector<16x1xf32>
    %mul3A_699 = vector.broadcast %slice3A_698 : vector<16x1xf32> to vector<16x2048xf32>
    %mul3A_700 = arith.mulf %select_n3A_681, %mul3A_699 : vector<16x2048xf32>
    %add3A_701 = arith.addf %add3A_669, %mul3A_700 : vector<16x2048xf32>
    %slice3A_702 = vector.extract_strided_slice %get3A_22 {offsets = [0, 22], sizes = [16, 1], strides = [1, 1]} : vector<16x32xf32> to vector<16x1xf32>
    %mul3A_703 = vector.broadcast %slice3A_702 : vector<16x1xf32> to vector<16x2048xf32>
    %mul3A_704 = arith.mulf %select_n3A_681, %mul3A_703 : vector<16x2048xf32>
    %add3A_705 = arith.addf %add3A_673, %mul3A_704 : vector<16x2048xf32>
    %slice3A_706 = vector.extract_strided_slice %get3A_4 {offsets = [0, 22], sizes = [16, 1], strides = [1, 1]} : vector<16x32xf32> to vector<16x1xf32>
    %lt3A_707 = vector.broadcast %slice3A_706 : vector<16x1xf32> to vector<16x2048xf32>
    %lt3A_708 = arith.cmpf olt, %lt3A_707, %get3A_1 : vector<16x2048xf32>
    %jit3A_709 = arith.constant 1.000000e+00 : f32
    %jit3A_710 = arith.constant 0.000000e+00 : f32
    %broadcast_in_dim3A_711 = vector.broadcast %jit3A_709 : f32 to vector<16x2048xf32>
    %broadcast_in_dim3A_712 = vector.broadcast %jit3A_710 : f32 to vector<16x2048xf32>
    %select_n3A_713 = arith.select %lt3A_708, %broadcast_in_dim3A_711, %broadcast_in_dim3A_712 : vector<16x2048xi1>, vector<16x2048xf32>
    %slice3A_714 = vector.extract_strided_slice %get3A_16 {offsets = [0, 22], sizes = [16, 1], strides = [1, 1]} : vector<16x32xf32> to vector<16x1xf32>
    %mul3A_715 = vector.broadcast %slice3A_714 : vector<16x1xf32> to vector<16x2048xf32>
    %mul3A_716 = arith.mulf %select_n3A_713, %mul3A_715 : vector<16x2048xf32>
    %add3A_717 = arith.addf %add3A_685, %mul3A_716 : vector<16x2048xf32>
    %slice3A_718 = vector.extract_strided_slice %get3A_16 {offsets = [0, 23], sizes = [16, 1], strides = [1, 1]} : vector<16x32xf32> to vector<16x1xf32>
    %mul3A_719 = vector.broadcast %slice3A_718 : vector<16x1xf32> to vector<16x2048xf32>
    %mul3A_720 = arith.mulf %select_n3A_713, %mul3A_719 : vector<16x2048xf32>
    %add3A_721 = arith.addf %add3A_689, %mul3A_720 : vector<16x2048xf32>
    %slice3A_722 = vector.extract_strided_slice %get3A_19 {offsets = [0, 22], sizes = [16, 1], strides = [1, 1]} : vector<16x32xf32> to vector<16x1xf32>
    %mul3A_723 = vector.broadcast %slice3A_722 : vector<16x1xf32> to vector<16x2048xf32>
    %mul3A_724 = arith.mulf %select_n3A_713, %mul3A_723 : vector<16x2048xf32>
    %add3A_725 = arith.addf %add3A_693, %mul3A_724 : vector<16x2048xf32>
    %slice3A_726 = vector.extract_strided_slice %get3A_19 {offsets = [0, 23], sizes = [16, 1], strides = [1, 1]} : vector<16x32xf32> to vector<16x1xf32>
    %mul3A_727 = vector.broadcast %slice3A_726 : vector<16x1xf32> to vector<16x2048xf32>
    %mul3A_728 = arith.mulf %select_n3A_713, %mul3A_727 : vector<16x2048xf32>
    %add3A_729 = arith.addf %add3A_697, %mul3A_728 : vector<16x2048xf32>
    %slice3A_730 = vector.extract_strided_slice %get3A_22 {offsets = [0, 22], sizes = [16, 1], strides = [1, 1]} : vector<16x32xf32> to vector<16x1xf32>
    %mul3A_731 = vector.broadcast %slice3A_730 : vector<16x1xf32> to vector<16x2048xf32>
    %mul3A_732 = arith.mulf %select_n3A_713, %mul3A_731 : vector<16x2048xf32>
    %add3A_733 = arith.addf %add3A_701, %mul3A_732 : vector<16x2048xf32>
    %slice3A_734 = vector.extract_strided_slice %get3A_22 {offsets = [0, 23], sizes = [16, 1], strides = [1, 1]} : vector<16x32xf32> to vector<16x1xf32>
    %mul3A_735 = vector.broadcast %slice3A_734 : vector<16x1xf32> to vector<16x2048xf32>
    %mul3A_736 = arith.mulf %select_n3A_713, %mul3A_735 : vector<16x2048xf32>
    %add3A_737 = arith.addf %add3A_705, %mul3A_736 : vector<16x2048xf32>
    %slice3A_738 = vector.extract_strided_slice %get3A_4 {offsets = [0, 23], sizes = [16, 1], strides = [1, 1]} : vector<16x32xf32> to vector<16x1xf32>
    %lt3A_739 = vector.broadcast %slice3A_738 : vector<16x1xf32> to vector<16x2048xf32>
    %lt3A_740 = arith.cmpf olt, %lt3A_739, %get3A_1 : vector<16x2048xf32>
    %jit3A_741 = arith.constant 1.000000e+00 : f32
    %jit3A_742 = arith.constant 0.000000e+00 : f32
    %broadcast_in_dim3A_743 = vector.broadcast %jit3A_741 : f32 to vector<16x2048xf32>
    %broadcast_in_dim3A_744 = vector.broadcast %jit3A_742 : f32 to vector<16x2048xf32>
    %select_n3A_745 = arith.select %lt3A_740, %broadcast_in_dim3A_743, %broadcast_in_dim3A_744 : vector<16x2048xi1>, vector<16x2048xf32>
    %slice3A_746 = vector.extract_strided_slice %get3A_16 {offsets = [0, 23], sizes = [16, 1], strides = [1, 1]} : vector<16x32xf32> to vector<16x1xf32>
    %mul3A_747 = vector.broadcast %slice3A_746 : vector<16x1xf32> to vector<16x2048xf32>
    %mul3A_748 = arith.mulf %select_n3A_745, %mul3A_747 : vector<16x2048xf32>
    %add3A_749 = arith.addf %add3A_717, %mul3A_748 : vector<16x2048xf32>
    %slice3A_750 = vector.extract_strided_slice %get3A_16 {offsets = [0, 24], sizes = [16, 1], strides = [1, 1]} : vector<16x32xf32> to vector<16x1xf32>
    %mul3A_751 = vector.broadcast %slice3A_750 : vector<16x1xf32> to vector<16x2048xf32>
    %mul3A_752 = arith.mulf %select_n3A_745, %mul3A_751 : vector<16x2048xf32>
    %add3A_753 = arith.addf %add3A_721, %mul3A_752 : vector<16x2048xf32>
    %slice3A_754 = vector.extract_strided_slice %get3A_19 {offsets = [0, 23], sizes = [16, 1], strides = [1, 1]} : vector<16x32xf32> to vector<16x1xf32>
    %mul3A_755 = vector.broadcast %slice3A_754 : vector<16x1xf32> to vector<16x2048xf32>
    %mul3A_756 = arith.mulf %select_n3A_745, %mul3A_755 : vector<16x2048xf32>
    %add3A_757 = arith.addf %add3A_725, %mul3A_756 : vector<16x2048xf32>
    %slice3A_758 = vector.extract_strided_slice %get3A_19 {offsets = [0, 24], sizes = [16, 1], strides = [1, 1]} : vector<16x32xf32> to vector<16x1xf32>
    %mul3A_759 = vector.broadcast %slice3A_758 : vector<16x1xf32> to vector<16x2048xf32>
    %mul3A_760 = arith.mulf %select_n3A_745, %mul3A_759 : vector<16x2048xf32>
    %add3A_761 = arith.addf %add3A_729, %mul3A_760 : vector<16x2048xf32>
    %slice3A_762 = vector.extract_strided_slice %get3A_22 {offsets = [0, 23], sizes = [16, 1], strides = [1, 1]} : vector<16x32xf32> to vector<16x1xf32>
    %mul3A_763 = vector.broadcast %slice3A_762 : vector<16x1xf32> to vector<16x2048xf32>
    %mul3A_764 = arith.mulf %select_n3A_745, %mul3A_763 : vector<16x2048xf32>
    %add3A_765 = arith.addf %add3A_733, %mul3A_764 : vector<16x2048xf32>
    %slice3A_766 = vector.extract_strided_slice %get3A_22 {offsets = [0, 24], sizes = [16, 1], strides = [1, 1]} : vector<16x32xf32> to vector<16x1xf32>
    %mul3A_767 = vector.broadcast %slice3A_766 : vector<16x1xf32> to vector<16x2048xf32>
    %mul3A_768 = arith.mulf %select_n3A_745, %mul3A_767 : vector<16x2048xf32>
    %add3A_769 = arith.addf %add3A_737, %mul3A_768 : vector<16x2048xf32>
    %slice3A_770 = vector.extract_strided_slice %get3A_4 {offsets = [0, 24], sizes = [16, 1], strides = [1, 1]} : vector<16x32xf32> to vector<16x1xf32>
    %lt3A_771 = vector.broadcast %slice3A_770 : vector<16x1xf32> to vector<16x2048xf32>
    %lt3A_772 = arith.cmpf olt, %lt3A_771, %get3A_1 : vector<16x2048xf32>
    %jit3A_773 = arith.constant 1.000000e+00 : f32
    %jit3A_774 = arith.constant 0.000000e+00 : f32
    %broadcast_in_dim3A_775 = vector.broadcast %jit3A_773 : f32 to vector<16x2048xf32>
    %broadcast_in_dim3A_776 = vector.broadcast %jit3A_774 : f32 to vector<16x2048xf32>
    %select_n3A_777 = arith.select %lt3A_772, %broadcast_in_dim3A_775, %broadcast_in_dim3A_776 : vector<16x2048xi1>, vector<16x2048xf32>
    %slice3A_778 = vector.extract_strided_slice %get3A_16 {offsets = [0, 24], sizes = [16, 1], strides = [1, 1]} : vector<16x32xf32> to vector<16x1xf32>
    %mul3A_779 = vector.broadcast %slice3A_778 : vector<16x1xf32> to vector<16x2048xf32>
    %mul3A_780 = arith.mulf %select_n3A_777, %mul3A_779 : vector<16x2048xf32>
    %add3A_781 = arith.addf %add3A_749, %mul3A_780 : vector<16x2048xf32>
    %slice3A_782 = vector.extract_strided_slice %get3A_16 {offsets = [0, 25], sizes = [16, 1], strides = [1, 1]} : vector<16x32xf32> to vector<16x1xf32>
    %mul3A_783 = vector.broadcast %slice3A_782 : vector<16x1xf32> to vector<16x2048xf32>
    %mul3A_784 = arith.mulf %select_n3A_777, %mul3A_783 : vector<16x2048xf32>
    %add3A_785 = arith.addf %add3A_753, %mul3A_784 : vector<16x2048xf32>
    %slice3A_786 = vector.extract_strided_slice %get3A_19 {offsets = [0, 24], sizes = [16, 1], strides = [1, 1]} : vector<16x32xf32> to vector<16x1xf32>
    %mul3A_787 = vector.broadcast %slice3A_786 : vector<16x1xf32> to vector<16x2048xf32>
    %mul3A_788 = arith.mulf %select_n3A_777, %mul3A_787 : vector<16x2048xf32>
    %add3A_789 = arith.addf %add3A_757, %mul3A_788 : vector<16x2048xf32>
    %slice3A_790 = vector.extract_strided_slice %get3A_19 {offsets = [0, 25], sizes = [16, 1], strides = [1, 1]} : vector<16x32xf32> to vector<16x1xf32>
    %mul3A_791 = vector.broadcast %slice3A_790 : vector<16x1xf32> to vector<16x2048xf32>
    %mul3A_792 = arith.mulf %select_n3A_777, %mul3A_791 : vector<16x2048xf32>
    %add3A_793 = arith.addf %add3A_761, %mul3A_792 : vector<16x2048xf32>
    %slice3A_794 = vector.extract_strided_slice %get3A_22 {offsets = [0, 24], sizes = [16, 1], strides = [1, 1]} : vector<16x32xf32> to vector<16x1xf32>
    %mul3A_795 = vector.broadcast %slice3A_794 : vector<16x1xf32> to vector<16x2048xf32>
    %mul3A_796 = arith.mulf %select_n3A_777, %mul3A_795 : vector<16x2048xf32>
    %add3A_797 = arith.addf %add3A_765, %mul3A_796 : vector<16x2048xf32>
    %slice3A_798 = vector.extract_strided_slice %get3A_22 {offsets = [0, 25], sizes = [16, 1], strides = [1, 1]} : vector<16x32xf32> to vector<16x1xf32>
    %mul3A_799 = vector.broadcast %slice3A_798 : vector<16x1xf32> to vector<16x2048xf32>
    %mul3A_800 = arith.mulf %select_n3A_777, %mul3A_799 : vector<16x2048xf32>
    %add3A_801 = arith.addf %add3A_769, %mul3A_800 : vector<16x2048xf32>
    %slice3A_802 = vector.extract_strided_slice %get3A_4 {offsets = [0, 25], sizes = [16, 1], strides = [1, 1]} : vector<16x32xf32> to vector<16x1xf32>
    %lt3A_803 = vector.broadcast %slice3A_802 : vector<16x1xf32> to vector<16x2048xf32>
    %lt3A_804 = arith.cmpf olt, %lt3A_803, %get3A_1 : vector<16x2048xf32>
    %jit3A_805 = arith.constant 1.000000e+00 : f32
    %jit3A_806 = arith.constant 0.000000e+00 : f32
    %broadcast_in_dim3A_807 = vector.broadcast %jit3A_805 : f32 to vector<16x2048xf32>
    %broadcast_in_dim3A_808 = vector.broadcast %jit3A_806 : f32 to vector<16x2048xf32>
    %select_n3A_809 = arith.select %lt3A_804, %broadcast_in_dim3A_807, %broadcast_in_dim3A_808 : vector<16x2048xi1>, vector<16x2048xf32>
    %slice3A_810 = vector.extract_strided_slice %get3A_16 {offsets = [0, 25], sizes = [16, 1], strides = [1, 1]} : vector<16x32xf32> to vector<16x1xf32>
    %mul3A_811 = vector.broadcast %slice3A_810 : vector<16x1xf32> to vector<16x2048xf32>
    %mul3A_812 = arith.mulf %select_n3A_809, %mul3A_811 : vector<16x2048xf32>
    %add3A_813 = arith.addf %add3A_781, %mul3A_812 : vector<16x2048xf32>
    %slice3A_814 = vector.extract_strided_slice %get3A_16 {offsets = [0, 26], sizes = [16, 1], strides = [1, 1]} : vector<16x32xf32> to vector<16x1xf32>
    %mul3A_815 = vector.broadcast %slice3A_814 : vector<16x1xf32> to vector<16x2048xf32>
    %mul3A_816 = arith.mulf %select_n3A_809, %mul3A_815 : vector<16x2048xf32>
    %add3A_817 = arith.addf %add3A_785, %mul3A_816 : vector<16x2048xf32>
    %slice3A_818 = vector.extract_strided_slice %get3A_19 {offsets = [0, 25], sizes = [16, 1], strides = [1, 1]} : vector<16x32xf32> to vector<16x1xf32>
    %mul3A_819 = vector.broadcast %slice3A_818 : vector<16x1xf32> to vector<16x2048xf32>
    %mul3A_820 = arith.mulf %select_n3A_809, %mul3A_819 : vector<16x2048xf32>
    %add3A_821 = arith.addf %add3A_789, %mul3A_820 : vector<16x2048xf32>
    %slice3A_822 = vector.extract_strided_slice %get3A_19 {offsets = [0, 26], sizes = [16, 1], strides = [1, 1]} : vector<16x32xf32> to vector<16x1xf32>
    %mul3A_823 = vector.broadcast %slice3A_822 : vector<16x1xf32> to vector<16x2048xf32>
    %mul3A_824 = arith.mulf %select_n3A_809, %mul3A_823 : vector<16x2048xf32>
    %add3A_825 = arith.addf %add3A_793, %mul3A_824 : vector<16x2048xf32>
    %slice3A_826 = vector.extract_strided_slice %get3A_22 {offsets = [0, 25], sizes = [16, 1], strides = [1, 1]} : vector<16x32xf32> to vector<16x1xf32>
    %mul3A_827 = vector.broadcast %slice3A_826 : vector<16x1xf32> to vector<16x2048xf32>
    %mul3A_828 = arith.mulf %select_n3A_809, %mul3A_827 : vector<16x2048xf32>
    %add3A_829 = arith.addf %add3A_797, %mul3A_828 : vector<16x2048xf32>
    %slice3A_830 = vector.extract_strided_slice %get3A_22 {offsets = [0, 26], sizes = [16, 1], strides = [1, 1]} : vector<16x32xf32> to vector<16x1xf32>
    %mul3A_831 = vector.broadcast %slice3A_830 : vector<16x1xf32> to vector<16x2048xf32>
    %mul3A_832 = arith.mulf %select_n3A_809, %mul3A_831 : vector<16x2048xf32>
    %add3A_833 = arith.addf %add3A_801, %mul3A_832 : vector<16x2048xf32>
    %slice3A_834 = vector.extract_strided_slice %get3A_4 {offsets = [0, 26], sizes = [16, 1], strides = [1, 1]} : vector<16x32xf32> to vector<16x1xf32>
    %lt3A_835 = vector.broadcast %slice3A_834 : vector<16x1xf32> to vector<16x2048xf32>
    %lt3A_836 = arith.cmpf olt, %lt3A_835, %get3A_1 : vector<16x2048xf32>
    %jit3A_837 = arith.constant 1.000000e+00 : f32
    %jit3A_838 = arith.constant 0.000000e+00 : f32
    %broadcast_in_dim3A_839 = vector.broadcast %jit3A_837 : f32 to vector<16x2048xf32>
    %broadcast_in_dim3A_840 = vector.broadcast %jit3A_838 : f32 to vector<16x2048xf32>
    %select_n3A_841 = arith.select %lt3A_836, %broadcast_in_dim3A_839, %broadcast_in_dim3A_840 : vector<16x2048xi1>, vector<16x2048xf32>
    %slice3A_842 = vector.extract_strided_slice %get3A_16 {offsets = [0, 26], sizes = [16, 1], strides = [1, 1]} : vector<16x32xf32> to vector<16x1xf32>
    %mul3A_843 = vector.broadcast %slice3A_842 : vector<16x1xf32> to vector<16x2048xf32>
    %mul3A_844 = arith.mulf %select_n3A_841, %mul3A_843 : vector<16x2048xf32>
    %add3A_845 = arith.addf %add3A_813, %mul3A_844 : vector<16x2048xf32>
    %slice3A_846 = vector.extract_strided_slice %get3A_16 {offsets = [0, 27], sizes = [16, 1], strides = [1, 1]} : vector<16x32xf32> to vector<16x1xf32>
    %mul3A_847 = vector.broadcast %slice3A_846 : vector<16x1xf32> to vector<16x2048xf32>
    %mul3A_848 = arith.mulf %select_n3A_841, %mul3A_847 : vector<16x2048xf32>
    %add3A_849 = arith.addf %add3A_817, %mul3A_848 : vector<16x2048xf32>
    %slice3A_850 = vector.extract_strided_slice %get3A_19 {offsets = [0, 26], sizes = [16, 1], strides = [1, 1]} : vector<16x32xf32> to vector<16x1xf32>
    %mul3A_851 = vector.broadcast %slice3A_850 : vector<16x1xf32> to vector<16x2048xf32>
    %mul3A_852 = arith.mulf %select_n3A_841, %mul3A_851 : vector<16x2048xf32>
    %add3A_853 = arith.addf %add3A_821, %mul3A_852 : vector<16x2048xf32>
    %slice3A_854 = vector.extract_strided_slice %get3A_19 {offsets = [0, 27], sizes = [16, 1], strides = [1, 1]} : vector<16x32xf32> to vector<16x1xf32>
    %mul3A_855 = vector.broadcast %slice3A_854 : vector<16x1xf32> to vector<16x2048xf32>
    %mul3A_856 = arith.mulf %select_n3A_841, %mul3A_855 : vector<16x2048xf32>
    %add3A_857 = arith.addf %add3A_825, %mul3A_856 : vector<16x2048xf32>
    %slice3A_858 = vector.extract_strided_slice %get3A_22 {offsets = [0, 26], sizes = [16, 1], strides = [1, 1]} : vector<16x32xf32> to vector<16x1xf32>
    %mul3A_859 = vector.broadcast %slice3A_858 : vector<16x1xf32> to vector<16x2048xf32>
    %mul3A_860 = arith.mulf %select_n3A_841, %mul3A_859 : vector<16x2048xf32>
    %add3A_861 = arith.addf %add3A_829, %mul3A_860 : vector<16x2048xf32>
    %slice3A_862 = vector.extract_strided_slice %get3A_22 {offsets = [0, 27], sizes = [16, 1], strides = [1, 1]} : vector<16x32xf32> to vector<16x1xf32>
    %mul3A_863 = vector.broadcast %slice3A_862 : vector<16x1xf32> to vector<16x2048xf32>
    %mul3A_864 = arith.mulf %select_n3A_841, %mul3A_863 : vector<16x2048xf32>
    %add3A_865 = arith.addf %add3A_833, %mul3A_864 : vector<16x2048xf32>
    %slice3A_866 = vector.extract_strided_slice %get3A_4 {offsets = [0, 27], sizes = [16, 1], strides = [1, 1]} : vector<16x32xf32> to vector<16x1xf32>
    %lt3A_867 = vector.broadcast %slice3A_866 : vector<16x1xf32> to vector<16x2048xf32>
    %lt3A_868 = arith.cmpf olt, %lt3A_867, %get3A_1 : vector<16x2048xf32>
    %jit3A_869 = arith.constant 1.000000e+00 : f32
    %jit3A_870 = arith.constant 0.000000e+00 : f32
    %broadcast_in_dim3A_871 = vector.broadcast %jit3A_869 : f32 to vector<16x2048xf32>
    %broadcast_in_dim3A_872 = vector.broadcast %jit3A_870 : f32 to vector<16x2048xf32>
    %select_n3A_873 = arith.select %lt3A_868, %broadcast_in_dim3A_871, %broadcast_in_dim3A_872 : vector<16x2048xi1>, vector<16x2048xf32>
    %slice3A_874 = vector.extract_strided_slice %get3A_16 {offsets = [0, 27], sizes = [16, 1], strides = [1, 1]} : vector<16x32xf32> to vector<16x1xf32>
    %mul3A_875 = vector.broadcast %slice3A_874 : vector<16x1xf32> to vector<16x2048xf32>
    %mul3A_876 = arith.mulf %select_n3A_873, %mul3A_875 : vector<16x2048xf32>
    %add3A_877 = arith.addf %add3A_845, %mul3A_876 : vector<16x2048xf32>
    %slice3A_878 = vector.extract_strided_slice %get3A_16 {offsets = [0, 28], sizes = [16, 1], strides = [1, 1]} : vector<16x32xf32> to vector<16x1xf32>
    %mul3A_879 = vector.broadcast %slice3A_878 : vector<16x1xf32> to vector<16x2048xf32>
    %mul3A_880 = arith.mulf %select_n3A_873, %mul3A_879 : vector<16x2048xf32>
    %add3A_881 = arith.addf %add3A_849, %mul3A_880 : vector<16x2048xf32>
    %slice3A_882 = vector.extract_strided_slice %get3A_19 {offsets = [0, 27], sizes = [16, 1], strides = [1, 1]} : vector<16x32xf32> to vector<16x1xf32>
    %mul3A_883 = vector.broadcast %slice3A_882 : vector<16x1xf32> to vector<16x2048xf32>
    %mul3A_884 = arith.mulf %select_n3A_873, %mul3A_883 : vector<16x2048xf32>
    %add3A_885 = arith.addf %add3A_853, %mul3A_884 : vector<16x2048xf32>
    %slice3A_886 = vector.extract_strided_slice %get3A_19 {offsets = [0, 28], sizes = [16, 1], strides = [1, 1]} : vector<16x32xf32> to vector<16x1xf32>
    %mul3A_887 = vector.broadcast %slice3A_886 : vector<16x1xf32> to vector<16x2048xf32>
    %mul3A_888 = arith.mulf %select_n3A_873, %mul3A_887 : vector<16x2048xf32>
    %add3A_889 = arith.addf %add3A_857, %mul3A_888 : vector<16x2048xf32>
    %slice3A_890 = vector.extract_strided_slice %get3A_22 {offsets = [0, 27], sizes = [16, 1], strides = [1, 1]} : vector<16x32xf32> to vector<16x1xf32>
    %mul3A_891 = vector.broadcast %slice3A_890 : vector<16x1xf32> to vector<16x2048xf32>
    %mul3A_892 = arith.mulf %select_n3A_873, %mul3A_891 : vector<16x2048xf32>
    %add3A_893 = arith.addf %add3A_861, %mul3A_892 : vector<16x2048xf32>
    %slice3A_894 = vector.extract_strided_slice %get3A_22 {offsets = [0, 28], sizes = [16, 1], strides = [1, 1]} : vector<16x32xf32> to vector<16x1xf32>
    %mul3A_895 = vector.broadcast %slice3A_894 : vector<16x1xf32> to vector<16x2048xf32>
    %mul3A_896 = arith.mulf %select_n3A_873, %mul3A_895 : vector<16x2048xf32>
    %add3A_897 = arith.addf %add3A_865, %mul3A_896 : vector<16x2048xf32>
    %slice3A_898 = vector.extract_strided_slice %get3A_4 {offsets = [0, 28], sizes = [16, 1], strides = [1, 1]} : vector<16x32xf32> to vector<16x1xf32>
    %lt3A_899 = vector.broadcast %slice3A_898 : vector<16x1xf32> to vector<16x2048xf32>
    %lt3A_900 = arith.cmpf olt, %lt3A_899, %get3A_1 : vector<16x2048xf32>
    %jit3A_901 = arith.constant 1.000000e+00 : f32
    %jit3A_902 = arith.constant 0.000000e+00 : f32
    %broadcast_in_dim3A_903 = vector.broadcast %jit3A_901 : f32 to vector<16x2048xf32>
    %broadcast_in_dim3A_904 = vector.broadcast %jit3A_902 : f32 to vector<16x2048xf32>
    %select_n3A_905 = arith.select %lt3A_900, %broadcast_in_dim3A_903, %broadcast_in_dim3A_904 : vector<16x2048xi1>, vector<16x2048xf32>
    %slice3A_906 = vector.extract_strided_slice %get3A_16 {offsets = [0, 28], sizes = [16, 1], strides = [1, 1]} : vector<16x32xf32> to vector<16x1xf32>
    %mul3A_907 = vector.broadcast %slice3A_906 : vector<16x1xf32> to vector<16x2048xf32>
    %mul3A_908 = arith.mulf %select_n3A_905, %mul3A_907 : vector<16x2048xf32>
    %add3A_909 = arith.addf %add3A_877, %mul3A_908 : vector<16x2048xf32>
    %slice3A_910 = vector.extract_strided_slice %get3A_16 {offsets = [0, 29], sizes = [16, 1], strides = [1, 1]} : vector<16x32xf32> to vector<16x1xf32>
    %mul3A_911 = vector.broadcast %slice3A_910 : vector<16x1xf32> to vector<16x2048xf32>
    %mul3A_912 = arith.mulf %select_n3A_905, %mul3A_911 : vector<16x2048xf32>
    %add3A_913 = arith.addf %add3A_881, %mul3A_912 : vector<16x2048xf32>
    %slice3A_914 = vector.extract_strided_slice %get3A_19 {offsets = [0, 28], sizes = [16, 1], strides = [1, 1]} : vector<16x32xf32> to vector<16x1xf32>
    %mul3A_915 = vector.broadcast %slice3A_914 : vector<16x1xf32> to vector<16x2048xf32>
    %mul3A_916 = arith.mulf %select_n3A_905, %mul3A_915 : vector<16x2048xf32>
    %add3A_917 = arith.addf %add3A_885, %mul3A_916 : vector<16x2048xf32>
    %slice3A_918 = vector.extract_strided_slice %get3A_19 {offsets = [0, 29], sizes = [16, 1], strides = [1, 1]} : vector<16x32xf32> to vector<16x1xf32>
    %mul3A_919 = vector.broadcast %slice3A_918 : vector<16x1xf32> to vector<16x2048xf32>
    %mul3A_920 = arith.mulf %select_n3A_905, %mul3A_919 : vector<16x2048xf32>
    %add3A_921 = arith.addf %add3A_889, %mul3A_920 : vector<16x2048xf32>
    %slice3A_922 = vector.extract_strided_slice %get3A_22 {offsets = [0, 28], sizes = [16, 1], strides = [1, 1]} : vector<16x32xf32> to vector<16x1xf32>
    %mul3A_923 = vector.broadcast %slice3A_922 : vector<16x1xf32> to vector<16x2048xf32>
    %mul3A_924 = arith.mulf %select_n3A_905, %mul3A_923 : vector<16x2048xf32>
    %add3A_925 = arith.addf %add3A_893, %mul3A_924 : vector<16x2048xf32>
    %slice3A_926 = vector.extract_strided_slice %get3A_22 {offsets = [0, 29], sizes = [16, 1], strides = [1, 1]} : vector<16x32xf32> to vector<16x1xf32>
    %mul3A_927 = vector.broadcast %slice3A_926 : vector<16x1xf32> to vector<16x2048xf32>
    %mul3A_928 = arith.mulf %select_n3A_905, %mul3A_927 : vector<16x2048xf32>
    %add3A_929 = arith.addf %add3A_897, %mul3A_928 : vector<16x2048xf32>
    %slice3A_930 = vector.extract_strided_slice %get3A_4 {offsets = [0, 29], sizes = [16, 1], strides = [1, 1]} : vector<16x32xf32> to vector<16x1xf32>
    %lt3A_931 = vector.broadcast %slice3A_930 : vector<16x1xf32> to vector<16x2048xf32>
    %lt3A_932 = arith.cmpf olt, %lt3A_931, %get3A_1 : vector<16x2048xf32>
    %jit3A_933 = arith.constant 1.000000e+00 : f32
    %jit3A_934 = arith.constant 0.000000e+00 : f32
    %broadcast_in_dim3A_935 = vector.broadcast %jit3A_933 : f32 to vector<16x2048xf32>
    %broadcast_in_dim3A_936 = vector.broadcast %jit3A_934 : f32 to vector<16x2048xf32>
    %select_n3A_937 = arith.select %lt3A_932, %broadcast_in_dim3A_935, %broadcast_in_dim3A_936 : vector<16x2048xi1>, vector<16x2048xf32>
    %slice3A_938 = vector.extract_strided_slice %get3A_16 {offsets = [0, 29], sizes = [16, 1], strides = [1, 1]} : vector<16x32xf32> to vector<16x1xf32>
    %mul3A_939 = vector.broadcast %slice3A_938 : vector<16x1xf32> to vector<16x2048xf32>
    %mul3A_940 = arith.mulf %select_n3A_937, %mul3A_939 : vector<16x2048xf32>
    %add3A_941 = arith.addf %add3A_909, %mul3A_940 : vector<16x2048xf32>
    %slice3A_942 = vector.extract_strided_slice %get3A_16 {offsets = [0, 30], sizes = [16, 1], strides = [1, 1]} : vector<16x32xf32> to vector<16x1xf32>
    %mul3A_943 = vector.broadcast %slice3A_942 : vector<16x1xf32> to vector<16x2048xf32>
    %mul3A_944 = arith.mulf %select_n3A_937, %mul3A_943 : vector<16x2048xf32>
    %add3A_945 = arith.addf %add3A_913, %mul3A_944 : vector<16x2048xf32>
    %slice3A_946 = vector.extract_strided_slice %get3A_19 {offsets = [0, 29], sizes = [16, 1], strides = [1, 1]} : vector<16x32xf32> to vector<16x1xf32>
    %mul3A_947 = vector.broadcast %slice3A_946 : vector<16x1xf32> to vector<16x2048xf32>
    %mul3A_948 = arith.mulf %select_n3A_937, %mul3A_947 : vector<16x2048xf32>
    %add3A_949 = arith.addf %add3A_917, %mul3A_948 : vector<16x2048xf32>
    %slice3A_950 = vector.extract_strided_slice %get3A_19 {offsets = [0, 30], sizes = [16, 1], strides = [1, 1]} : vector<16x32xf32> to vector<16x1xf32>
    %mul3A_951 = vector.broadcast %slice3A_950 : vector<16x1xf32> to vector<16x2048xf32>
    %mul3A_952 = arith.mulf %select_n3A_937, %mul3A_951 : vector<16x2048xf32>
    %add3A_953 = arith.addf %add3A_921, %mul3A_952 : vector<16x2048xf32>
    %slice3A_954 = vector.extract_strided_slice %get3A_22 {offsets = [0, 29], sizes = [16, 1], strides = [1, 1]} : vector<16x32xf32> to vector<16x1xf32>
    %mul3A_955 = vector.broadcast %slice3A_954 : vector<16x1xf32> to vector<16x2048xf32>
    %mul3A_956 = arith.mulf %select_n3A_937, %mul3A_955 : vector<16x2048xf32>
    %add3A_957 = arith.addf %add3A_925, %mul3A_956 : vector<16x2048xf32>
    %slice3A_958 = vector.extract_strided_slice %get3A_22 {offsets = [0, 30], sizes = [16, 1], strides = [1, 1]} : vector<16x32xf32> to vector<16x1xf32>
    %mul3A_959 = vector.broadcast %slice3A_958 : vector<16x1xf32> to vector<16x2048xf32>
    %mul3A_960 = arith.mulf %select_n3A_937, %mul3A_959 : vector<16x2048xf32>
    %add3A_961 = arith.addf %add3A_929, %mul3A_960 : vector<16x2048xf32>
    %slice3A_962 = vector.extract_strided_slice %get3A_4 {offsets = [0, 30], sizes = [16, 1], strides = [1, 1]} : vector<16x32xf32> to vector<16x1xf32>
    %lt3A_963 = vector.broadcast %slice3A_962 : vector<16x1xf32> to vector<16x2048xf32>
    %lt3A_964 = arith.cmpf olt, %lt3A_963, %get3A_1 : vector<16x2048xf32>
    %jit3A_965 = arith.constant 1.000000e+00 : f32
    %jit3A_966 = arith.constant 0.000000e+00 : f32
    %broadcast_in_dim3A_967 = vector.broadcast %jit3A_965 : f32 to vector<16x2048xf32>
    %broadcast_in_dim3A_968 = vector.broadcast %jit3A_966 : f32 to vector<16x2048xf32>
    %select_n3A_969 = arith.select %lt3A_964, %broadcast_in_dim3A_967, %broadcast_in_dim3A_968 : vector<16x2048xi1>, vector<16x2048xf32>
    %slice3A_970 = vector.extract_strided_slice %get3A_16 {offsets = [0, 30], sizes = [16, 1], strides = [1, 1]} : vector<16x32xf32> to vector<16x1xf32>
    %mul3A_971 = vector.broadcast %slice3A_970 : vector<16x1xf32> to vector<16x2048xf32>
    %mul3A_972 = arith.mulf %select_n3A_969, %mul3A_971 : vector<16x2048xf32>
    %add3A_973 = arith.addf %add3A_941, %mul3A_972 : vector<16x2048xf32>
    %slice3A_974 = vector.extract_strided_slice %get3A_16 {offsets = [0, 31], sizes = [16, 1], strides = [1, 1]} : vector<16x32xf32> to vector<16x1xf32>
    %mul3A_975 = vector.broadcast %slice3A_974 : vector<16x1xf32> to vector<16x2048xf32>
    %mul3A_976 = arith.mulf %select_n3A_969, %mul3A_975 : vector<16x2048xf32>
    %add3A_977 = arith.addf %add3A_945, %mul3A_976 : vector<16x2048xf32>
    %slice3A_978 = vector.extract_strided_slice %get3A_19 {offsets = [0, 30], sizes = [16, 1], strides = [1, 1]} : vector<16x32xf32> to vector<16x1xf32>
    %mul3A_979 = vector.broadcast %slice3A_978 : vector<16x1xf32> to vector<16x2048xf32>
    %mul3A_980 = arith.mulf %select_n3A_969, %mul3A_979 : vector<16x2048xf32>
    %add3A_981 = arith.addf %add3A_949, %mul3A_980 : vector<16x2048xf32>
    %slice3A_982 = vector.extract_strided_slice %get3A_19 {offsets = [0, 31], sizes = [16, 1], strides = [1, 1]} : vector<16x32xf32> to vector<16x1xf32>
    %mul3A_983 = vector.broadcast %slice3A_982 : vector<16x1xf32> to vector<16x2048xf32>
    %mul3A_984 = arith.mulf %select_n3A_969, %mul3A_983 : vector<16x2048xf32>
    %add3A_985 = arith.addf %add3A_953, %mul3A_984 : vector<16x2048xf32>
    %slice3A_986 = vector.extract_strided_slice %get3A_22 {offsets = [0, 30], sizes = [16, 1], strides = [1, 1]} : vector<16x32xf32> to vector<16x1xf32>
    %mul3A_987 = vector.broadcast %slice3A_986 : vector<16x1xf32> to vector<16x2048xf32>
    %mul3A_988 = arith.mulf %select_n3A_969, %mul3A_987 : vector<16x2048xf32>
    %add3A_989 = arith.addf %add3A_957, %mul3A_988 : vector<16x2048xf32>
    %slice3A_990 = vector.extract_strided_slice %get3A_22 {offsets = [0, 31], sizes = [16, 1], strides = [1, 1]} : vector<16x32xf32> to vector<16x1xf32>
    %mul3A_991 = vector.broadcast %slice3A_990 : vector<16x1xf32> to vector<16x2048xf32>
    %mul3A_992 = arith.mulf %select_n3A_969, %mul3A_991 : vector<16x2048xf32>
    %add3A_993 = arith.addf %add3A_961, %mul3A_992 : vector<16x2048xf32>
    %sub3A = arith.subf %add3A_977, %add3A_973 : vector<16x2048xf32>
    %div3A = arith.constant 1.000000e+00 : f32
    %div3A_994 = vector.broadcast %div3A : f32 to vector<16x2048xf32>
    %div3A_995 = arith.divf %div3A_994, %sub3A : vector<16x2048xf32>
    %sub3A_996 = arith.subf %get3A_1, %add3A_973 : vector<16x2048xf32>
    %mul3A_997 = arith.mulf %sub3A_996, %div3A_995 : vector<16x2048xf32>
    %sub3A_998 = arith.subf %add3A_985, %add3A_981 : vector<16x2048xf32>
    %mul3A_999 = arith.mulf %sub3A_998, %div3A_995 : vector<16x2048xf32>
    %sub3A_1000 = arith.constant 1.000000e+00 : f32
    %sub3A_1001 = vector.broadcast %sub3A_1000 : f32 to vector<16x2048xf32>
    %sub3A_1002 = arith.subf %sub3A_1001, %mul3A_997 : vector<16x2048xf32>
    %mul3A_1003 = arith.mulf %mul3A_997, %sub3A_1002 : vector<16x2048xf32>
    %add3A_1004 = arith.addf %mul3A_999, %mul3A_999 : vector<16x2048xf32>
    %mul3A_1005 = arith.mulf %add3A_1004, %mul3A_1003 : vector<16x2048xf32>
    %add3A_1006 = arith.addf %add3A_993, %add3A_989 : vector<16x2048xf32>
    %mul3A_1007 = arith.mulf %add3A_1006, %mul3A_1003 : vector<16x2048xf32>
    %sub3A_1008 = arith.subf %mul3A_1007, %mul3A_1005 : vector<16x2048xf32>
    %add3A_1009 = arith.addf %sub3A_1008, %mul3A_999 : vector<16x2048xf32>
    %div3A_1010 = arith.constant 1.000000e+00 : f32
    %div3A_1011 = vector.broadcast %div3A_1010 : f32 to vector<16x2048xf32>
    %div3A_1012 = arith.divf %div3A_1011, %add3A_1009 : vector<16x2048xf32>
    %mul3A_1013 = arith.mulf %mul3A_997, %mul3A_997 : vector<16x2048xf32>
    %mul3A_1014 = arith.mulf %sub3A_998, %div3A_1012 : vector<16x2048xf32>
    %mul3A_1015 = arith.mulf %mul3A_999, %mul3A_1013 : vector<16x2048xf32>
    %mul3A_1016 = arith.mulf %add3A_989, %mul3A_1003 : vector<16x2048xf32>
    %add3A_1017 = arith.addf %mul3A_1015, %mul3A_1016 : vector<16x2048xf32>
    %mul3A_1018 = arith.mulf %mul3A_1014, %add3A_1017 : vector<16x2048xf32>
    %add3A_1019 = arith.addf %add3A_981, %mul3A_1018 : vector<16x2048xf32>
    %mul3A_1020 = arith.mulf %sub3A_1002, %sub3A_1002 : vector<16x2048xf32>
    %mul3A_1021 = arith.mulf %add3A_989, %mul3A_1020 : vector<16x2048xf32>
    %mul3A_1022 = arith.mulf %add3A_993, %mul3A_1013 : vector<16x2048xf32>
    %add3A_1023 = arith.addf %mul3A_1022, %mul3A_1005 : vector<16x2048xf32>
    %add3A_1024 = arith.addf %mul3A_1021, %add3A_1023 : vector<16x2048xf32>
    %mul3A_1025 = arith.mulf %mul3A_999, %div3A_1012 : vector<16x2048xf32>
    %mul3A_1026 = arith.mulf %mul3A_1025, %mul3A_1025 : vector<16x2048xf32>
    %mul3A_1027 = arith.mulf %mul3A_1026, %add3A_1024 : vector<16x2048xf32>
    %log3A = math.log %mul3A_1027 : vector<16x2048xf32>
    %slice3A_1028 = vector.extract_strided_slice %get3A_7 {offsets = [0, 0], sizes = [16, 1], strides = [1, 1]} : vector<16x32xf32> to vector<16x1xf32>
    %slice3A_1029 = vector.extract_strided_slice %get3A_4 {offsets = [0, 0], sizes = [16, 1], strides = [1, 1]} : vector<16x32xf32> to vector<16x1xf32>
    %sub3A_1030 = vector.broadcast %slice3A_1029 : vector<16x1xf32> to vector<16x2048xf32>
    %sub3A_1031 = arith.subf %get3A_1, %sub3A_1030 : vector<16x2048xf32>
    %slice3A_1032 = vector.extract_strided_slice %get3A_10 {offsets = [0, 0], sizes = [16, 1], strides = [1, 1]} : vector<16x32xf32> to vector<16x1xf32>
    %mul3A_1033 = vector.broadcast %slice3A_1032 : vector<16x1xf32> to vector<16x2048xf32>
    %mul3A_1034 = arith.mulf %sub3A_1031, %mul3A_1033 : vector<16x2048xf32>
    %add3A_1035 = vector.broadcast %slice3A_1028 : vector<16x1xf32> to vector<16x2048xf32>
    %add3A_1036 = arith.addf %add3A_1035, %mul3A_1034 : vector<16x2048xf32>
    %slice3A_1037 = vector.extract_strided_slice %get3A_7 {offsets = [0, 31], sizes = [16, 1], strides = [1, 1]} : vector<16x32xf32> to vector<16x1xf32>
    %slice3A_1038 = vector.extract_strided_slice %get3A_4 {offsets = [0, 31], sizes = [16, 1], strides = [1, 1]} : vector<16x32xf32> to vector<16x1xf32>
    %sub3A_1039 = vector.broadcast %slice3A_1038 : vector<16x1xf32> to vector<16x2048xf32>
    %sub3A_1040 = arith.subf %get3A_1, %sub3A_1039 : vector<16x2048xf32>
    %slice3A_1041 = vector.extract_strided_slice %get3A_10 {offsets = [0, 31], sizes = [16, 1], strides = [1, 1]} : vector<16x32xf32> to vector<16x1xf32>
    %mul3A_1042 = vector.broadcast %slice3A_1041 : vector<16x1xf32> to vector<16x2048xf32>
    %mul3A_1043 = arith.mulf %sub3A_1040, %mul3A_1042 : vector<16x2048xf32>
    %add3A_1044 = vector.broadcast %slice3A_1037 : vector<16x1xf32> to vector<16x2048xf32>
    %add3A_1045 = arith.addf %add3A_1044, %mul3A_1043 : vector<16x2048xf32>
    %slice3A_1046 = vector.extract_strided_slice %get3A_4 {offsets = [0, 0], sizes = [16, 1], strides = [1, 1]} : vector<16x32xf32> to vector<16x1xf32>
    %lt3A_1047 = vector.broadcast %slice3A_1046 : vector<16x1xf32> to vector<16x2048xf32>
    %lt3A_1048 = arith.cmpf olt, %lt3A_1047, %get3A_1 : vector<16x2048xf32>
    %not3A = arith.constant dense<true> : vector<16x2048xi1>
    %not3A_1049 = arith.xori %lt3A_1048, %not3A : vector<16x2048xi1>
    %slice3A_1050 = vector.extract_strided_slice %get3A_4 {offsets = [0, 31], sizes = [16, 1], strides = [1, 1]} : vector<16x32xf32> to vector<16x1xf32>
    %lt3A_1051 = vector.broadcast %slice3A_1050 : vector<16x1xf32> to vector<16x2048xf32>
    %lt3A_1052 = arith.cmpf olt, %lt3A_1051, %get3A_1 : vector<16x2048xf32>
    %select_n3A_1053 = arith.select %lt3A_1052, %add3A_1045, %add3A_1019 : vector<16x2048xi1>, vector<16x2048xf32>
    %select_n3A_1054 = arith.select %not3A_1049, %add3A_1036, %select_n3A_1053 : vector<16x2048xi1>, vector<16x2048xf32>
    %swap3A = arith.constant 0 : index
    %swap3A_1055 = arith.constant 0 : index
    %swap3A_1056 = vector.load %arg9[%swap3A, %swap3A_1055] : memref<16x2048xf32, #tpu.memory_space<vmem>>, vector<16x2048xf32>
    tpu.vector_store %arg9[%swap3A, %swap3A_1055], %select_n3A_1054 {strides = array<i32>} : memref<16x2048xf32, #tpu.memory_space<vmem>>, vector<16x2048xf32>,
    %slice3A_1057 = vector.extract_strided_slice %get3A_13 {offsets = [0, 0], sizes = [16, 1], strides = [1, 1]} : vector<16x2xf32> to vector<16x1xf32>
    %broadcast_in_dim3A_1058 = vector.shape_cast %slice3A_1057 : vector<16x1xf32> to vector<16x1xf32>
    %broadcast_in_dim3A_1059 = vector.broadcast %broadcast_in_dim3A_1058 : vector<16x1xf32> to vector<16x2048xf32>
    %slice3A_1060 = vector.extract_strided_slice %get3A_13 {offsets = [0, 1], sizes = [16, 1], strides = [1, 1]} : vector<16x2xf32> to vector<16x1xf32>
    %broadcast_in_dim3A_1061 = vector.shape_cast %slice3A_1060 : vector<16x1xf32> to vector<16x1xf32>
    %broadcast_in_dim3A_1062 = vector.broadcast %broadcast_in_dim3A_1061 : vector<16x1xf32> to vector<16x2048xf32>
    %select_n3A_1063 = arith.select %lt3A_1052, %broadcast_in_dim3A_1062, %log3A : vector<16x2048xi1>, vector<16x2048xf32>
    %select_n3A_1064 = arith.select %not3A_1049, %broadcast_in_dim3A_1059, %select_n3A_1063 : vector<16x2048xi1>, vector<16x2048xf32>
    %swap3A_1065 = arith.constant 0 : index
    %swap3A_1066 = arith.constant 0 : index
    %swap3A_1067 = vector.load %arg10[%swap3A_1065, %swap3A_1066] : memref<16x2048xf32, #tpu.memory_space<vmem>>, vector<16x2048xf32>
    tpu.vector_store %arg10[%swap3A_1065, %swap3A_1066], %select_n3A_1064 {strides = array<i32>} : memref<16x2048xf32, #tpu.memory_space<vmem>>, vector<16x2048xf32>,
    return
  }
  func.func @transform_0(%arg0: i32) -> (i32, i32) {
    %c0_i32 = arith.constant 0 : i32
    %c0_i32_0 = arith.constant 0 : i32
    %c0_i32_1 = arith.constant 0 : i32
    return %c0_i32, %c0_i32_0 : i32, i32
  }
  func.func @transform_1(%arg0: i32) -> (i32, i32) {
    %c0_i32 = arith.constant 0 : i32
    %c0_i32_0 = arith.constant 0 : i32
    %c0_i32_1 = arith.constant 0 : i32
    return %c0_i32, %c0_i32_0 : i32, i32
  }
  func.func @transform_2(%arg0: i32) -> (i32, i32) {
    %c0_i32 = arith.constant 0 : i32
    %c0_i32_0 = arith.constant 0 : i32
    %c0_i32_1 = arith.constant 0 : i32
    return %c0_i32, %c0_i32_0 : i32, i32
  }
  func.func @transform_3(%arg0: i32) -> (i32, i32) {
    %c0_i32 = arith.constant 0 : i32
    %c0_i32_0 = arith.constant 0 : i32
    %c0_i32_1 = arith.constant 0 : i32
    return %c0_i32, %c0_i32_0 : i32, i32
  }
  func.func @transform_4(%arg0: i32) -> (i32, i32) {
    %c0_i32 = arith.constant 0 : i32
    %c0_i32_0 = arith.constant 0 : i32
    %c0_i32_1 = arith.constant 0 : i32
    return %c0_i32, %c0_i32_0 : i32, i32
  }
  func.func @transform_5(%arg0: i32) -> (i32, i32) {
    %c0_i32 = arith.constant 0 : i32
    %c0_i32_0 = arith.constant 0 : i32
    %c0_i32_1 = arith.constant 0 : i32
    return %c0_i32, %c0_i32_0 : i32, i32
  }
  func.func @transform_6(%arg0: i32) -> (i32, i32) {
    %c0_i32 = arith.constant 0 : i32
    %c0_i32_0 = arith.constant 0 : i32
    %c0_i32_1 = arith.constant 0 : i32
    return %c0_i32, %c0_i32_0 : i32, i32
  }
  func.func @transform_7(%arg0: i32) -> (i32, i32) {
    %add3A = arith.constant 328 : i32
    %add3A_0 = arith.addi %add3A, %arg0 : i32
    %c0_i32 = arith.constant 0 : i32
    %c0_i32_1 = arith.constant 0 : i32
    return %c0_i32, %add3A_0 : i32, i32
  }
  func.func @transform_8(%arg0: i32) -> (i32, i32) {
    %c0_i32 = arith.constant 0 : i32
    %c0_i32_0 = arith.constant 0 : i32
    return %c0_i32, %arg0 : i32, i32
  }
  func.func @transform_9(%arg0: i32) -> (i32, i32) {
    %c0_i32 = arith.constant 0 : i32
    %c0_i32_0 = arith.constant 0 : i32
    return %c0_i32, %arg0 : i32, i32
  }
}

</mosaic_0001>

<sc_bundles>
// kernel: kernel.4.cloned.1.call-start
scs
__scs_entry_jumppad:
0x0: {  	(pc) =	sbr.rel $0x88, $3  }
0x1: {  	(tag) =	ssettag $0x0;
	lr =	simm.s32 $0x1  }
0x2: {  	[smem:$0x3F9F] =	sst lr;
	_ =	strace $0xD0000000  }
0x3: {  	_ = 	snop  }
0x4: {  	_ = 	snop  }
0x5: {  	_ = 	snop  }
0x6: {  	_ = 	snop  }
0x7: {  	_ = 	snop  }
__scs_overlays_trampoline_lowered:
0x8: {  	[smem:$0x3FAE] =	sst s0  }
0x9: {  	[smem:$0x3FAF] =	sst s1  }
0xa: {  	[smem:$0x3FB0] =	sst s2  }
0xb: {  	[smem:$0x3FB1] =	sst s3  }
0xc: {  	[smem:$0x3FB2] =	sst s4  }
0xd: {  	[smem:$0x3FB3] =	sst s5  }
0xe: {  	[smem:$0x3FB4] =	sst s6  }
0xf: {  	[smem:$0x3FB5] =	sst s7  }
0x10: {  	[smem:$0x3FB6] =	sst s8  }
0x11: {  	[smem:$0x3FB7] =	sst s9;
	s0 =	simm.s32 @!p0 $0x0  }
0x12: {  	s1 =	sld [smem:$0x3F9D];
	s0 =	simm.s32 @p0 $0x1  }
0x13: {  	[smem:$0x3FB8] =	sst s0;
	s0 =	simm.s32 @!p1 $0x0  }
0x14: {  	s2 =	sld [smem:$0x3F9C];
	s0 =	simm.s32 @p1 $0x1  }
0x15: {  	[smem:$0x3FB9] =	sst s0;
	s0 =	simm.s32 @!p2 $0x0  }
0x16: {  	s3 =	sld [smem:$0x3FDB];
	s0 =	simm.s32 @p2 $0x1  }
0x17: {  	s4 =	simm.s32 $0x1BF5;
	[smem:$0x3FBB] =	sst s0  }
0x18: {  	s0 =	sld [smem:$0x3F9E];
	_ =	swait.ge [sflag:s4], $0x0  }
0x19: {  	s7 =	sld [smem:$0x3F9F]  }
0x1a: {  	s8 =	sadd.s32 $0xFFFFE003, lr  }
0x1b: {  	s9 =	sadd.s32 $0xFFFFFEF7, lr;
	s5 =	simm.s32 $0xFFFFFFFF;
	p2 =	slt.u32 s8, $0xFFFFF086  }
0x1c: {  	p1 =	slt.u32 s9, $0xF7A;
	s5 =	simm.s32 @!p2 $0x0  }
0x1d: {  	s5 =	simm.s32 @p1 $0x1;
	p0 =	seq.s32 s7, s2  }
0x1e: {  	s7 =	smul.u32 @!p0 $0xF7A, s2;
	p2 =	seq.s32 @!p0 s5, $0x0  }
0x1f: {  	s9 =	smul.u32 $0xF7A, s1;
	s8 =	simm.s32 @!p0 $0x1BF5;
	p2 =	por !p2, p0  }
0x20: {  	[sflag:s8] =	ssyncset.s32 @!p0 $0xFFFFF086;
	s6 =	sadd.s32 @!p0 s3, s7;
	s7 =	simm.s32 @!p0 $0x108  }
0x21: {  	s3 =	sadd.s32 s3, s9;
	s6 =	sadd.s32 @!p0 $0x88, s6;
	s7 =	simm.s32 @p2 $0x1082  }
0x22: {  	[simem:s7], [sflag:s8] =	dma.local @!p0 [hbm:s6], $0xF7A  }
0x23: {  	s9 =	sor.u32 $0xD0000000, s2;
	s6 =	simm.s32 $0x108;
	_ =	swait.ge @!p0 [sflag:s8], $0x0  }
0x24: {  	s3 =	sadd.s32 $0x88, s3;
	s6 =	simm.s32 @!p1 $0x1082;
	[sflag:s4] =	ssyncset.s32 $0xFFFFF086  }
0x25: {  	[simem:s6], [sflag:s4] =	dma.local [hbm:s3], $0xF7A  }
0x26: {  	[smem:$0x3F9F] =	sst s1;
	(tag) =	ssettag s2;
	_ =	strace s9  }
0x27: {  	s1 =	sld [smem:$0x3FAF]  }
0x28: {  	s2 =	sld [smem:$0x3FB0]  }
0x29: {  	s4 =	sld [smem:$0x3FB2]  }
0x2a: {  	p0 =	seq.s32 s5, $0x0;
	s5 =	sld [smem:$0x3FB3]  }
0x2b: {  	s6 =	sld [smem:$0x3FB4]  }
0x2c: {  	s7 =	sld [smem:$0x3FB5]  }
0x2d: {  	s3 =	simm.s32 $0x108;
	s8 =	sld [smem:$0x3FB6]  }
0x2e: {  	s3 =	simm.s32 @!p0 $0x1082;
	s9 =	sld [smem:$0x3FB7]  }
0x2f: {  	lr =	sadd.s32 s0, s3;
	s0 =	sld [smem:$0x3FAE]  }
0x30: {  	s3 =	sld [smem:$0x3FB1]  }
0x31: {  	[smem:$0x3FBA] =	sst s10  }
0x32: {  	s10 =	sld [smem:$0x3FB8];
	_ =	sdelay $0x3  }
0x33: {  	p0 =	seq.s32 s10, $0x1;
	s10 =	sld [smem:$0x3FBA];
	_ =	sdelay $0x3  }
0x34: {  	[smem:$0x3FBA] =	sst s10  }
0x35: {  	s10 =	sld [smem:$0x3FB9];
	_ =	sdelay $0x3  }
0x36: {  	p1 =	seq.s32 s10, $0x1;
	s10 =	sld [smem:$0x3FBA];
	_ =	sdelay $0x3  }
0x37: {  	[smem:$0x3FBA] =	sst s10  }
0x38: {  	s10 =	sld [smem:$0x3FBB]  }
0x39: {  	_ = 	snop;
	(pc) =	sbr.ind lr, $3  }
0x3a: {  	_ = 	snop  }
0x3b: {  	_ = 	snop  }
0x3c: {  	p2 =	seq.s32 s10, $0x1;
	s10 =	sld [smem:$0x3FBA]  }
0x3d: {  	_ =	shalt  }
0x3e: {  	_ =	shalt  }
0x3f: {  	_ =	shalt  }
0x40: {  	_ =	shalt  }
0x41: {  	_ =	shalt  }
0x42: {  	_ =	shalt  }
0x43: {  	_ =	shalt  }
0x44: {  	_ =	shalt  }
0x45: {  	_ =	shalt  }
0x46: {  	_ =	shalt  }
0x47: {  	_ =	shalt  }
0x48: {  	_ =	shalt  }
0x49: {  	_ =	shalt  }
0x4a: {  	_ =	shalt  }
0x4b: {  	_ =	shalt  }
0x4c: {  	_ =	shalt  }
0x4d: {  	_ =	shalt  }
0x4e: {  	_ =	shalt  }
0x4f: {  	_ =	shalt  }
0x50: {  	_ =	shalt  }
0x51: {  	_ =	shalt  }
0x52: {  	_ =	shalt  }
0x53: {  	_ =	shalt  }
0x54: {  	_ =	shalt  }
0x55: {  	_ =	shalt  }
0x56: {  	_ =	shalt  }
0x57: {  	_ =	shalt  }
0x58: {  	_ =	shalt  }
0x59: {  	_ =	shalt  }
0x5a: {  	_ =	shalt  }
0x5b: {  	_ =	shalt  }
0x5c: {  	_ =	shalt  }
0x5d: {  	_ =	shalt  }
0x5e: {  	_ =	shalt  }
0x5f: {  	_ =	shalt  }
0x60: {  	_ =	shalt  }
0x61: {  	_ =	shalt  }
0x62: {  	_ =	shalt  }
0x63: {  	_ =	shalt  }
0x64: {  	_ =	shalt  }
0x65: {  	_ =	shalt  }
0x66: {  	_ =	shalt  }
0x67: {  	_ =	shalt  }
0x68: {  	_ =	shalt  }
0x69: {  	_ =	shalt  }
0x6a: {  	_ =	shalt  }
0x6b: {  	_ =	shalt  }
0x6c: {  	_ =	shalt  }
0x6d: {  	_ =	shalt  }
0x6e: {  	_ =	shalt  }
0x6f: {  	_ =	shalt  }
0x70: {  	_ =	shalt  }
0x71: {  	_ =	shalt  }
0x72: {  	_ =	shalt  }
0x73: {  	_ =	shalt  }
0x74: {  	_ =	shalt  }
0x75: {  	_ =	shalt  }
0x76: {  	_ =	shalt  }
0x77: {  	_ =	shalt  }
0x78: {  	_ =	shalt  }
0x79: {  	_ =	shalt  }
0x7a: {  	_ =	shalt  }
0x7b: {  	_ =	shalt  }
0x7c: {  	_ =	shalt  }
0x7d: {  	_ =	shalt  }
0x7e: {  	_ =	shalt  }
0x7f: {  	_ =	shalt  }
0x80: {  	_ =	shalt  }
0x81: {  	_ =	shalt  }
0x82: {  	_ =	shalt  }
0x83: {  	_ =	shalt  }
0x84: {  	_ =	shalt  }
0x85: {  	_ =	shalt  }
0x86: {  	_ =	shalt  }
0x87: {  	_ =	shalt  }
.Lfunc_end0:
.L_simem_size_0:
called_computation_lowered:
.L_overlay_start_0:
0x88: {  	s2 =	sld [smem:$0x3FD9]  }
0x89: {  	s3 =	sld [smem:$0x3FFE];
	_ =	sdelay $0x1  }
0x8a: {  	s1 =	srdreg.scid  }
0x8b: {  	s0 =	sand.u32 $0x1, s1  }
0x8c: {  	s14 =	sshll.u32 s0, $0xA;
	s2 =	sadd.s32 s3, s2  }
0x8d: {  	s2 =	sadd.s32 s2, s14  }
0x8e: {  	[smem:$0x3FC6] =	sst s2  }
0x8f: {  	_ = 	snop  }
0x90: {  	s2 =	sld [smem:$0x3FD0];
	_ =	sdelay $0x2  }
0x91: {  	s4 =	simm.s32 $0xA;
	s5 =	simm.s32 $0x10;
	s15 =	sld [smem:$0x3FC9]  }
0x92: {  	[smem:s5], [sflag:s4] =	dma.local [hbm:s2], $0x1  }
0x93: {  	_ =	swait.eq [sflag:s4], $0x1  }
0x94: {  	[sflag:s4] =	ssyncset.done $0x0  }
0x95: {  	s16 =	sld [smem:$0x10];
	[sflag:s4] =	ssyncadd.s32 $0xFFFFFFFF  }
0x96: {  	s17 =	sld [smem:$0x11];
	(tm) =	ssettm $0x1  }
0x97: {  	s18 =	sld [smem:$0x3FFB];
	_ =	sdelay $0x3  }
0x98: {  	_ =	strace s18  }
0x99: {  	s5 =	sld [smem:$0x3FFC];
	_ =	sdelay $0x3  }
0x9a: {  	_ =	strace s5  }
0x9b: {  	s5 =	sld [smem:$0x3FFD];
	_ =	sdelay $0x3  }
0x9c: {  	_ =	strace s5  }
0x9d: {  	_ =	strace $0x8FFFFFFF  }
0x9e: {  	s19 =	sld [smem:$0x3FDB];
	_ =	sdelay $0x1  }
0x9f: {  	s6 =	simm.s32 $_scs_section_size  }
0xa0: {  	s7 =	simm.s32 $_size__tile_overlayer_lowered;
	s8 =	simm.s32 $_tile_overlayer_lowered  }
0xa1: {  	s22 =	simm.s32 $0x1BFF;
	s21 =	sshll.u32 s8, $0x1;
	s5 =	sadd.s32 s6, s19  }
0xa2: {  	s9 =	simm.s32 $0x0;
	s20 =	sshll.u32 s7, $0x1;
	s7 =	sadd.s32 s21, s5  }
0xa3: {  	[timem:s9], [sflag:s22] =	dma.local [hbm:s7], s20  }
0xa4: {  	_ =	swait.ge [sflag:s22], s20  }
0xa5: {  	s6 =	ssub.s32 $0x0, s20;
	[sflag:s22] =	ssyncset.done $0x0  }
0xa6: {  	[sflag:s22] =	ssyncadd.s32 s6;
	_ =	sdelay $0x1  }
0xa7: {  	s23 =	simm.s32 $0x1B8B  }
0xa8: {  	_ =	swait.ge [sflag:s23], $0x1  }
0xa9: {  	[sflag:s23] =	ssyncset.done $0x0  }
0xaa: {  	s25 =	simm.s32 $0x1B8E;
	s24 =	sld [smem:$0x3FFE];
	[sflag:s23] =	ssyncadd.s32 $0xFFFFFFFF  }
0xab: {  	s26 =	simm.s32 $execute0_lowered;
	[smem:$0x3FD2] =	sst s25  }
0xac: {  	s7 =	sshll.u32 s26, $0x1;
	_ =	strace $0x80000046;
	[dreg:$0x1] =	wrdreg $0xFFFFFFFF  }
0xad: {  	s28 =	simm.s32 $_size_execute0_lowered;
	s5 =	sadd.s32 s5, s7;
	[dreg:$0x0] =	wrdreg $0x0  }
0xae: {  	s7 =	sshll.u32 s28, $0x1;
	[dreg:$0x2] =	wrdreg s5  }
0xaf: {  	[dreg:$0x3] =	wrdreg s7  }
0xb0: {  	[dreg:$0x4] =	wrdreg $0xC0  }
0xb1: {  	_ =	task [dreg:s9], $0x5FFFF  }
0xb2: {  	[dreg:$0x1] =	wrdreg $0xFFFFFFFF  }
0xb3: {  	[dreg:$0x0] =	wrdreg $0x60  }
0xb4: {  	[dreg:$0x2] =	wrdreg s15  }
0xb5: {  	[dreg:$0x3] =	wrdreg s24  }
0xb6: {  	[dreg:$0x4] =	wrdreg s16  }
0xb7: {  	[dreg:$0x5] =	wrdreg s17  }
0xb8: {  	[dreg:$0x6] =	wrdreg $0x9  }
0xb9: {  	_ =	task.clear_ibuf [dreg:s9], $0x7FFFF;
	_ =	strace $0x90000046  }
0xba: {  	s29 =	simm.s32 $0x9;
	_ =	strace $0x80000048  }
0xbb: {  	_ =	swait.ge [sflag:s29], $0x1  }
0xbc: {  	[sflag:s29] =	ssyncadd.s32 $0xFFFFFFFF  }
0xbd: {  	_ =	strace $0x90000048  }
0xbe: {  	_ =	sfence  }
0xbf: {  	s30 =	sld [smem:$0x0];
	_ =	sdelay $0x2  }
0xc0: {  	s31 =	sshll.u32 s1, $0xD;
	s1 =	sshrl.u32 s1, $0x2  }
0xc1: {  	s3 =	sand.u32 $0x4000, s31;
	s1 =	sadd.s32 s1, s30  }
0xc2: {  	s0 =	sor.u32 s3, s0;
	s1 =	sshll.u32 s1, $0x11  }
0xc3: {  	s0 =	sor.u32 s1, s0  }
0xc4: {  	s0 =	sadd.s32 $0x8F2B, s0  }
0xc5: {  	[sflag:s0] =	ssyncadd.remote.s32 $0x1  }
0xc6: {  	_ =	sfence.sel $0xFFFF  }
0xc7: {  	[dreg:$0x0] =	wrdreg $0xFFFFFFFF;
	(pc) =	sbr.abs _section_cstart, $3  }
0xc8: {  	[dreg:$0x1] =	wrdreg $0xFFFFFFFF  }
0xc9: {  	_ =	task.clear_ibuf [dreg:s9], $0x2FFFF;
	_ =	strace $0x9FFFFFFF  }
0xca: {  	(tm) =	ssettm $0x7FFFFFFF  }
0xcb: {  	_ =	shalt  }
tec
execute0_lowered:
.L_overlay_start_1:
0x0: {  	(tag) =	ssettag $0x1  }
0x1: {  	s1 =	srdreg.scid;
	s2 =	stileid.u32  }
0x2: {  	s4 =	rddreg [dreg:$0x0];
	s1 =	sand.u32 $0x1, s1;
	s2 =	sshll.u32 s2, $0x1  }
0x3: {  	s0 =	rddreg [dreg:$0x1];
	s2 =	sor.u32 s1, s2  }
0x4: {  	s5 =	simm.s32 $0x0;
	s13 =	simm.s32 $0x7A1400;
	s6 =	smul.u32 $0x29000, s2  }
0x5: {  	[smem:$0x7FF] =	sst s5;
	s1 =	ssub.s32 $0x2, s1;
	s2 =	smul.u32 $0x5200, s2  }
0x6: {  	s0 =	sadd.s32 $0x600, s0;
	_ =	strace $0x80000047;
	s28 =	sshrl.u32 s1, $0x1  }
0x7: {  	[dreg:$0x5] =	wrdreg s0;
	s0 =	ssub.s32 s1, s28;
	s29 =	sadd.s32 s4, s2  }
0x8: {  	s3 =	sshrl.u32 s6, $0x3;
	s31 =	sadd.s32 $0x2000, s6;
	[dreg:$0x6] =	wrdreg s29  }
0x9: {  	s0 =	smax.u32 s0, $0x1;
	s30 =	sadd.s32 s4, s3;
	[dreg:$0x8] =	wrdreg s31  }
0xa: {  	s14 =	simm.s32 $0x1000;
	[dreg:$0x9] =	wrdreg s0;
	s1 =	sadd.s32 $0x200, s30  }
0xb: {  	v4 =	vimm.s32 $0x0;
	s10 =	smov.u32 s6;
	s2 =	simm.s32 $0x0;
	[dreg:$0x7] =	wrdreg s1  }
.LBB2_1:
0xc: {  	[dreg:$0xa] =	wrdreg s2  }
0xd: {  	s0 =	rddreg [dreg:$0x5];
	s29 =	simm.s32 $0x7  }
0xe: {  	[tilespmem:s5], [sflag:$0x7] =	stream.linear.gather [hbm4b:s0+s5], $0x1000, $0x38;
	[tilespmem:$0xD000] =	vst v63  }
0xf: {  	_ =	swait.ge [sflag:s29], $0x1000  }
0x10: {  	[sflag:s29] =	ssyncset.done $0x0  }
0x11: {  	s30 =	rddreg [dreg:$0x6];
	[sflag:s29] =	ssyncadd.s32 $0xFFFFF000  }
0x12: {  	[tilespmem:s14], [sflag:$0x1] =	stream.strided.gather [hbm4b:s30+s14], $0x2000, s13, s14, $0x38;
	[tilespmem:$0xD000] =	vst v63  }
0x13: {  	s1 =	simm.s32 $0x3000;
	s21 =	simm.s32 $0x0;
	s31 =	rddreg [dreg:$0x7]  }
0x14: {  	[tilespmem:s1], [sflag:$0x2] =	stream.strided.gather [hbm4b:s31+s14], $0x2000, s13, s14, $0x38;
	[tilespmem:$0xD000] =	vst v63  }
.LBB2_2:
0x15: {  	s23 =	sand.u32 $0x1, s21  }
0x16: {  	s22 =	sadd.s32 $0x1, s23  }
0x17: {  	_ =	swait.ge [sflag:s22], $0x2000  }
0x18: {  	p0 =	slt.u32 s21, $0x2;
	[sflag:s22] =	ssyncset.done $0x0  }
0x19: {  	s0 =	sadd.s32 @!p0 $0x3, s23;
	[sflag:s22] =	ssyncadd.s32 $0xFFFFE000  }
0x1a: {  	_ =	swait.ge @!p0 [sflag:s0], $0x2000  }
0x1b: {  	s1 =	sshll.u32 s23, $0xD;
	[sflag:s0] =	ssyncset.done @!p0 $0x0  }
0x1c: {  	s2 =	sor.u32 $0x1000, s1;
	[sflag:s0] =	ssyncadd.s32 @!p0 $0xFFFFE000;
	s0 =	sadd.s32 @!p0 $0x5, s23  }
0x1d: {  	s25 =	sadd.s32 $0x5000, s1;
	v0 =	vmov s2;
	_ =	swait.ge @!p0 [sflag:s0], $0x2000  }
0x1e: {  	s24 =	sadd.s32 $0x9000, s1;
	v62 =	vmov s25;
	[tilespmem:$0x1FFD0] =	vst v0  }
0x1f: {  	s26 =	simm.s32 $0xFFFFFFF0;
	v63 =	vmov s24;
	[sflag:s0] =	ssyncset.done @!p0 $0x0;
	[tilespmem:$0x1FFE0] =	vst v62  }
0x20: {  	s28 =	simm.s32 $0x0;
	s29 =	simm.s32 $0x0;
	[tilespmem:$0x1FFF0] =	vst v63;
	[sflag:s0] =	ssyncadd.s32 @!p0 $0xFFFFE000  }
.LBB2_3:
0x21: {  	v62 =	vld [tilespmem:$0x1FFD0];
	_ =	sdelay $0x1  }
0x22: {  	s26 =	sadd.s32 $0x10, s26  }
0x23: {  	s0 =	sshrl.u32 s26, $0x5  }
0x24: {  	s16 =	sshll.u32 s26, $0x4;
	s8 =	smul.u32 $0xA0, s0  }
0x25: {  	s2 =	sand.u32 $0x800, s28;
	s3 =	sshll.u32 s26, $0x2;
	s0 =	sand.u32 $0x1000, s16  }
0x26: {  	s17 =	sand.u32 $0x380, s3;
	s0 =	sor.u32 s2, s0;
	s1 =	sand.u32 $0xFE0, s8  }
0x27: {  	s30 =	sor.u32 s17, s0;
	v13 =	vld [tilespmem:s1+$0x680]  }
0x28: {  	v10 =	vld.idx.msk [tilespmem:v62+s30+$0x0 ss:$0x1], $0xffff;
	_ =	sdelay $0x3  }
0x29: {  	s11 =	sand.u32 $0x1E0, s26  }
0x2a: {  	v14 =	vmov s11;
	s17 =	sor.u32 $0x10, s26;
	vm0 =	vlt.f32 v13, v10  }
0x2b: {  	v0 =	vsel vm0, s17, v14  }
0x2c: {  	v1 =	vor.u32 $0x7, v0;
	_ =	sdelay $0x4  }
0x2d: {  	v1 =	vld.idx.msk [tilespmem:v1+s5+$0x0], $0xffff;
	_ =	sdelay $0x4  }
0x2e: {  	v52 =	vor.u32 $0x8, v0;
	vm12 =	vlt.f32 v1, v10  }
0x2f: {  	v0 =	vsel vm12, v52, v0  }
0x30: {  	v1 =	vor.u32 $0x3, v0;
	_ =	sdelay $0x4  }
0x31: {  	s31 =	sor.u32 $0x10, s30;
	v1 =	vld.idx.msk [tilespmem:v1+s5+$0x0], $0xffff  }
0x32: {  	v11 =	vld.idx.msk [tilespmem:v62+s31+$0x0 ss:$0x1], $0xffff;
	_ =	sdelay $0x3  }
0x33: {  	v53 =	vor.u32 $0x4, v0;
	vm13 =	vlt.f32 v1, v10  }
0x34: {  	vm14 =	vlt.f32 v13, v11;
	v0 =	vsel vm13, v53, v0  }
0x35: {  	v2 =	vsel vm14, s17, v14;
	v1 =	vadd.s32 $0x1, v0  }
0x36: {  	v3 =	vor.u32 $0x7, v2;
	_ =	sdelay $0x3  }
0x37: {  	v1 =	vld.idx.msk [tilespmem:v1+s5+$0x0], $0xffff  }
0x38: {  	v3 =	vld.idx.msk [tilespmem:v3+s5+$0x0], $0xffff;
	_ =	sdelay $0x3  }
0x39: {  	v54 =	vadd.s32 $0x2, v0;
	vm15 =	vlt.f32 v1, v10  }
0x3a: {  	v55 =	vor.u32 $0x8, v2;
	vm4 =	vlt.f32 v3, v11;
	v0 =	vsel vm15, v54, v0  }
0x3b: {  	v1 =	vsel vm4, v55, v2  }
0x3c: {  	v2 =	vor.u32 $0x3, v1;
	_ =	sdelay $0x2  }
0x3d: {  	v3 =	vld.idx.msk [tilespmem:v0+s5+$0x0], $0xffff;
	_ =	sdelay $0x1  }
0x3e: {  	v2 =	vld.idx.msk [tilespmem:v2+s5+$0x0], $0xffff;
	_ =	sdelay $0x2  }
0x3f: {  	vm5 =	vlt.f32 v3, v10  }
0x40: {  	vm0 =	vmneg vm5  }
0x41: {  	v56 =	vor.u32 $0x4, v1;
	vm6 =	vlt.f32 v2, v11;
	v3 =	vsel vm0, $0xFFFFFFFF, v4  }
0x42: {  	s2 =	sor.u32 $0x20, s30;
	v1 =	vsel vm6, v56, v1;
	v0 =	vadd.s32 v3, v0  }
0x43: {  	v12 =	vld.idx.msk [tilespmem:v62+s2+$0x0 ss:$0x1], $0xffff;
	v2 =	vadd.s32 $0x1, v1;
	vm7 =	vgt.s32 v0, s11  }
0x44: {  	v0 =	vnsel vm7, s11, v0  }
0x45: {  	v3 =	vadd.s32 $0x1, v0;
	_ =	sdelay $0x2  }
0x46: {  	vm8 =	vlt.f32 v13, v12;
	v2 =	vld.idx.msk [tilespmem:v2+s5+$0x0], $0xffff  }
0x47: {  	v5 =	vsel vm8, s17, v14;
	v4 =	vld.idx.msk [tilespmem:v0+s5+$0x0], $0xffff  }
0x48: {  	v6 =	vor.u32 $0x7, v5;
	v3 =	vld.idx.msk [tilespmem:v3+s5+$0x0], $0xffff;
	_ =	sdelay $0x2  }
0x49: {  	v57 =	vadd.s32 $0x2, v1;
	vm9 =	vlt.f32 v2, v11  }
0x4a: {  	v2 =	vsel vm9, v57, v1  }
0x4b: {  	v58 =	vsub.f32 v3, v4;
	v3 =	vld.idx.msk [tilespmem:v6+s5+$0x0], $0xffff  }
0x4c: {  	v6 =	vadd.s32 $0x200, v0  }
0x4d: {  	v7 =	vadd.s32 $0x201, v0  }
0x4e: {  	(erf) = vrcp.f32 v58  }
0x4f: {  	v59 =	vld.idx.msk [tilespmem:v2+s5+$0x0], $0xffff  }
0x50: {  	v9 =	vadd.s32 $0x400, v0;
	vm10 =	vlt.f32 v3, v12;
	v3 =	vor.u32 $0x8, v5  }
0x51: {  	v8 =	vld.idx.msk [tilespmem:v6+s5+$0x0], $0xffff;
	v6 =	vadd.s32 $0x401, v0;
	v5 =	vsel vm10, v3, v5  }
0x52: {  	v3 =	vld.idx.msk [tilespmem:v7+s5+$0x0], $0xffff;
	v7 =	vor.u32 $0x3, v5;
	_ =	sdelay $0x1  }
0x53: {  	vm11 =	vlt.f32 v59, v11  }
0x54: {  	v61 =	vimm.s32 $0x0;
	v0 =	vld.idx.msk [tilespmem:v9+s5+$0x0], $0xffff;
	vm0 =	vmneg vm11  }
0x55: {  	v60 =	vsub.f32 v10, v4;
	v9 =	vsel vm0, $0xFFFFFFFF, v61;
	v4 =	vld.idx.msk [tilespmem:v6+s5+$0x0], $0xffff  }
0x56: {  	v2 =	vadd.s32 v9, v2;
	v6 =	vpop (erf);
	v63 =	vsub.f32 v3, v8;
	v7 =	vld.idx.msk [tilespmem:v7+s5+$0x0], $0xffff  }
0x57: {  	vm12 =	vgt.s32 v2, s11;
	v15 =	vmul.f32 v6, v60  }
0x58: {  	v16 =	vnsel vm12, s11, v2;
	v6 =	vmul.f32 v63, v6  }
0x59: {  	v2 =	vadd.s32 $0x1, v16;
	v30 =	vsub.f32 $1.000000000e+00, v15  }
0x5a: {  	v17 =	vadd.f32 v6, v6;
	v18 =	vadd.f32 v4, v0  }
0x5b: {  	v3 =	vmul.f32 v30, v15;
	vm13 =	vlt.f32 v7, v12;
	v7 =	vor.u32 $0x4, v5  }
0x5c: {  	v5 =	vsel vm13, v7, v5  }
0x5d: {  	v19 =	vld.idx.msk [tilespmem:v16+s5+$0x0], $0xffff;
	v7 =	vmul.f32 v3, v17;
	v31 =	vmul.f32 v3, v18;
	v20 =	vadd.s32 $0x1, v5  }
0x5e: {  	s0 =	sor.u32 $0x30, s30;
	v2 =	vld.idx.msk [tilespmem:v2+s5+$0x0], $0xffff  }
0x5f: {  	v18 =	vld.idx.msk [tilespmem:v62+s0+$0x0 ss:$0x1], $0xffff;
	v17 =	vsub.f32 v31, v7;
	_ =	sdelay $0x1  }
0x60: {  	v17 =	vadd.f32 v17, v6  }
0x61: {  	v20 =	vld.idx.msk [tilespmem:v20+s5+$0x0], $0xffff  }
0x62: {  	(erf) = vrcp.f32 v17  }
0x63: {  	v23 =	vadd.s32 $0x201, v16;
	v2 =	vsub.f32 v2, v19;
	vm14 =	vlt.f32 v13, v18  }
0x64: {  	v32 =	vadd.s32 $0x200, v16;
	v21 =	vsel vm14, s17, v14  }
0x65: {  	(erf) = vrcp.f32 v2;
	v22 =	vor.u32 $0x7, v21  }
0x66: {  	v33 =	vadd.s32 $0x2, v5;
	vm15 =	vlt.f32 v20, v12  }
0x67: {  	v5 =	vsel vm15, v33, v5  }
0x68: {  	v15 =	vmul.f32 v15, v15;
	v23 =	vld.idx.msk [tilespmem:v23+s5+$0x0], $0xffff  }
0x69: {  	v34 =	vadd.s32 $0x400, v16;
	v16 =	vadd.s32 $0x401, v16;
	v2 =	vld.idx.msk [tilespmem:v32+s5+$0x0], $0xffff  }
0x6a: {  	v9 =	vmul.f32 v30, v30;
	v4 =	vmul.f32 v15, v4;
	v35 =	vld.idx.msk [tilespmem:v22+s5+$0x0], $0xffff  }
0x6b: {  	v25 =	vpop (erf)  }
0x6c: {  	v9 =	vmul.f32 v9, v0;
	v4 =	vadd.f32 v7, v4;
	v7 =	vmul.f32 v25, v6;
	v24 =	vld.idx.msk [tilespmem:v5+s5+$0x0], $0xffff  }
0x6d: {  	v42 =	vimm.s32 $0x0;
	v19 =	vsub.f32 v11, v19  }
0x6e: {  	v4 =	vadd.f32 v4, v9;
	v16 =	vld.idx.msk [tilespmem:v16+s5+$0x0], $0xffff;
	v20 =	vsub.f32 v23, v2;
	v36 =	vpop (erf);
	v7 =	vmul.f32 v7, v7  }
0x6f: {  	v37 =	vor.u32 $0x8, v21;
	v22 =	vld.idx.msk [tilespmem:v34+s5+$0x0], $0xffff;
	v26 =	vmul.f32 v36, v19;
	vm4 =	vlt.f32 v35, v18  }
0x70: {  	v23 =	vmul.f32 v20, v36;
	v7 =	vmul.f32 v7, v4;
	v4 =	vsel vm4, v37, v21  }
0x71: {  	v38 =	vsub.f32 $1.000000000e+00, v26;
	v39 =	vor.u32 $0x3, v4;
	vm5 =	vlt.f32 v24, v12  }
0x72: {  	v43 =	vadd.f32 v23, v23;
	v40 =	vand.u32 $0x7FFFFF, v7;
	vm0 =	vmneg vm5  }
0x73: {  	s15 =	sor.u32 $0x40, s30;
	v28 =	vmul.f32 v38, v26;
	v41 =	vor.u32 $0x3F800000, v40;
	v21 =	vsel vm0, $0xFFFFFFFF, v42  }
0x74: {  	v27 =	vadd.f32 v16, v22;
	v19 =	vld.idx.msk [tilespmem:v62+s15+$0x0 ss:$0x1], $0xffff;
	v9 =	vadd.f32 $-1.000000000e+00, v41;
	v5 =	vadd.s32 v21, v5  }
0x75: {  	v44 =	vmul.f32 v28, v43;
	vm6 =	vgt.s32 v5, s11  }
0x76: {  	v45 =	vmul.f32 v28, v27;
	v30 =	vmul.f32 $6.074773150e-03, v9;
	v46 =	vnsel vm6, s11, v5;
	v5 =	vld.idx.msk [tilespmem:v39+s5+$0x0], $0xffff  }
0x77: {  	v0 =	vmul.f32 v3, v0;
	v6 =	vmul.f32 v15, v6;
	v29 =	vadd.s32 $0x1, v46  }
0x78: {  	v24 =	vsub.f32 v45, v44;
	v30 =	vsub.f32 $3.441802410e-02, v30  }
0x79: {  	v1 =	vmul.f32 v25, v63;
	v0 =	vadd.f32 v0, v6;
	vm8 =	vlt.f32 v13, v19  }
0x7a: {  	v49 =	vsel vm8, s17, v14;
	v24 =	vadd.f32 v24, v23;
	v30 =	vmul.f32 v30, v9  }
0x7b: {  	v32 =	vor.u32 $0x7, v49;
	v31 =	vld.idx.msk [tilespmem:v46+s5+$0x0], $0xffff;
	vm7 =	vlt.f32 v5, v18;
	v5 =	vor.u32 $0x4, v4  }
0x7c: {  	(erf) = vrcp.f32 v24;
	v47 =	vld.idx.msk [tilespmem:v29+s5+$0x0], $0xffff;
	v48 =	vsel vm7, v5, v4;
	v4 =	vadd.f32 $-9.231255200e-02, v30  }
0x7d: {  	v5 =	vadd.s32 $0x1, v48  }
0x7e: {  	v0 =	vmul.f32 v1, v0;
	v4 =	vmul.f32 v4, v9  }
0x7f: {  	v7 =	vshra.s32 v7, $0x17  }
0x80: {  	v56 =	vor.u32 $0x8, v49;
	v42 =	vadd.f32 v0, v8;
	v41 =	vld [tilespmem:s8+$0x610];
	v33 =	vadd.f32 $1.647821520e-01, v4  }
0x81: {  	v39 =	vadd.s32 $0xFFFFFF81, v7;
	v32 =	vld.idx.msk [tilespmem:v32+s5+$0x0], $0xffff;
	v4 =	vmul.f32 v26, v26;
	v24 =	vsub.f32 v47, v31  }
0x82: {  	v51 =	vadd.s32 $0x201, v46;
	v34 =	vld.idx.msk [tilespmem:v5+s5+$0x0], $0xffff;
	v5 =	vmul.f32 v38, v38;
	v52 =	vmul.f32 v33, v9  }
0x83: {  	v50 =	vadd.s32 $0x200, v46;
	v16 =	vmul.f32 v4, v16;
	(erf) = vrcp.f32 v24  }
0x84: {  	v36 =	vadd.s32 $0x400, v46;
	v54 =	vadd.s32 $0x401, v46;
	v46 =	vld [tilespmem:s8+$0x620];
	v24 =	vadd.f32 $-2.391898930e-01, v52  }
0x85: {  	vm3 =	vlt.f32 v41, v11;
	v33 =	vpop (erf);
	v35 =	vmul.f32 v5, v22;
	v16 =	vadd.f32 v44, v16  }
0x86: {  	v55 =	vadd.s32 $0x2, v48;
	v47 =	vld [tilespmem:s1+$0x600];
	v53 =	vmul.f32 v33, v23;
	v58 =	vmul.f32 v24, v9  }
0x87: {  	v17 =	vld.idx.msk [tilespmem:v51+s5+$0x0], $0xffff;
	vm10 =	vlt.f32 v32, v19;
	v57 =	vsub.f32 v12, v31;
	v16 =	vadd.f32 v16, v35  }
0x88: {  	v5 =	vld.idx.msk [tilespmem:v50+s5+$0x0], $0xffff;
	vm9 =	vlt.f32 v34, v18;
	v21 =	vmul.f32 v53, v53;
	v3 =	vadd.f32 $3.313337270e-01, v58  }
0x89: {  	v63 =	vmul.f32 v10, v46;
	v22 =	vmul.f32 v28, v22;
	v29 =	vsel vm9, v55, v48  }
0x8a: {  	v60 =	vld.idx.msk [tilespmem:v54+s5+$0x0], $0xffff;
	v34 =	vmul.f32 v21, v16;
	v16 =	vsel vm10, v56, v49;
	v3 =	vmul.f32 v3, v9  }
0x8b: {  	vm14 =	vlt.f32 v47, v10;
	vm8 =	vlt.f32 v47, v11;
	v21 =	vld.idx.msk [tilespmem:v36+s5+$0x0], $0xffff;
	v49 =	vor.u32 $0x3, v16  }
0x8c: {  	v55 =	vimm.s32 $0x0;
	v59 =	vand.u32 $0x7FFFFF, v34;
	v48 =	vpop (erf);
	v3 =	vadd.f32 $-4.998010990e-01, v3  }
0x8d: {  	v24 =	vsub.f32 v17, v5;
	v50 =	vor.u32 $0x3F800000, v59;
	v15 =	vmul.f32 v48, v57  }
0x8e: {  	v58 =	vcvt.s32.f32 v39;
	v51 =	vld.idx.msk [tilespmem:v29+s5+$0x0], $0xffff;
	v32 =	vadd.f32 $-1.000000000e+00, v50;
	v3 =	vmul.f32 v3, v9  }
0x8f: {  	v56 =	vor.u32 $0x4, v16;
	v27 =	vmul.f32 v24, v48;
	v52 =	vsub.f32 $1.000000000e+00, v15  }
0x90: {  	v36 =	vadd.f32 v60, v21;
	v6 =	vmul.f32 $6.074773150e-03, v32;
	v31 =	vld.idx.msk [tilespmem:v49+s5+$0x0], $0xffff;
	v3 =	vadd.f32 $9.999914760e-01, v3  }
0x91: {  	v53 =	vadd.f32 v27, v27;
	v26 =	vmul.f32 v52, v15;
	v44 =	vmul.f32 v52, v52  }
0x92: {  	v6 =	vsub.f32 $3.441802410e-02, v6;
	v3 =	vmul.f32 v3, v9;
	v9 =	vmul.f32 $6.931471820e-01, v58  }
0x93: {  	vm11 =	vlt.f32 v51, v18;
	v37 =	vmul.f32 v26, v53;
	v54 =	vmul.f32 v26, v36  }
0x94: {  	vm0 =	vmneg vm11;
	v6 =	vmul.f32 v6, v32;
	v48 =	vmul.f32 v44, v21  }
0x95: {  	s7 =	sor.u32 $0x50, s30;
	v7 =	vld [tilespmem:s8+$0x640];
	v26 =	vmul.f32 v26, v21;
	v25 =	vsel vm0, $0xFFFFFFFF, v55;
	vm1 =	vlt.f32 v31, v19  }
0x96: {  	v29 =	vadd.s32 v25, v29;
	v25 =	vld.idx.msk [tilespmem:v62+s7+$0x0 ss:$0x1], $0xffff;
	v6 =	vadd.f32 $-9.231255200e-02, v6;
	v31 =	vsel vm1, v56, v16  }
0x97: {  	v17 =	vsub.f32 v54, v37;
	vm12 =	vgt.s32 v29, s11;
	v38 =	vadd.s32 $0x1, v31  }
0x98: {  	v3 =	vadd.f32 $9.096491020e-08, v3;
	v29 =	vnsel vm12, s11, v29;
	v6 =	vmul.f32 v6, v32  }
0x99: {  	vm0 =	vmneg vm14;
	v57 =	vadd.f32 v17, v27;
	v40 =	vadd.s32 $0x1, v29  }
0x9a: {  	v16 =	vmul.f32 v10, v7;
	vm1 =	vlt.f32 v41, v10;
	v17 =	vld [tilespmem:s8+$0x630];
	v6 =	vadd.f32 $1.647821520e-01, v6  }
0x9b: {  	v58 =	vadd.s32 $0x400, v29;
	(erf) = vrcp.f32 v57;
	vm13 =	vlt.f32 v13, v25  }
0x9c: {  	v3 =	vadd.f32 v3, v9;
	v59 =	vsel vm13, s17, v14;
	v6 =	vmul.f32 v6, v32;
	v38 =	vld.idx.msk [tilespmem:v38+s5+$0x0], $0xffff  }
0x9d: {  	v49 =	vadd.s32 $0x2, v31;
	v43 =	vadd.s32 $0x200, v29;
	v1 =	vld.idx.msk [tilespmem:v29+s5+$0x0], $0xffff;
	v61 =	vor.u32 $0x7, v59  }
0x9e: {  	[tilespmem:$0x1FE80] =	vst v3;
	v52 =	vadd.s32 $0x201, v29;
	v40 =	vld.idx.msk [tilespmem:v40+s5+$0x0], $0xffff;
	v3 =	vadd.f32 $-2.391898930e-01, v6;
	v6 =	vmul.f32 v15, v15  }
0x9f: {  	v8 =	vmovc v7;
	v57 =	vmul.f32 v33, v20;
	v54 =	vor.u32 $0x8, v59;
	v15 =	vadd.f32 v63, v17;
	v63 =	vld [tilespmem:s8+$0x650]  }
0xa0: {  	v29 =	vadd.s32 $0x401, v29;
	v28 =	vld.idx.msk [tilespmem:v58+s5+$0x0], $0xffff;
	v58 =	vmul.f32 v11, v8;
	v30 =	vmul.f32 v6, v60  }
0xa1: {  	v3 =	vmul.f32 v3, v32;
	v60 =	vshra.s32 v34, $0x17;
	v6 =	vmul.f32 v6, v27  }
0xa2: {  	vm15 =	vlt.f32 v38, v19;
	v34 =	vadd.s32 $0xFFFFFF81, v60;
	v45 =	vld.idx.msk [tilespmem:v61+s5+$0x0], $0xffff;
	v30 =	vadd.f32 v37, v30  }
0xa3: {  	v31 =	vsel vm15, v49, v31;
	v3 =	vadd.f32 $3.313337270e-01, v3;
	v50 =	vsub.f32 v40, v1  }
0xa4: {  	v34 =	vcvt.s32.f32 v34;
	v6 =	vadd.f32 v26, v6;
	v38 =	vpop (erf);
	v40 =	vadd.f32 v16, v63  }
0xa5: {  	v20 =	vld.idx.msk [tilespmem:v43+s5+$0x0], $0xffff;
	v1 =	vsub.f32 v18, v1;
	v51 =	vmul.f32 v38, v27;
	(erf) = vrcp.f32 v50  }
0xa6: {  	v39 =	vld.idx.msk [tilespmem:v52+s5+$0x0], $0xffff;
	v30 =	vadd.f32 v30, v48;
	v55 =	vmul.f32 v3, v32;
	v34 =	vmul.f32 $6.931471820e-01, v34  }
0xa7: {  	v24 =	vmul.f32 v38, v24;
	v40 =	vsel vm1, v40, v42;
	vm4 =	vlt.f32 v45, v25  }
0xa8: {  	v42 =	vimm.s32 $0x0;
	v53 =	vmul.f32 v51, v51;
	v56 =	vld.idx.msk [tilespmem:v31+s5+$0x0], $0xffff;
	v35 =	vsel vm4, v54, v59  }
0xa9: {  	v0 =	vadd.f32 $-4.998010990e-01, v55;
	v7 =	vsel vm0, v15, v40;
	v36 =	vor.u32 $0x3, v35  }
0xaa: {  	v6 =	vmul.f32 v24, v6;
	v45 =	vimm.s32 $0x0;
	v3 =	vmul.f32 v53, v30  }
0xab: {  	v59 =	vmul.f32 v4, v23;
	v0 =	vmul.f32 v0, v32;
	v23 =	vsub.f32 v39, v20  }
0xac: {  	v5 =	vadd.f32 v6, v5;
	v50 =	vor.u32 $0x4, v35;
	v37 =	vand.u32 $0x7FFFFF, v3  }
0xad: {  	v0 =	vadd.f32 $9.999914760e-01, v0;
	v4 =	vor.u32 $0x3F800000, v37;
	v37 =	vld.idx.msk [tilespmem:v29+s5+$0x0], $0xffff;
	vm2 =	vlt.f32 v56, v19  }
0xae: {  	v22 =	vadd.f32 v22, v59;
	v4 =	vadd.f32 $-1.000000000e+00, v4;
	vm2 =	vmneg vm2;
	v61 =	vld.idx.msk [tilespmem:v36+s5+$0x0], $0xffff;
	v16 =	vpop (erf)  }
0xaf: {  	v3 =	vshra.s32 v3, $0x17;
	v44 =	vmul.f32 v16, v1;
	v1 =	vsel vm2, $0xFFFFFFFF, v45  }
0xb0: {  	v32 =	vmul.f32 v0, v32;
	v9 =	vmul.f32 $6.074773150e-03, v4;
	v49 =	vadd.s32 v1, v31  }
0xb1: {  	v1 =	vmul.f32 v23, v16;
	v31 =	vsub.f32 $1.000000000e+00, v44;
	vm5 =	vgt.s32 v49, s11  }
0xb2: {  	v48 =	vsub.f32 $3.441802410e-02, v9;
	v53 =	vadd.f32 v37, v28;
	v33 =	vnsel vm5, s11, v49  }
0xb3: {  	s9 =	sor.u32 $0x60, s30;
	v52 =	vadd.f32 v1, v1;
	vm6 =	vlt.f32 v61, v25;
	v0 =	vmul.f32 v31, v44  }
0xb4: {  	v29 =	vld.idx.msk [tilespmem:v62+s9+$0x0 ss:$0x1], $0xffff;
	v54 =	vmul.f32 v48, v4;
	v51 =	vadd.s32 $0x1, v33;
	v30 =	vsel vm6, v50, v35  }
0xb5: {  	v45 =	vadd.s32 $0x1, v30;
	v35 =	vmul.f32 v0, v52;
	v39 =	vmul.f32 v0, v53  }
0xb6: {  	v6 =	vmul.f32 v12, v8;
	v3 =	vadd.s32 $0xFFFFFF81, v3;
	v55 =	vadd.f32 $-9.231255200e-02, v54  }
0xb7: {  	v10 =	vmul.f32 v57, v22;
	v56 =	vmul.f32 v11, v46;
	v39 =	vsub.f32 v39, v35  }
0xb8: {  	v3 =	vcvt.s32.f32 v3;
	v32 =	vadd.f32 $9.096491020e-08, v32;
	v15 =	vmul.f32 v55, v4;
	v22 =	vld.idx.msk [tilespmem:v33+s5+$0x0], $0xffff  }
0xb9: {  	v2 =	vadd.f32 v10, v2;
	vm7 =	vlt.f32 v13, v29;
	v36 =	vld.idx.msk [tilespmem:v51+s5+$0x0], $0xffff;
	v59 =	vadd.f32 v39, v1  }
0xba: {  	v10 =	vadd.f32 v56, v17;
	v60 =	vsel vm7, s17, v14;
	v15 =	vadd.f32 $1.647821520e-01, v15;
	v57 =	vld.idx.msk [tilespmem:v45+s5+$0x0], $0xffff  }
0xbb: {  	v3 =	vmul.f32 $6.931471820e-01, v3;
	v61 =	vor.u32 $0x7, v60;
	(erf) = vrcp.f32 v59  }
0xbc: {  	vm2 =	vmneg vm8;
	v48 =	vadd.s32 $0x201, v33;
	v15 =	vmul.f32 v15, v4  }
0xbd: {  	[tilespmem:$0x1FF20] =	vst v7;
	v7 =	vadd.f32 v32, v34;
	v32 =	vadd.f32 v58, v63;
	v52 =	vadd.s32 $0x400, v33  }
0xbe: {  	v45 =	vadd.s32 $0x200, v33;
	v15 =	vadd.f32 $-2.391898930e-01, v15;
	v36 =	vsub.f32 v36, v22  }
0xbf: {  	v54 =	vadd.s32 $0x401, v33;
	v16 =	vadd.s32 $0x2, v30;
	vm4 =	vlt.f32 v57, v25  }
0xc0: {  	v49 =	vld.idx.msk [tilespmem:v61+s5+$0x0], $0xffff;
	v15 =	vmul.f32 v15, v4;
	(erf) = vrcp.f32 v36;
	v40 =	vsel vm4, v16, v30  }
0xc1: {  	v2 =	vsel vm3, v32, v2;
	vm5 =	vlt.f32 v47, v12;
	v56 =	vld.idx.msk [tilespmem:v48+s5+$0x0], $0xffff;
	v36 =	vmul.f32 v44, v44  }
0xc2: {  	[tilespmem:$0x1FE90] =	vst v7;
	v7 =	vimm.s32 $0x0;
	v50 =	vmul.f32 v31, v31;
	v26 =	vld.idx.msk [tilespmem:v52+s5+$0x0], $0xffff;
	v15 =	vadd.f32 $3.313337270e-01, v15  }
0xc3: {  	v2 =	vsel vm2, v10, v2;
	v0 =	vmul.f32 v0, v28;
	v21 =	vld.idx.msk [tilespmem:v45+s5+$0x0], $0xffff;
	v51 =	vmul.f32 v36, v37  }
0xc4: {  	vm5 =	vmneg vm5;
	[tilespmem:$0x1FF50] =	vst v2;
	v2 =	vmul.f32 v50, v28;
	v30 =	vld.idx.msk [tilespmem:v54+s5+$0x0], $0xffff;
	v15 =	vmul.f32 v15, v4;
	v37 =	vpop (erf)  }
0xc5: {  	vm9 =	vlt.f32 v49, v29;
	v10 =	vadd.f32 v35, v51;
	v53 =	vld.idx.msk [tilespmem:v40+s5+$0x0], $0xffff;
	v55 =	vmul.f32 v37, v1  }
0xc6: {  	v22 =	vsub.f32 v19, v22;
	v57 =	vor.u32 $0x8, v60;
	v15 =	vadd.f32 $-4.998010990e-01, v15  }
0xc7: {  	v2 =	vadd.f32 v10, v2;
	v10 =	vsel vm9, v57, v60;
	v58 =	vmul.f32 v55, v55  }
0xc8: {  	v27 =	vsub.f32 v56, v21;
	v57 =	vmul.f32 v12, v46;
	v60 =	vor.u32 $0x3, v10  }
0xc9: {  	v49 =	vadd.f32 v30, v26;
	v1 =	vmul.f32 v36, v1;
	v59 =	vpop (erf);
	v34 =	vmul.f32 v58, v2  }
0xca: {  	s18 =	sshll.u32 s29, $0x4;
	s19 =	sshll.u32 s29, $0x2;
	v23 =	vmul.f32 v37, v23;
	v61 =	vmul.f32 v59, v22;
	vm10 =	vlt.f32 v53, v25  }
0xcb: {  	s4 =	sshll.u32 s29, $0x7;
	s3 =	sand.u32 $0x380, s19;
	s1 =	sand.u32 $0xFFFFF000, s18;
	v31 =	vmul.f32 v27, v59;
	vm4 =	vmneg vm10;
	v43 =	vand.u32 $0x7FFFFF, v34  }
0xcc: {  	s20 =	sand.u32 $0xFFFFF000, s4;
	s1 =	sor.u32 s3, s1;
	v38 =	vsub.f32 $1.000000000e+00, v61;
	v2 =	vsel vm4, $0xFFFFFFFF, v42;
	v44 =	vor.u32 $0x3F800000, v43  }
0xcd: {  	s1 =	ssub.s32 s1, s20;
	v15 =	vmul.f32 v15, v4;
	v45 =	vld.idx.msk [tilespmem:v60+s5+$0x0], $0xffff;
	v11 =	vadd.s32 v2, v40;
	v2 =	vadd.f32 $-1.000000000e+00, v44  }
0xce: {  	s4 =	sadd.s32 s1, s28;
	v48 =	vadd.f32 v31, v31;
	v33 =	vmul.f32 v38, v61;
	vm11 =	vgt.s32 v11, s11  }
0xcf: {  	s16 =	sadd.s32 $0x400, s4;
	v15 =	vadd.f32 $9.999914760e-01, v15;
	v11 =	vnsel vm11, s11, v11;
	v51 =	vmul.f32 $6.074773150e-03, v2  }
0xd0: {  	v16 =	vld.idx.msk [tilespmem:v62+s16+$0x0 ss:$0x1], $0xffff;
	v32 =	vmul.f32 v33, v48;
	v39 =	vmul.f32 v33, v49;
	v50 =	vadd.s32 $0x1, v11  }
0xd1: {  	v55 =	vor.u32 $0x4, v10;
	v4 =	vmul.f32 v15, v4;
	v52 =	vsub.f32 $3.441802410e-02, v51  }
0xd2: {  	s12 =	sor.u32 $0x70, s30;
	v0 =	vadd.f32 v0, v1;
	vm12 =	vlt.f32 v45, v29;
	v53 =	vsub.f32 v39, v32  }
0xd3: {  	v22 =	vld.idx.msk [tilespmem:v62+s12+$0x0 ss:$0x1], $0xffff;
	v4 =	vadd.f32 $9.096491020e-08, v4;
	v10 =	vsel vm12, v55, v10;
	v15 =	vmul.f32 v52, v2  }
0xd4: {  	v0 =	vmul.f32 v23, v0;
	v56 =	vadd.s32 $0x1, v10;
	v24 =	vadd.f32 v53, v31;
	v54 =	vld.idx.msk [tilespmem:v11+s5+$0x0], $0xffff  }
0xd5: {  	vm10 =	vlt.f32 v13, v16;
	v3 =	vadd.f32 v4, v3;
	v40 =	vld.idx.msk [tilespmem:v50+s5+$0x0], $0xffff;
	v15 =	vadd.f32 $-9.231255200e-02, v15  }
0xd6: {  	v43 =	vadd.f32 v57, v17;
	vm4 =	vlt.f32 v41, v12;
	(erf) = vrcp.f32 v24  }
0xd7: {  	v4 =	vadd.f32 v6, v63;
	[tilespmem:$0x1FEA0] =	vst v3;
	v58 =	vadd.s32 $0x200, v11;
	v3 =	vmul.f32 v15, v2  }
0xd8: {  	v44 =	vmul.f32 v38, v38;
	vm13 =	vlt.f32 v13, v22;
	v60 =	vadd.s32 $0x201, v11  }
0xd9: {  	v5 =	vsel vm4, v4, v5;
	v45 =	vadd.s32 $0x400, v11;
	v59 =	vld.idx.msk [tilespmem:v56+s5+$0x0], $0xffff;
	v15 =	vadd.f32 $1.647821520e-01, v3  }
0xda: {  	v5 =	vsel vm5, v43, v5;
	v11 =	vadd.s32 $0x401, v11;
	v6 =	vsub.f32 v40, v54  }
0xdb: {  	vm12 =	vlt.f32 v47, v18;
	v48 =	vadd.s32 $0x2, v10;
	v4 =	vmul.f32 v15, v2  }
0xdc: {  	v24 =	vld.idx.msk [tilespmem:v58+s5+$0x0], $0xffff;
	v3 =	vmul.f32 v61, v61;
	(erf) = vrcp.f32 v6;
	v6 =	vsel vm13, s17, v14  }
0xdd: {  	v50 =	vld.idx.msk [tilespmem:v60+s5+$0x0], $0xffff;
	v53 =	vsub.f32 v25, v54;
	v61 =	vor.u32 $0x7, v6;
	v49 =	vadd.f32 $-2.391898930e-01, v4  }
0xde: {  	[tilespmem:$0x1FF60] =	vst v5;
	v28 =	vld.idx.msk [tilespmem:v45+s5+$0x0], $0xffff;
	v54 =	vshra.s32 v34, $0x17;
	v30 =	vmul.f32 v3, v30;
	vm6 =	vlt.f32 v59, v29  }
0xdf: {  	v11 =	vld.idx.msk [tilespmem:v11+s5+$0x0], $0xffff;
	v15 =	vmul.f32 v44, v26;
	v10 =	vsel vm6, v48, v10;
	v4 =	vpop (erf);
	v5 =	vmul.f32 v49, v2  }
0xe0: {  	v1 =	vadd.s32 $0xFFFFFF81, v54;
	v30 =	vadd.f32 v32, v30;
	v51 =	vmul.f32 v4, v31  }
0xe1: {  	v44 =	vsel vm10, s17, v14;
	v3 =	vmul.f32 v3, v31;
	v5 =	vadd.f32 $3.313337270e-01, v5  }
0xe2: {  	v26 =	vmul.f32 v33, v26;
	v15 =	vadd.f32 v30, v15;
	v12 =	vld.idx.msk [tilespmem:v61+s5+$0x0], $0xffff;
	v52 =	vmul.f32 v51, v51  }
0xe3: {  	v1 =	vcvt.s32.f32 v1;
	v32 =	vsub.f32 v50, v24;
	v5 =	vmul.f32 v5, v2  }
0xe4: {  	v57 =	vor.u32 $0x8, v6;
	v9 =	vadd.f32 v11, v28;
	v56 =	vld.idx.msk [tilespmem:v10+s5+$0x0], $0xffff;
	v15 =	vmul.f32 v52, v15  }
0xe5: {  	v4 =	vmul.f32 v4, v27;
	v51 =	vor.u32 $0x7, v44;
	v55 =	vpop (erf);
	v5 =	vadd.f32 $-4.998010990e-01, v5  }
0xe6: {  	v30 =	vmul.f32 v55, v53;
	v58 =	vand.u32 $0x7FFFFF, v15;
	v36 =	vmul.f32 v32, v55  }
0xe7: {  	v53 =	vmul.f32 $6.931471820e-01, v1;
	v55 =	vmul.f32 v18, v46;
	vm14 =	vlt.f32 v12, v22  }
0xe8: {  	v15 =	vshra.s32 v15, $0x17;
	v60 =	vor.u32 $0x3F800000, v58;
	v6 =	vsel vm14, v57, v6  }
0xe9: {  	vm15 =	vlt.f32 v56, v29;
	v5 =	vmul.f32 v5, v2;
	v59 =	vor.u32 $0x3, v6  }
0xea: {  	v56 =	vmul.f32 v18, v8;
	v15 =	vadd.s32 $0xFFFFFF81, v15;
	v38 =	vsub.f32 $1.000000000e+00, v30  }
0xeb: {  	v61 =	vadd.f32 v36, v36;
	v39 =	vadd.f32 $-1.000000000e+00, v60;
	vm6 =	vmneg vm15  }
0xec: {  	v1 =	vmul.f32 v30, v30;
	v23 =	vadd.f32 v55, v17;
	v15 =	vcvt.s32.f32 v15  }
0xed: {  	v45 =	vsel vm6, $0xFFFFFFFF, v7;
	v37 =	vmul.f32 v38, v30;
	v48 =	vmul.f32 $6.074773150e-03, v39  }
0xee: {  	v5 =	vadd.f32 $9.999914760e-01, v5;
	v52 =	vor.u32 $0x4, v6;
	v10 =	vadd.s32 v45, v10;
	v34 =	vld.idx.msk [tilespmem:v59+s5+$0x0], $0xffff  }
0xef: {  	v35 =	vmul.f32 v37, v61;
	v12 =	vmul.f32 v37, v9;
	v49 =	vsub.f32 $3.441802410e-02, v48  }
0xf0: {  	v7 =	vimm.s32 $0x0;
	v60 =	vmul.f32 v1, v11;
	vm9 =	vgt.s32 v10, s11  }
0xf1: {  	v10 =	vnsel vm9, s11, v10;
	v40 =	vsub.f32 v12, v35;
	v42 =	vmul.f32 v49, v39  }
0xf2: {  	v15 =	vmul.f32 $6.931471820e-01, v15;
	v2 =	vmul.f32 v5, v2;
	v50 =	vadd.s32 $0x1, v10  }
0xf3: {  	v57 =	vld.idx.msk [tilespmem:v51+s5+$0x0], $0xffff;
	v40 =	vadd.f32 v40, v36;
	v5 =	vadd.f32 $-9.231255200e-02, v42;
	vm11 =	vlt.f32 v34, v22  }
0xf4: {  	v9 =	vmovc v46;
	v46 =	vadd.f32 v0, v20;
	v20 =	vadd.s32 $0x200, v10;
	v6 =	vsel vm11, v52, v6  }
0xf5: {  	(erf) = vrcp.f32 v40;
	v5 =	vmul.f32 v5, v39;
	v54 =	vadd.s32 $0x1, v6  }
0xf6: {  	vm9 =	vmneg vm12;
	v2 =	vadd.f32 $9.096491020e-08, v2;
	v55 =	vadd.s32 $0x400, v10  }
0xf7: {  	v49 =	vadd.s32 $0x201, v10;
	v43 =	vld.idx.msk [tilespmem:v50+s5+$0x0], $0xffff;
	v58 =	vadd.f32 $1.647821520e-01, v5;
	v5 =	vmul.f32 v38, v38  }
0xf8: {  	vm7 =	vlt.f32 v57, v16;
	v59 =	vadd.f32 v56, v63;
	v2 =	vadd.f32 v2, v53;
	v34 =	vld.idx.msk [tilespmem:v10+s5+$0x0], $0xffff  }
0xf9: {  	v0 =	vadd.f32 v35, v60;
	v50 =	vor.u32 $0x8, v44;
	v30 =	vld.idx.msk [tilespmem:v20+s5+$0x0], $0xffff;
	v5 =	vmul.f32 v5, v28  }
0xfa: {  	v7 =	vsel vm9, $0xFFFFFFFF, v7;
	[tilespmem:$0x1FEC0] =	vst v2;
	v52 =	vsel vm7, v50, v44;
	v2 =	vmul.f32 v58, v39;
	v61 =	vld.idx.msk [tilespmem:v54+s5+$0x0], $0xffff  }
0xfb: {  	[tilespmem:$0x1FEE0] =	vst v7;
	v7 =	vimm.s32 $0x0;
	v31 =	vld.idx.msk [tilespmem:v55+s5+$0x0], $0xffff;
	v0 =	vadd.f32 v0, v5;
	v5 =	vor.u32 $0x3, v52  }
0xfc: {  	s18 =	sadd.s32 $0x410, s4;
	v55 =	vmul.f32 v19, v9;
	v56 =	vld.idx.msk [tilespmem:v49+s5+$0x0], $0xffff;
	v10 =	vadd.s32 $0x401, v10;
	v2 =	vadd.f32 $-2.391898930e-01, v2  }
0xfd: {  	vm7 =	vlt.f32 v41, v18;
	v58 =	vadd.f32 v26, v3;
	v26 =	vld.idx.msk [tilespmem:v62+s18+$0x0 ss:$0x1], $0xffff;
	v48 =	vsub.f32 v43, v34  }
0xfe: {  	v38 =	vsel vm7, v59, v46;
	v54 =	vadd.s32 $0x2, v6;
	v2 =	vmul.f32 v2, v39;
	v42 =	vpop (erf)  }
0xff: {  	(erf) = vrcp.f32 v48;
	v51 =	vmul.f32 v42, v36;
	vm8 =	vlt.f32 v61, v22  }
0x100: {  	v28 =	vmul.f32 v37, v28;
	v2 =	vadd.f32 $3.313337270e-01, v2;
	v5 =	vld.idx.msk [tilespmem:v5+s5+$0x0], $0xffff;
	v6 =	vsel vm8, v54, v6  }
0x101: {  	v34 =	vsub.f32 v29, v34;
	v4 =	vmul.f32 v4, v58;
	v53 =	vmul.f32 v51, v51  }
0x102: {  	v33 =	vsub.f32 v56, v30;
	v10 =	vld.idx.msk [tilespmem:v10+s5+$0x0], $0xffff;
	vm14 =	vlt.f32 v13, v26;
	v2 =	vmul.f32 v2, v39  }
0x103: {  	v4 =	vadd.f32 v4, v21;
	v48 =	vsel vm14, s17, v14;
	v0 =	vmul.f32 v53, v0  }
0x104: {  	v36 =	vmul.f32 v1, v36;
	v49 =	vor.u32 $0x7, v48;
	v2 =	vadd.f32 $-4.998010990e-01, v2  }
0x105: {  	v58 =	vor.u32 $0x8, v48;
	v57 =	vand.u32 $0x7FFFFF, v0;
	vm13 =	vlt.f32 v5, v16;
	v59 =	vld.idx.msk [tilespmem:v6+s5+$0x0], $0xffff  }
0x106: {  	v5 =	vor.u32 $0x4, v52;
	v2 =	vmul.f32 v2, v39;
	v3 =	vor.u32 $0x3F800000, v57  }
0x107: {  	v51 =	vadd.f32 v10, v31;
	v5 =	vsel vm13, v5, v52;
	v3 =	vadd.f32 $-1.000000000e+00, v3  }
0x108: {  	v28 =	vadd.f32 v28, v36;
	v60 =	vpop (erf);
	v40 =	vadd.s32 $0x1, v5;
	v2 =	vadd.f32 $9.999914760e-01, v2  }
0x109: {  	v57 =	vadd.s32 $0x2, v5;
	v27 =	vmul.f32 v60, v34;
	v61 =	vmul.f32 $6.074773150e-03, v3  }
0x10a: {  	v34 =	vmul.f32 v33, v60;
	v2 =	vmul.f32 v2, v39;
	vm15 =	vlt.f32 v59, v22  }
0x10b: {  	v44 =	vld.idx.msk [tilespmem:v49+s5+$0x0], $0xffff;
	v11 =	vsub.f32 $1.000000000e+00, v27;
	v18 =	vsub.f32 $3.441802410e-02, v61;
	vm12 =	vmneg vm15  }
0x10c: {  	v50 =	vadd.f32 v34, v34;
	v2 =	vadd.f32 $9.096491020e-08, v2;
	v52 =	vsel vm12, $0xFFFFFFFF, v7  }
0x10d: {  	v35 =	vmul.f32 v11, v27;
	v40 =	vld.idx.msk [tilespmem:v40+s5+$0x0], $0xffff;
	v18 =	vmul.f32 v18, v3;
	v6 =	vadd.s32 v52, v6  }
0x10e: {  	v59 =	vmul.f32 v19, v8;
	v2 =	vadd.f32 v2, v15;
	vm13 =	vgt.s32 v6, s11  }
0x10f: {  	v45 =	vmul.f32 v35, v50;
	v46 =	vmul.f32 v35, v51;
	v6 =	vnsel vm13, s11, v6  }
0x110: {  	v12 =	vmovc v47;
	vm15 =	vlt.f32 v44, v26;
	v7 =	vsel vm9, v23, v38;
	v53 =	vadd.s32 $0x1, v6  }
0x111: {  	v18 =	vadd.f32 $-9.231255200e-02, v18;
	v49 =	vadd.f32 v59, v63;
	vm12 =	vlt.f32 v12, v19  }
0x112: {  	vm9 =	vlt.f32 v41, v19;
	v46 =	vsub.f32 v46, v45;
	vm14 =	vlt.f32 v40, v16  }
0x113: {  	v18 =	vmul.f32 v18, v3;
	v40 =	vsel vm15, v58, v48;
	v5 =	vsel vm14, v57, v5  }
0x114: {  	[tilespmem:$0x1FED0] =	vst v2;
	v2 =	vmul.f32 v27, v27;
	vm8 =	vmneg vm12;
	v61 =	vor.u32 $0x3, v40;
	v38 =	vld.idx.msk [tilespmem:v6+s5+$0x0], $0xffff  }
0x115: {  	s19 =	sadd.s32 $0x420, s4;
	[tilespmem:$0x1FF70] =	vst v7;
	v7 =	vimm.s32 $0x0;
	v54 =	vadd.f32 v46, v34;
	v60 =	vadd.f32 $1.647821520e-01, v18;
	v56 =	vld.idx.msk [tilespmem:v53+s5+$0x0], $0xffff  }
0x116: {  	v27 =	vld.idx.msk [tilespmem:v62+s19+$0x0 ss:$0x1], $0xffff;
	v48 =	vadd.f32 v55, v17;
	v10 =	vmul.f32 v2, v10;
	v2 =	vmul.f32 v2, v34  }
0x117: {  	v4 =	vsel vm9, v49, v4;
	(erf) = vrcp.f32 v54;
	v50 =	vmul.f32 v60, v3  }
0x118: {  	v4 =	vsel vm8, v48, v4;
	v10 =	vadd.f32 v45, v10;
	v19 =	vadd.s32 $0x400, v6;
	v55 =	vld.idx.msk [tilespmem:v5+s5+$0x0], $0xffff  }
0x119: {  	v48 =	vor.u32 $0x4, v40;
	[tilespmem:$0x1FF80] =	vst v4;
	v4 =	vmul.f32 v42, v32;
	v52 =	vadd.f32 $-2.391898930e-01, v50;
	v15 =	vld.idx.msk [tilespmem:v61+s5+$0x0], $0xffff  }
0x11a: {  	v54 =	vadd.s32 $0x200, v6;
	v53 =	vmul.f32 v11, v11;
	v51 =	vsub.f32 v56, v38  }
0x11b: {  	vm14 =	vlt.f32 v13, v27;
	v4 =	vmul.f32 v4, v28;
	v57 =	vmul.f32 v52, v3  }
0x11c: {  	v58 =	vmul.f32 v53, v31;
	v56 =	vadd.s32 $0x201, v6;
	(erf) = vrcp.f32 v51  }
0x11d: {  	v31 =	vmul.f32 v35, v31;
	v60 =	vadd.f32 $3.313337270e-01, v57;
	v57 =	vshra.s32 v0, $0x17  }
0x11e: {  	v10 =	vadd.f32 v10, v58;
	vm13 =	vlt.f32 v15, v26;
	vm10 =	vlt.f32 v55, v16  }
0x11f: {  	v2 =	vadd.f32 v31, v2;
	v6 =	vadd.s32 $0x401, v6;
	v15 =	vsel vm13, v48, v40  }
0x120: {  	v32 =	vld.idx.msk [tilespmem:v54+s5+$0x0], $0xffff;
	v11 =	vpop (erf);
	vm10 =	vmneg vm10;
	v40 =	vsel vm14, s17, v14;
	v38 =	vsub.f32 v22, v38  }
0x121: {  	s20 =	sadd.s32 $0x430, s4;
	v52 =	vmul.f32 v60, v3;
	v59 =	vmul.f32 v11, v34;
	v49 =	vadd.s32 $0x1, v15;
	v21 =	vld.idx.msk [tilespmem:v56+s5+$0x0], $0xffff  }
0x122: {  	v28 =	vld.idx.msk [tilespmem:v62+s20+$0x0 ss:$0x1], $0xffff;
	v50 =	vsel vm10, $0xFFFFFFFF, v7;
	v33 =	vmul.f32 v11, v33;
	v51 =	vor.u32 $0x7, v40  }
0x123: {  	v5 =	vadd.s32 v50, v5;
	v54 =	vadd.f32 $-4.998010990e-01, v52;
	v52 =	vor.u32 $0x8, v40  }
0x124: {  	v43 =	vld.idx.msk [tilespmem:v19+s5+$0x0], $0xffff;
	v50 =	vadd.f32 v4, v24;
	v61 =	vmul.f32 v59, v59;
	vm15 =	vgt.s32 v5, s11  }
0x125: {  	v2 =	vmul.f32 v33, v2;
	v5 =	vnsel vm15, s11, v5;
	v23 =	vmul.f32 v54, v3;
	v6 =	vld.idx.msk [tilespmem:v6+s5+$0x0], $0xffff;
	v53 =	vpop (erf)  }
0x126: {  	v1 =	vmul.f32 v61, v10;
	v42 =	vsub.f32 v21, v32;
	v18 =	vmul.f32 v53, v38  }
0x127: {  	vm15 =	vlt.f32 v13, v28;
	v56 =	vadd.s32 $0x1, v5;
	v61 =	vadd.s32 $0xFFFFFF81, v57;
	v39 =	vld.idx.msk [tilespmem:v49+s5+$0x0], $0xffff  }
0x128: {  	v55 =	vand.u32 $0x7FFFFF, v1;
	v59 =	vld.idx.msk [tilespmem:v51+s5+$0x0], $0xffff;
	v44 =	vmul.f32 v42, v53;
	v38 =	vsub.f32 $1.000000000e+00, v18  }
0x129: {  	v23 =	vadd.f32 $9.999914760e-01, v23;
	v36 =	vcvt.s32.f32 v61;
	v58 =	vor.u32 $0x3F800000, v55  }
0x12a: {  	v19 =	vadd.f32 v6, v43;
	v60 =	vadd.f32 v44, v44;
	v0 =	vmul.f32 v38, v18  }
0x12b: {  	v61 =	vadd.s32 $0x201, v5;
	v3 =	vmul.f32 v23, v3;
	v10 =	vadd.f32 $-1.000000000e+00, v58;
	v49 =	vld.idx.msk [tilespmem:v5+s5+$0x0], $0xffff  }
0x12c: {  	v51 =	vadd.s32 $0x2, v15;
	v46 =	vld.idx.msk [tilespmem:v56+s5+$0x0], $0xffff;
	v45 =	vmul.f32 v0, v60;
	v47 =	vmul.f32 v0, v19  }
0x12d: {  	v48 =	vmul.f32 $6.074773150e-03, v10;
	vm10 =	vlt.f32 v39, v26;
	vm11 =	vlt.f32 v59, v27  }
0x12e: {  	v15 =	vsel vm10, v51, v15;
	v37 =	vsel vm11, v52, v40;
	v53 =	vsub.f32 v47, v45  }
0x12f: {  	v1 =	vshra.s32 v1, $0x17;
	v54 =	vsub.f32 $3.441802410e-02, v48;
	v40 =	vor.u32 $0x3, v37  }
0x130: {  	v55 =	vmul.f32 $6.931471820e-01, v36;
	v3 =	vadd.f32 $9.096491020e-08, v3;
	v23 =	vadd.f32 v53, v44  }
0x131: {  	v58 =	vmul.f32 v25, v8;
	v56 =	vmul.f32 v54, v10;
	v57 =	vsub.f32 v46, v49  }
0x132: {  	v59 =	vadd.s32 $0x200, v5;
	v3 =	vadd.f32 v3, v55;
	(erf) = vrcp.f32 v23  }
0x133: {  	v1 =	vadd.s32 $0xFFFFFF81, v1;
	v36 =	vadd.f32 $-9.231255200e-02, v56;
	v60 =	vld.idx.msk [tilespmem:v15+s5+$0x0], $0xffff;
	(erf) = vrcp.f32 v57  }
0x134: {  	v1 =	vcvt.s32.f32 v1;
	v51 =	vadd.f32 v58, v63;
	[tilespmem:$0x1FEF0] =	vst v3;
	v18 =	vmul.f32 v18, v18;
	v3 =	vld.idx.msk [tilespmem:v40+s5+$0x0], $0xffff  }
0x135: {  	vm10 =	vlt.f32 v41, v25;
	v38 =	vmul.f32 v38, v38;
	v4 =	vmul.f32 v36, v10  }
0x136: {  	v6 =	vmul.f32 v18, v6;
	v19 =	vadd.s32 $0x400, v5;
	v40 =	vmul.f32 v25, v9  }
0x137: {  	v36 =	vld.idx.msk [tilespmem:v59+s5+$0x0], $0xffff;
	v59 =	vsub.f32 v16, v49;
	v24 =	vadd.f32 $1.647821520e-01, v4;
	v4 =	vadd.s32 $0x401, v5  }
0x138: {  	v58 =	vld.idx.msk [tilespmem:v61+s5+$0x0], $0xffff;
	v6 =	vadd.f32 v45, v6;
	v5 =	vimm.s32 $0x0;
	vm12 =	vlt.f32 v60, v26  }
0x139: {  	vm6 =	vmneg vm12;
	vm13 =	vlt.f32 v3, v27;
	v3 =	vor.u32 $0x4, v37  }
0x13a: {  	v53 =	vsel vm15, s17, v14;
	v5 =	vsel vm6, $0xFFFFFFFF, v5;
	v3 =	vsel vm13, v3, v37  }
0x13b: {  	v39 =	vld.idx.msk [tilespmem:v19+s5+$0x0], $0xffff;
	v19 =	vor.u32 $0x7, v53;
	v5 =	vadd.s32 v5, v15;
	v37 =	vadd.s32 $0x1, v3;
	v52 =	vpop (erf)  }
0x13c: {  	v57 =	vmul.f32 v38, v43;
	v4 =	vld.idx.msk [tilespmem:v4+s5+$0x0], $0xffff;
	vm14 =	vgt.s32 v5, s11;
	v60 =	vmul.f32 v52, v44;
	v61 =	vpop (erf)  }
0x13d: {  	v38 =	vsub.f32 v58, v36;
	v48 =	vnsel vm14, s11, v5;
	v5 =	vmul.f32 v61, v59  }
0x13e: {  	s3 =	sadd.s32 $0x440, s4;
	vm6 =	vlt.f32 v12, v25;
	v6 =	vadd.f32 v6, v57;
	v57 =	vmul.f32 v60, v60  }
0x13f: {  	v25 =	vld.idx.msk [tilespmem:v62+s3+$0x0 ss:$0x1], $0xffff;
	v54 =	vadd.s32 $0x1, v48;
	v47 =	vmul.f32 v38, v61;
	v15 =	vsub.f32 $1.000000000e+00, v5  }
0x140: {  	v58 =	vmul.f32 v24, v10;
	v49 =	vmul.f32 v57, v6;
	v6 =	vld.idx.msk [tilespmem:v37+s5+$0x0], $0xffff  }
0x141: {  	v19 =	vld.idx.msk [tilespmem:v19+s5+$0x0], $0xffff;
	v60 =	vadd.f32 v4, v39;
	v59 =	vadd.f32 v47, v47;
	v46 =	vmul.f32 v15, v5  }
0x142: {  	v18 =	vmul.f32 v18, v44;
	v0 =	vmul.f32 v0, v43;
	v61 =	vadd.f32 $-2.391898930e-01, v58  }
0x143: {  	v2 =	vadd.f32 v2, v30;
	v55 =	vld.idx.msk [tilespmem:v48+s5+$0x0], $0xffff;
	v23 =	vmul.f32 v46, v59;
	v37 =	vmul.f32 v46, v60  }
0x144: {  	v0 =	vadd.f32 v0, v18;
	vm13 =	vlt.f32 v13, v25;
	v11 =	vmul.f32 v61, v10;
	v57 =	vld.idx.msk [tilespmem:v54+s5+$0x0], $0xffff  }
0x145: {  	v37 =	vsub.f32 v37, v23;
	vm11 =	vlt.f32 v6, v27;
	v6 =	vadd.s32 $0x2, v3  }
0x146: {  	vm12 =	vlt.f32 v19, v28;
	v59 =	vadd.f32 $3.313337270e-01, v11;
	v6 =	vsel vm11, v6, v3  }
0x147: {  	v56 =	vand.u32 $0x7FFFFF, v49;
	v60 =	vor.u32 $0x8, v53;
	v3 =	vadd.f32 v37, v47  }
0x148: {  	v58 =	vor.u32 $0x3F800000, v56;
	v34 =	vsel vm12, v60, v53;
	v61 =	vmul.f32 v59, v10  }
0x149: {  	v19 =	vsub.f32 v57, v55;
	(erf) = vrcp.f32 v3;
	v3 =	vor.u32 $0x3, v34  }
0x14a: {  	v42 =	vmul.f32 v52, v42;
	v11 =	vadd.f32 $-1.000000000e+00, v58;
	v53 =	vadd.s32 $0x200, v48  }
0x14b: {  	v58 =	vsel vm13, s17, v14;
	v35 =	vadd.f32 $-4.998010990e-01, v61;
	(erf) = vrcp.f32 v19;
	v56 =	vld.idx.msk [tilespmem:v6+s5+$0x0], $0xffff  }
0x14c: {  	v5 =	vmul.f32 v5, v5;
	v24 =	vor.u32 $0x7, v58;
	v20 =	vmul.f32 $6.074773150e-03, v11  }
0x14d: {  	v0 =	vmul.f32 v42, v0;
	v54 =	vadd.s32 $0x201, v48;
	v35 =	vmul.f32 v35, v10  }
0x14e: {  	v15 =	vmul.f32 v15, v15;
	v4 =	vmul.f32 v5, v4;
	v21 =	vsub.f32 $3.441802410e-02, v20;
	v19 =	vld.idx.msk [tilespmem:v3+s5+$0x0], $0xffff  }
0x14f: {  	v60 =	vsel vm10, v51, v50;
	v20 =	vadd.s32 $0x400, v48;
	v3 =	vadd.f32 $9.999914760e-01, v35  }
0x150: {  	v48 =	vadd.s32 $0x401, v48;
	v37 =	vld.idx.msk [tilespmem:v53+s5+$0x0], $0xffff;
	v31 =	vmul.f32 v21, v11;
	vm14 =	vlt.f32 v56, v27  }
0x151: {  	v45 =	vld.idx.msk [tilespmem:v24+s5+$0x0], $0xffff;
	v10 =	vmul.f32 v3, v10;
	v3 =	vimm.s32 $0x0;
	vm11 =	vmneg vm14  }
0x152: {  	v21 =	vld.idx.msk [tilespmem:v54+s5+$0x0], $0xffff;
	v24 =	vsub.f32 v26, v55;
	v31 =	vadd.f32 $-9.231255200e-02, v31;
	v57 =	vsel vm11, $0xFFFFFFFF, v3  }
0x153: {  	v7 =	vpop (erf);
	v61 =	vadd.s32 v57, v6;
	vm11 =	vlt.f32 v19, v28;
	v6 =	vor.u32 $0x4, v34  }
0x154: {  	v59 =	vadd.f32 v40, v17;
	v31 =	vmul.f32 v31, v11;
	v53 =	vpop (erf);
	v35 =	vsel vm11, v6, v34  }
0x155: {  	v40 =	vld.idx.msk [tilespmem:v20+s5+$0x0], $0xffff;
	v57 =	vmul.f32 v53, v24;
	vm12 =	vgt.s32 v61, s11;
	v24 =	vadd.s32 $0x1, v35  }
0x156: {  	v50 =	vld.idx.msk [tilespmem:v48+s5+$0x0], $0xffff;
	vm15 =	vlt.f32 v45, v25;
	v54 =	vnsel vm12, s11, v61;
	v61 =	vor.u32 $0x8, v58  }
0x157: {  	v20 =	vsub.f32 v21, v37;
	v34 =	vadd.s32 $0x1, v54;
	v44 =	vsel vm15, v61, v58  }
0x158: {  	v15 =	vmul.f32 v15, v39;
	v31 =	vadd.f32 $1.647821520e-01, v31;
	v45 =	vor.u32 $0x3, v44  }
0x159: {  	v5 =	vmul.f32 v5, v47;
	v51 =	vmul.f32 v20, v53;
	v55 =	vsub.f32 $1.000000000e+00, v57  }
0x15a: {  	v39 =	vmul.f32 v46, v39;
	v4 =	vadd.f32 v23, v4;
	v31 =	vmul.f32 v31, v11;
	v43 =	vld.idx.msk [tilespmem:v24+s5+$0x0], $0xffff  }
0x15b: {  	v21 =	vadd.f32 v50, v40;
	v53 =	vadd.f32 v51, v51;
	v48 =	vmul.f32 v55, v57;
	v56 =	vld.idx.msk [tilespmem:v54+s5+$0x0], $0xffff  }
0x15c: {  	v10 =	vadd.f32 $9.096491020e-08, v10;
	v31 =	vadd.f32 $-2.391898930e-01, v31;
	v24 =	vmul.f32 $6.931471820e-01, v1;
	v61 =	vld.idx.msk [tilespmem:v34+s5+$0x0], $0xffff  }
0x15d: {  	s1 =	sadd.s32 $0x450, s4;
	vm11 =	vmneg vm6;
	v6 =	vmul.f32 v48, v53;
	v34 =	vmul.f32 v48, v21;
	v21 =	vld.idx.msk [tilespmem:v45+s5+$0x0], $0xffff  }
0x15e: {  	v33 =	vsel vm11, v59, v60;
	v60 =	vmul.f32 v31, v11;
	v31 =	vld.idx.msk [tilespmem:v62+s1+$0x0 ss:$0x1], $0xffff;
	v59 =	vadd.f32 v10, v24  }
0x15f: {  	v39 =	vadd.f32 v39, v5;
	v30 =	vadd.s32 $0x200, v54;
	v58 =	vsub.f32 v34, v6  }
0x160: {  	v10 =	vadd.f32 $3.313337270e-01, v60;
	[tilespmem:$0x1FF00] =	vst v59;
	v59 =	vadd.s32 $0x2, v35;
	vm12 =	vlt.f32 v43, v28  }
0x161: {  	v60 =	vmul.f32 v29, v8;
	v18 =	vadd.f32 v58, v51;
	v43 =	vsel vm12, v59, v35  }
0x162: {  	v24 =	vmovc v8;
	v8 =	vor.u32 $0x4, v44;
	v1 =	vsub.f32 v61, v56;
	vm13 =	vlt.f32 v21, v25  }
0x163: {  	vm14 =	vlt.f32 v13, v31;
	(erf) = vrcp.f32 v18;
	v18 =	vsel vm13, v8, v44  }
0x164: {  	v10 =	vmul.f32 v10, v11;
	(erf) = vrcp.f32 v1;
	v44 =	vadd.s32 $0x1, v18  }
0x165: {  	v52 =	vadd.s32 $0x201, v54;
	v57 =	vmul.f32 v57, v57;
	v59 =	vsel vm14, s17, v14  }
0x166: {  	v58 =	vadd.f32 v60, v63;
	v10 =	vadd.f32 $-4.998010990e-01, v10;
	v60 =	vor.u32 $0x7, v59;
	v19 =	vld.idx.msk [tilespmem:v43+s5+$0x0], $0xffff  }
0x167: {  	v4 =	vadd.f32 v4, v15;
	v15 =	vadd.s32 $0x400, v54;
	v55 =	vmul.f32 v55, v55  }
0x168: {  	v50 =	vmul.f32 v57, v50;
	vm12 =	vlt.f32 v41, v29;
	v35 =	vld.idx.msk [tilespmem:v30+s5+$0x0], $0xffff;
	v61 =	vmul.f32 v10, v11  }
0x169: {  	vm14 =	vlt.f32 v12, v29;
	v23 =	vsel vm12, v58, v2;
	v1 =	vmul.f32 v7, v47;
	v42 =	vld.idx.msk [tilespmem:v44+s5+$0x0], $0xffff  }
0x16a: {  	v21 =	vadd.f32 v0, v32;
	v8 =	vor.u32 $0x8, v59;
	v2 =	vadd.f32 $9.999914760e-01, v61;
	v44 =	vld.idx.msk [tilespmem:v52+s5+$0x0], $0xffff  }
0x16b: {  	s6 =	sadd.s32 $0x460, s4;
	v53 =	vmul.f32 v1, v1;
	v45 =	vld.idx.msk [tilespmem:v60+s5+$0x0], $0xffff;
	v52 =	vadd.s32 $0x401, v54;
	vm15 =	vlt.f32 v19, v28  }
0x16c: {  	s4 =	sadd.s32 $0x470, s4;
	v32 =	vld.idx.msk [tilespmem:v62+s6+$0x0 ss:$0x1], $0xffff;
	v61 =	vimm.s32 $0x0;
	v10 =	vpop (erf);
	v19 =	vsub.f32 v27, v56;
	vm6 =	vmneg vm15  }
0x16d: {  	v34 =	vld.idx.msk [tilespmem:v62+s4+$0x0 ss:$0x1], $0xffff;
	v1 =	vadd.s32 $0x2, v18;
	v2 =	vmul.f32 v2, v11;
	v60 =	vpop (erf);
	v0 =	vsel vm6, $0xFFFFFFFF, v61  }
0x16e: {  	v58 =	vmul.f32 v53, v4;
	v53 =	vmul.f32 v60, v19;
	v4 =	vadd.s32 v0, v43  }
0x16f: {  	v19 =	vld.idx.msk [tilespmem:v15+s5+$0x0], $0xffff;
	vm13 =	vlt.f32 v42, v25;
	v42 =	vsub.f32 v44, v35;
	vm6 =	vgt.s32 v4, s11  }
0x170: {  	v52 =	vld.idx.msk [tilespmem:v52+s5+$0x0], $0xffff;
	v15 =	vsel vm13, v1, v18;
	vm13 =	vlt.f32 v45, v31;
	v54 =	vsub.f32 $1.000000000e+00, v53  }
0x171: {  	v4 =	vnsel vm6, s11, v4;
	v43 =	vsel vm13, v8, v59;
	vm6 =	vlt.f32 v13, v32  }
0x172: {  	v44 =	vmul.f32 v42, v60;
	vm13 =	vlt.f32 v13, v34;
	v18 =	vadd.s32 $0x1, v4  }
0x173: {  	v13 =	vsel vm6, s17, v14;
	v56 =	vsel vm13, s17, v14;
	v14 =	vor.u32 $0x3, v43  }
0x174: {  	v0 =	vmul.f32 v29, v9;
	v1 =	vshra.s32 v49, $0x17;
	v45 =	vmul.f32 v54, v53  }
0x175: {  	v30 =	vmovc v12;
	v59 =	vadd.f32 v44, v44;
	v61 =	vor.u32 $0x7, v13;
	v11 =	vadd.f32 v52, v19;
	v12 =	vld.idx.msk [tilespmem:v15+s5+$0x0], $0xffff  }
0x176: {  	[tilespmem:$0x1FF90] =	vst v33;
	v8 =	vadd.s32 $0xFFFFFF81, v1;
	v62 =	vadd.f32 v0, v17;
	v1 =	vor.u32 $0x7, v56;
	v60 =	vld.idx.msk [tilespmem:v4+s5+$0x0], $0xffff  }
0x177: {  	v33 =	vmovc v9;
	v29 =	vmul.f32 v45, v59;
	v9 =	vmul.f32 v45, v11;
	v11 =	vand.u32 $0x7FFFFF, v58;
	v49 =	vld.idx.msk [tilespmem:v18+s5+$0x0], $0xffff  }
0x178: {  	vm13 =	vmneg vm14;
	v18 =	vcvt.s32.f32 v8;
	v3 =	vld.idx.msk [tilespmem:v14+s5+$0x0], $0xffff;
	v14 =	vor.u32 $0x3F800000, v11  }
0x179: {  	v62 =	vsel vm13, v62, v23;
	v59 =	vsub.f32 v9, v29;
	v23 =	vadd.f32 $-1.000000000e+00, v14  }
0x17a: {  	v2 =	vadd.f32 $9.096491020e-08, v2;
	v61 =	vld.idx.msk [tilespmem:v61+s5+$0x0], $0xffff;
	v9 =	vmul.f32 v7, v38;
	v18 =	vmul.f32 $6.931471820e-01, v18  }
0x17b: {  	v59 =	vadd.f32 v59, v44;
	v7 =	vmul.f32 $6.074773150e-03, v23;
	vm14 =	vlt.f32 v12, v25  }
0x17c: {  	v1 =	vld.idx.msk [tilespmem:v1+s5+$0x0], $0xffff;
	v0 =	vadd.f32 v2, v18;
	v18 =	vadd.s32 $0x200, v4;
	v14 =	vsub.f32 v49, v60  }
0x17d: {  	(erf) = vrcp.f32 v59;
	v49 =	vadd.s32 $0x201, v4;
	vm6 =	vlt.f32 v3, v31  }
0x17e: {  	v3 =	vsub.f32 $3.441802410e-02, v7;
	v7 =	vor.u32 $0x4, v43;
	v59 =	vadd.s32 $0x400, v4  }
0x17f: {  	vm15 =	vlt.f32 v61, v32;
	(erf) = vrcp.f32 v14;
	v14 =	vor.u32 $0x8, v13  }
0x180: {  	v7 =	vsel vm6, v7, v43;
	v3 =	vmul.f32 v3, v23;
	v13 =	vsel vm15, v14, v13  }
0x181: {  	vm15 =	vlt.f32 v1, v34;
	v1 =	vadd.s32 $0x401, v4;
	v11 =	vld.idx.msk [tilespmem:v18+s5+$0x0], $0xffff;
	v18 =	vor.u32 $0x8, v56  }
0x182: {  	v3 =	vadd.f32 $-9.231255200e-02, v3;
	v4 =	vld.idx.msk [tilespmem:v49+s5+$0x0], $0xffff;
	v49 =	vadd.s32 $0x1, v7;
	v61 =	vsel vm15, v18, v56  }
0x183: {  	[tilespmem:$0x1FFA0] =	vst v62;
	v62 =	vimm.s32 $0x0;
	vm14 =	vmneg vm14;
	v43 =	vor.u32 $0x3, v61  }
0x184: {  	v38 =	vmul.f32 v3, v23;
	v3 =	vsel vm14, $0xFFFFFFFF, v62;
	v62 =	vor.u32 $0x3, v13  }
0x185: {  	v6 =	vadd.f32 v6, v50;
	v20 =	vmul.f32 v10, v20;
	v9 =	vmul.f32 v9, v39;
	v46 =	vld.idx.msk [tilespmem:v59+s5+$0x0], $0xffff  }
0x186: {  	v8 =	vsub.f32 v28, v60;
	v3 =	vadd.s32 v3, v15;
	v14 =	vadd.f32 $1.647821520e-01, v38;
	v59 =	vld.idx.msk [tilespmem:v1+s5+$0x0], $0xffff  }
0x187: {  	v36 =	vadd.f32 v9, v36;
	vm15 =	vgt.s32 v3, s11;
	v56 =	vpop (erf);
	v47 =	vsub.f32 v4, v11;
	v4 =	vld.idx.msk [tilespmem:v49+s5+$0x0], $0xffff  }
0x188: {  	v38 =	vmul.f32 v55, v40;
	v3 =	vnsel vm15, s11, v3;
	v18 =	vmul.f32 v14, v23;
	v1 =	vpop (erf);
	v43 =	vld.idx.msk [tilespmem:v43+s5+$0x0], $0xffff  }
0x189: {  	v60 =	vadd.s32 $0x1, v3;
	v8 =	vmul.f32 v1, v8;
	v49 =	vmul.f32 v47, v1;
	v1 =	vld.idx.msk [tilespmem:v62+s5+$0x0], $0xffff  }
0x18a: {  	v2 =	vadd.s32 $0x2, v7;
	v12 =	vor.u32 $0x4, v13;
	v6 =	vadd.f32 v6, v38  }
0x18b: {  	v40 =	vmul.f32 v48, v40;
	v15 =	vadd.f32 $-2.391898930e-01, v18;
	v14 =	vsub.f32 $1.000000000e+00, v8  }
0x18c: {  	[tilespmem:$0x1FEB0] =	vst v11;
	v38 =	vmul.f32 v22, v24;
	v18 =	vadd.f32 v59, v46;
	v11 =	vadd.f32 v49, v49  }
0x18d: {  	v5 =	vld.idx.msk [tilespmem:v3+s5+$0x0], $0xffff;
	vm14 =	vlt.f32 v4, v31;
	v4 =	vmul.f32 v15, v23;
	v50 =	vmul.f32 v14, v8  }
0x18e: {  	v60 =	vld.idx.msk [tilespmem:v60+s5+$0x0], $0xffff;
	v7 =	vsel vm14, v2, v7;
	vm14 =	vlt.f32 v43, v34;
	vm6 =	vlt.f32 v1, v32  }
0x18f: {  	[tilespmem:$0x1FF10] =	vst v0;
	v4 =	vadd.f32 $3.313337270e-01, v4;
	v55 =	vmul.f32 v50, v11;
	v0 =	vmul.f32 v50, v18  }
0x190: {  	v11 =	vmul.f32 v10, v51;
	v18 =	vor.u32 $0x4, v61;
	v13 =	vsel vm6, v12, v13  }
0x191: {  	v12 =	vadd.s32 $0x201, v3;
	v51 =	vmul.f32 v57, v51;
	v43 =	vsel vm14, v18, v61  }
0x192: {  	v61 =	vadd.s32 $0x1, v13;
	v0 =	vsub.f32 v0, v55;
	v15 =	vmul.f32 v11, v11  }
0x193: {  	v57 =	vadd.s32 $0x401, v3;
	v4 =	vmul.f32 v4, v23;
	v60 =	vsub.f32 v60, v5  }
0x194: {  	v0 =	vadd.f32 v0, v49;
	v15 =	vmul.f32 v15, v6;
	v6 =	vadd.s32 $0x1, v43  }
0x195: {  	v11 =	vadd.f32 v38, v63;
	v38 =	vadd.s32 $0x200, v3;
	v4 =	vadd.f32 $-4.998010990e-01, v4;
	v1 =	vld.idx.msk [tilespmem:v7+s5+$0x0], $0xffff  }
0x196: {  	vm14 =	vlt.f32 v41, v22;
	v18 =	vmovc v24;
	(erf) = vrcp.f32 v0;
	v24 =	vand.u32 $0x7FFFFF, v15  }
0x197: {  	v4 =	vmul.f32 v4, v23;
	v61 =	vld.idx.msk [tilespmem:v61+s5+$0x0], $0xffff;
	(erf) = vrcp.f32 v60;
	v62 =	vor.u32 $0x3F800000, v24  }
0x198: {  	v5 =	vsub.f32 v25, v5;
	v2 =	vld.idx.msk [tilespmem:v12+s5+$0x0], $0xffff;
	v24 =	vadd.s32 $0x400, v3;
	v60 =	vadd.f32 $-1.000000000e+00, v62  }
0x199: {  	v21 =	vsel vm14, v11, v21;
	v12 =	vadd.s32 $0x2, v13;
	v4 =	vadd.f32 $9.999914760e-01, v4;
	v62 =	vld.idx.msk [tilespmem:v6+s5+$0x0], $0xffff  }
0x19a: {  	v39 =	vld.idx.msk [tilespmem:v38+s5+$0x0], $0xffff;
	v3 =	vimm.s32 $0x0;
	vm15 =	vlt.f32 v1, v31;
	v6 =	vmul.f32 $6.074773150e-03, v60  }
0x19b: {  	v4 =	vmul.f32 v4, v23;
	vm6 =	vmneg vm15;
	v23 =	vshra.s32 v58, $0x17  }
0x19c: {  	v3 =	vsel vm6, $0xFFFFFFFF, v3;
	vm15 =	vlt.f32 v61, v32;
	v6 =	vsub.f32 $3.441802410e-02, v6  }
0x19d: {  	v1 =	vadd.s32 $0xFFFFFF81, v23;
	v3 =	vadd.s32 v3, v7;
	v7 =	vsel vm15, v12, v13;
	v48 =	vld.idx.msk [tilespmem:v24+s5+$0x0], $0xffff  }
0x19e: {  	v24 =	vadd.s32 $0x2, v43;
	v12 =	vld.idx.msk [tilespmem:v57+s5+$0x0], $0xffff;
	vm15 =	vlt.f32 v62, v34;
	v6 =	vmul.f32 v6, v60  }
0x19f: {  	v1 =	vcvt.s32.f32 v1;
	v58 =	vsub.f32 v2, v39;
	v61 =	vpop (erf);
	v62 =	vsel vm15, v24, v43  }
0x1a0: {  	vm15 =	vgt.s32 v3, s11;
	v38 =	vadd.f32 $-9.231255200e-02, v6;
	v43 =	vpop (erf);
	v6 =	vadd.f32 $9.096491020e-08, v4  }
0x1a1: {  	v4 =	vmul.f32 $6.931471820e-01, v1;
	v0 =	vnsel vm15, s11, v3;
	v10 =	vmul.f32 v43, v5  }
0x1a2: {  	v57 =	vmul.f32 v58, v43;
	v5 =	vadd.s32 $0x1, v0;
	v13 =	vld.idx.msk [tilespmem:v7+s5+$0x0], $0xffff;
	v23 =	vmul.f32 v38, v60  }
0x1a3: {  	v24 =	vadd.f32 v12, v48;
	v4 =	vadd.f32 v6, v4;
	v6 =	vmul.f32 v54, v54  }
0x1a4: {  	v54 =	vimm.s32 $0x0;
	v11 =	vsub.f32 $1.000000000e+00, v10;
	v2 =	vadd.f32 $1.647821520e-01, v23  }
0x1a5: {  	v38 =	vadd.s32 $0x201, v0;
	v43 =	vadd.f32 v57, v57;
	v23 =	vmul.f32 v53, v53;
	v3 =	vld.idx.msk [tilespmem:v62+s5+$0x0], $0xffff  }
0x1a6: {  	[tilespmem:$0x1FF30] =	vst v4;
	v4 =	vadd.f32 v40, v51;
	v53 =	vmul.f32 v11, v10;
	v2 =	vmul.f32 v2, v60  }
0x1a7: {  	v6 =	vmul.f32 v6, v19;
	v52 =	vmul.f32 v23, v52;
	vm15 =	vlt.f32 v13, v32  }
0x1a8: {  	v5 =	vld.idx.msk [tilespmem:v5+s5+$0x0], $0xffff;
	v4 =	vmul.f32 v20, v4;
	v43 =	vmul.f32 v53, v43;
	v2 =	vadd.f32 $-2.391898930e-01, v2  }
0x1a9: {  	v13 =	vld.idx.msk [tilespmem:v0+s5+$0x0], $0xffff;
	v1 =	vmul.f32 v53, v24;
	vm6 =	vmneg vm15;
	v24 =	vmul.f32 v56, v44  }
0x1aa: {  	v29 =	vadd.f32 v29, v52;
	v9 =	vsel vm6, $0xFFFFFFFF, v54;
	v2 =	vmul.f32 v2, v60  }
0x1ab: {  	v1 =	vsub.f32 v1, v43;
	vm15 =	vlt.f32 v3, v34;
	v7 =	vadd.s32 v9, v7  }
0x1ac: {  	v3 =	vadd.f32 v29, v6;
	vm6 =	vmneg vm15;
	v2 =	vadd.f32 $3.313337270e-01, v2  }
0x1ad: {  	v6 =	vimm.s32 $0x0;
	vm15 =	vgt.s32 v7, s11;
	v1 =	vadd.f32 v1, v57  }
0x1ae: {  	v6 =	vsel vm6, $0xFFFFFFFF, v6;
	v5 =	vsub.f32 v5, v13;
	v2 =	vmul.f32 v2, v60  }
0x1af: {  	v6 =	vadd.s32 v6, v62;
	(erf) = vrcp.f32 v1;
	v1 =	vmul.f32 v24, v24  }
0x1b0: {  	v52 =	vnsel vm15, s11, v7;
	vm15 =	vgt.s32 v6, s11;
	v2 =	vadd.f32 $-4.998010990e-01, v2  }
0x1b1: {  	v62 =	vnsel vm15, s11, v6;
	v6 =	vadd.s32 $0x200, v0;
	v9 =	vmul.f32 v1, v3  }
0x1b2: {  	v29 =	vmul.f32 v22, v33;
	v3 =	vshra.s32 v15, $0x17;
	v2 =	vmul.f32 v2, v60  }
0x1b3: {  	(erf) = vrcp.f32 v5;
	v3 =	vadd.s32 $0xFFFFFF81, v3;
	v5 =	vand.u32 $0x7FFFFF, v9  }
0x1b4: {  	v40 =	vcvt.s32.f32 v3;
	v5 =	vor.u32 $0x3F800000, v5;
	v2 =	vadd.f32 $9.999914760e-01, v2  }
0x1b5: {  	vm15 =	vlt.f32 v30, v22;
	v20 =	vadd.f32 $-1.000000000e+00, v5;
	v5 =	vadd.f32 v29, v17  }
0x1b6: {  	vm15 =	vmneg vm15;
	v24 =	vld.idx.msk [tilespmem:v6+s5+$0x0], $0xffff;
	v2 =	vmul.f32 v2, v60  }
0x1b7: {  	v6 =	vld.idx.msk [tilespmem:v38+s5+$0x0], $0xffff;
	v38 =	vsel vm15, v5, v21  }
0x1b8: {  	v54 =	vmul.f32 $6.931471820e-01, v40;
	v40 =	vmovc v18;
	v18 =	vmul.f32 v16, v18;
	v2 =	vadd.f32 $9.096491020e-08, v2  }
0x1b9: {  	v42 =	vmul.f32 v56, v42;
	v51 =	vadd.s32 $0x400, v0;
	v22 =	vld [tilespmem:s8+$0x670];
	v3 =	vmul.f32 $6.074773150e-03, v20  }
0x1ba: {  	v0 =	vadd.s32 $0x401, v0;
	[tilespmem:$0x1FFB0] =	vst v38;
	v38 =	vmovc v63;
	v21 =	vadd.f32 v2, v54;
	v54 =	vadd.f32 v18, v63;
	v63 =	vld [tilespmem:$0x1FE80]  }
0x1bb: {  	v8 =	vmul.f32 v8, v8;
	v19 =	vmul.f32 v45, v19;
	v3 =	vsub.f32 $3.441802410e-02, v3  }
0x1bc: {  	v11 =	vmul.f32 v11, v11;
	v44 =	vmul.f32 v23, v44;
	vm6 =	vlt.f32 v41, v16  }
0x1bd: {  	v29 =	vld [tilespmem:s8+$0x660];
	v60 =	vadd.f32 v4, v37;
	v4 =	vmul.f32 v8, v59;
	v3 =	vmul.f32 v3, v20  }
0x1be: {  	v13 =	vsub.f32 v31, v13;
	v37 =	vld.idx.msk [tilespmem:v51+s5+$0x0], $0xffff;
	v15 =	vpop (erf);
	v51 =	vmul.f32 v14, v14;
	v14 =	vmul.f32 v16, v33  }
0x1bf: {  	v3 =	vadd.f32 $-9.231255200e-02, v3;
	v2 =	vsel vm6, v54, v36;
	v36 =	vpop (erf);
	v5 =	vsel vm1, v22, v63;
	v63 =	vld.idx.msk [tilespmem:v0+s5+$0x0], $0xffff  }
0x1c0: {  	v59 =	vsub.f32 v6, v24;
	v6 =	vadd.s32 $0x1, v52;
	v18 =	vmul.f32 v36, v13  }
0x1c1: {  	v4 =	vadd.f32 v55, v4;
	v14 =	vadd.f32 v14, v17;
	v3 =	vmul.f32 v3, v20  }
0x1c2: {  	v54 =	vmul.f32 v59, v36;
	v13 =	vsel vm0, v29, v5;
	v5 =	vsub.f32 $1.000000000e+00, v18  }
0x1c3: {  	v3 =	vadd.f32 $1.647821520e-01, v3;
	vm0 =	vlt.f32 v30, v16;
	[tilespmem:$0x1FF40] =	vst v13;
	v13 =	vmul.f32 v51, v46  }
0x1c4: {  	v1 =	vld.idx.msk [tilespmem:v52+s5+$0x0], $0xffff;
	v16 =	vadd.f32 v54, v54;
	v51 =	vmul.f32 v5, v18;
	v36 =	vadd.f32 v63, v37  }
0x1c5: {  	v6 =	vld.idx.msk [tilespmem:v6+s5+$0x0], $0xffff;
	v3 =	vmul.f32 v3, v20;
	v13 =	vadd.f32 v4, v13;
	v4 =	vmul.f32 v61, v49  }
0x1c6: {  	v7 =	vld [tilespmem:$0x1FE90];
	vm1 =	vmneg vm0;
	v16 =	vmul.f32 v51, v16;
	v36 =	vmul.f32 v51, v36  }
0x1c7: {  	v0 =	vmul.f32 v26, v40;
	v2 =	vsel vm1, v14, v2;
	v4 =	vmul.f32 v4, v4  }
0x1c8: {  	v9 =	vshra.s32 v9, $0x17;
	[tilespmem:$0x1FFC0] =	vst v2;
	v2 =	vadd.f32 $-2.391898930e-01, v3;
	v3 =	vsub.f32 v36, v16  }
0x1c9: {  	v0 =	vadd.f32 v0, v38;
	vm0 =	vlt.f32 v30, v26;
	v4 =	vmul.f32 v4, v13  }
0x1ca: {  	v6 =	vsub.f32 v6, v1;
	v2 =	vmul.f32 v2, v20;
	v3 =	vadd.f32 v3, v54  }
0x1cb: {  	v13 =	vsel vm3, v22, v7;
	vm3 =	vlt.f32 v41, v26;
	v14 =	vand.u32 $0x7FFFFF, v4  }
0x1cc: {  	v2 =	vadd.f32 $3.313337270e-01, v2;
	(erf) = vrcp.f32 v3;
	v3 =	vor.u32 $0x3F800000, v14  }
0x1cd: {  	v14 =	vsel vm2, v29, v13;
	v13 =	vadd.s32 $0x201, v52;
	v3 =	vadd.f32 $-1.000000000e+00, v3  }
0x1ce: {  	v2 =	vmul.f32 v2, v20;
	(erf) = vrcp.f32 v6;
	v6 =	vadd.s32 $0x200, v52  }
0x1cf: {  	v26 =	vmul.f32 v26, v33;
	v0 =	vsel vm3, v0, v60;
	v60 =	vmul.f32 $6.074773150e-03, v3  }
0x1d0: {  	v45 =	vadd.s32 $0x401, v52;
	v9 =	vadd.s32 $0xFFFFFF81, v9;
	v2 =	vadd.f32 $-4.998010990e-01, v2  }
0x1d1: {  	v9 =	vcvt.s32.f32 v9;
	v23 =	vadd.f32 v26, v17;
	v26 =	vsub.f32 $3.441802410e-02, v60  }
0x1d2: {  	v36 =	vadd.s32 $0x400, v52;
	v2 =	vmul.f32 v2, v20;
	v52 =	vmul.f32 v10, v10;
	v10 =	vld.idx.msk [tilespmem:v13+s5+$0x0], $0xffff  }
0x1d3: {  	v11 =	vmul.f32 v11, v48;
	v19 =	vadd.f32 v19, v44;
	v60 =	vld.idx.msk [tilespmem:v6+s5+$0x0], $0xffff;
	v26 =	vmul.f32 v26, v3  }
0x1d4: {  	v9 =	vmul.f32 $6.931471820e-01, v9;
	vm2 =	vmneg vm0;
	v2 =	vadd.f32 $9.999914760e-01, v2  }
0x1d5: {  	v23 =	vsel vm2, v23, v0;
	v12 =	vmul.f32 v52, v12;
	v0 =	vadd.f32 $-9.231255200e-02, v26  }
0x1d6: {  	v1 =	vsub.f32 v32, v1;
	v13 =	vmul.f32 v42, v19;
	v2 =	vmul.f32 v2, v20;
	v19 =	vld.idx.msk [tilespmem:v45+s5+$0x0], $0xffff;
	v56 =	vpop (erf)  }
0x1d7: {  	v12 =	vadd.f32 v43, v12;
	v45 =	vmul.f32 v15, v57;
	v26 =	vld.idx.msk [tilespmem:v36+s5+$0x0], $0xffff;
	v20 =	vpop (erf);
	v0 =	vmul.f32 v0, v3  }
0x1d8: {  	v36 =	vmul.f32 v20, v1;
	v42 =	vsub.f32 v10, v60;
	v1 =	vadd.s32 $0x1, v62  }
0x1d9: {  	v10 =	vadd.f32 v12, v11;
	v11 =	vmul.f32 v45, v45;
	v0 =	vadd.f32 $1.647821520e-01, v0  }
0x1da: {  	v13 =	vadd.f32 v13, v35;
	v43 =	vmul.f32 v42, v20;
	v12 =	vsub.f32 $1.000000000e+00, v36  }
0x1db: {  	v2 =	vadd.f32 $9.096491020e-08, v2;
	v11 =	vmul.f32 v11, v10;
	v0 =	vmul.f32 v0, v3  }
0x1dc: {  	v45 =	vadd.f32 v19, v26;
	v44 =	vmul.f32 v12, v36;
	v20 =	vadd.f32 v43, v43  }
0x1dd: {  	v50 =	vmul.f32 v50, v46;
	v9 =	vadd.f32 v2, v9;
	v1 =	vld.idx.msk [tilespmem:v1+s5+$0x0], $0xffff;
	v0 =	vadd.f32 $-2.391898930e-01, v0  }
0x1de: {  	v35 =	vmul.f32 v44, v20;
	v10 =	vmul.f32 v44, v45;
	v20 =	vld.idx.msk [tilespmem:v62+s5+$0x0], $0xffff;
	v45 =	vand.u32 $0x7FFFFF, v11  }
0x1df: {  	v2 =	vmul.f32 v8, v49;
	v45 =	vor.u32 $0x3F800000, v45;
	v0 =	vmul.f32 v0, v3  }
0x1e0: {  	v10 =	vsub.f32 v10, v35;
	v49 =	vadd.f32 $-1.000000000e+00, v45  }
0x1e1: {  	v2 =	vadd.f32 v50, v2;
	v50 =	vld [tilespmem:$0x1FEA0];
	v0 =	vadd.f32 $3.313337270e-01, v0  }
0x1e2: {  	v45 =	vmul.f32 v61, v47;
	v10 =	vadd.f32 v10, v43;
	v61 =	vmul.f32 $6.074773150e-03, v49  }
0x1e3: {  	v4 =	vshra.s32 v4, $0x17;
	v1 =	vsub.f32 v1, v20;
	v0 =	vmul.f32 v0, v3  }
0x1e4: {  	v4 =	vadd.s32 $0xFFFFFF81, v4;
	(erf) = vrcp.f32 v10;
	v61 =	vsub.f32 $3.441802410e-02, v61  }
0x1e5: {  	v47 =	vadd.s32 $0x200, v62;
	(erf) = vrcp.f32 v1;
	v0 =	vadd.f32 $-4.998010990e-01, v0  }
0x1e6: {  	v55 =	vmovc v30;
	v1 =	vsel vm4, v22, v50;
	v50 =	vadd.s32 $0x201, v62;
	v8 =	vmul.f32 v61, v49  }
0x1e7: {  	vm0 =	vlt.f32 v55, v27;
	v61 =	vmul.f32 v27, v40;
	v0 =	vmul.f32 v0, v3  }
0x1e8: {  	v2 =	vmul.f32 v45, v2;
	vm4 =	vlt.f32 v41, v27;
	v8 =	vadd.f32 $-9.231255200e-02, v8  }
0x1e9: {  	v10 =	vadd.f32 v61, v38;
	v61 =	vadd.s32 $0x400, v62;
	v0 =	vadd.f32 $9.999914760e-01, v0  }
0x1ea: {  	v47 =	vld.idx.msk [tilespmem:v47+s5+$0x0], $0xffff;
	v27 =	vmul.f32 v27, v33;
	v62 =	vadd.s32 $0x401, v62;
	v8 =	vmul.f32 v8, v49  }
0x1eb: {  	v46 =	vsel vm5, v29, v1;
	v0 =	vmul.f32 v0, v3;
	v3 =	vcvt.s32.f32 v4;
	v4 =	vld.idx.msk [tilespmem:v50+s5+$0x0], $0xffff  }
0x1ec: {  	vm5 =	vmneg vm0;
	v50 =	vadd.f32 v27, v17;
	v27 =	vadd.f32 $1.647821520e-01, v8  }
0x1ed: {  	v7 =	vld [tilespmem:$0x1FEB0];
	v6 =	vmovc v40;
	v40 =	vsel vm4, v10, v13;
	v0 =	vadd.f32 $9.096491020e-08, v0;
	v3 =	vmul.f32 $6.931471820e-01, v3  }
0x1ee: {  	v45 =	vsub.f32 v34, v20;
	v1 =	vpop (erf);
	v8 =	vsel vm5, v50, v40;
	v40 =	vmul.f32 v27, v49;
	v27 =	vld.idx.msk [tilespmem:v61+s5+$0x0], $0xffff  }
0x1ef: {  	v61 =	vpop (erf);
	v50 =	vadd.f32 v0, v3;
	v3 =	vld.idx.msk [tilespmem:v62+s5+$0x0], $0xffff  }
0x1f0: {  	v13 =	vmul.f32 v61, v45;
	v10 =	vadd.f32 $-2.391898930e-01, v40;
	v40 =	vsub.f32 v4, v47;
	_ =	sdelay $0x1  }
0x1f1: {  	v4 =	vmul.f32 v52, v57;
	v57 =	vsub.f32 $1.000000000e+00, v13;
	v20 =	vmul.f32 v40, v61  }
0x1f2: {  	v48 =	vmul.f32 v53, v48;
	v2 =	vadd.f32 v2, v7;
	v0 =	vmul.f32 v15, v58  }
0x1f3: {  	v7 =	vld [tilespmem:$0x1FEC0];
	v45 =	vmul.f32 v57, v13;
	v58 =	vadd.f32 v20, v20;
	v61 =	vadd.f32 v3, v27  }
0x1f4: {  	v5 =	vmul.f32 v5, v5;
	v62 =	vmul.f32 v28, v6  }
0x1f5: {  	v58 =	vmul.f32 v45, v58;
	v61 =	vmul.f32 v45, v61  }
0x1f6: {  	v5 =	vmul.f32 v5, v37;
	v12 =	vmul.f32 v12, v12  }
0x1f7: {  	vm0 =	vlt.f32 v41, v28;
	v15 =	vadd.f32 v62, v38;
	v62 =	vsub.f32 v61, v58  }
0x1f8: {  	v52 =	vsel vm7, v22, v7;
	v7 =	vmul.f32 v18, v18;
	v10 =	vmul.f32 v10, v49  }
0x1f9: {  	v2 =	vsel vm0, v15, v2;
	v15 =	vmul.f32 v36, v36;
	v53 =	vadd.f32 v62, v20;
	v62 =	vld [tilespmem:$0x1FED0]  }
0x1fa: {  	v12 =	vmul.f32 v12, v26;
	v18 =	vmul.f32 v7, v63  }
0x1fb: {  	v11 =	vshra.s32 v11, $0x17;
	v10 =	vadd.f32 $3.313337270e-01, v10;
	v19 =	vmul.f32 v15, v19  }
0x1fc: {  	v4 =	vadd.f32 v48, v4;
	v16 =	vadd.f32 v16, v18;
	v18 =	vmul.f32 v56, v54  }
0x1fd: {  	v10 =	vmul.f32 v10, v49;
	v61 =	vadd.f32 v35, v19;
	(erf) = vrcp.f32 v53  }
0x1fe: {  	v19 =	vsel vm9, v22, v62;
	vm9 =	vlt.f32 v55, v28;
	v28 =	vmul.f32 v28, v33  }
0x1ff: {  	v5 =	vadd.f32 v16, v5;
	v63 =	vmul.f32 v18, v18;
	v10 =	vadd.f32 $-4.998010990e-01, v10  }
0x200: {  	v4 =	vmul.f32 v0, v4;
	v18 =	vmul.f32 v1, v43;
	v36 =	vadd.f32 v28, v17  }
0x201: {  	v5 =	vmul.f32 v63, v5;
	v10 =	vmul.f32 v10, v49;
	vm7 =	vmneg vm9  }
0x202: {  	v48 =	vmul.f32 v18, v18;
	v0 =	vsel vm7, v36, v2;
	v2 =	vmul.f32 v13, v13  }
0x203: {  	v63 =	vand.u32 $0x7FFFFF, v5;
	v12 =	vadd.f32 v61, v12;
	v10 =	vadd.f32 $9.999914760e-01, v10  }
0x204: {  	v35 =	vor.u32 $0x3F800000, v63;
	v62 =	vmul.f32 v57, v57;
	v63 =	vmul.f32 v2, v3  }
0x205: {  	v11 =	vadd.s32 $0xFFFFFF81, v11;
	v12 =	vmul.f32 v48, v12;
	v10 =	vmul.f32 v10, v49  }
0x206: {  	v28 =	vmul.f32 v62, v27;
	v36 =	vadd.f32 v4, v39;
	v3 =	vpop (erf);
	v39 =	vadd.f32 v58, v63  }
0x207: {  	v4 =	vcvt.s32.f32 v11;
	v48 =	vmul.f32 v3, v20  }
0x208: {  	v13 =	vadd.f32 v39, v28;
	v39 =	vmul.f32 v56, v59;
	v56 =	vld [tilespmem:$0x1FEE0]  }
0x209: {  	v10 =	vadd.f32 $9.096491020e-08, v10;
	v4 =	vmul.f32 $6.931471820e-01, v4;
	v49 =	vmul.f32 v48, v48  }
0x20a: {  	v37 =	vmul.f32 v51, v37;
	v21 =	vsel vm3, v22, v21;
	v16 =	vadd.f32 $-1.000000000e+00, v35  }
0x20b: {  	v21 =	vsel vm2, v29, v21;
	v10 =	vadd.f32 v10, v4;
	v4 =	vmul.f32 v49, v13  }
0x20c: {  	v26 =	vmul.f32 v44, v26;
	v9 =	vsel vm4, v22, v9;
	v53 =	vmul.f32 $6.074773150e-03, v16;
	v57 =	vld [tilespmem:$0x1FEF0]  }
0x20d: {  	v15 =	vmul.f32 v15, v43;
	vm9 =	vnez.u8 v56;
	v56 =	vand.u32 $0x7FFFFF, v4  }
0x20e: {  	v61 =	vsub.f32 $3.441802410e-02, v53;
	v28 =	vsel vm9, v29, v52;
	v52 =	vor.u32 $0x3F800000, v56;
	v56 =	vld [tilespmem:$0x1FFE0]  }
0x20f: {  	v44 =	vmul.f32 v31, v6;
	v9 =	vsel vm5, v29, v9;
	v50 =	vsel vm0, v22, v50  }
0x210: {  	v1 =	vmul.f32 v1, v42;
	v15 =	vadd.f32 v26, v15;
	v18 =	vmul.f32 v61, v16  }
0x211: {  	v7 =	vmul.f32 v7, v54;
	v5 =	vshra.s32 v5, $0x17;
	v58 =	vsel vm10, v22, v57;
	v57 =	vld [tilespmem:$0x1FF20]  }
0x212: {  	v1 =	vmul.f32 v1, v15;
	v5 =	vadd.s32 $0xFFFFFF81, v5;
	v11 =	vadd.f32 $-9.231255200e-02, v18  }
0x213: {  	v7 =	vadd.f32 v37, v7;
	v5 =	vcvt.s32.f32 v5;
	v53 =	vand.u32 $0x7FFFFF, v12;
	v59 =	vld [tilespmem:$0x1FF00]  }
0x214: {  	v1 =	vadd.f32 v1, v60;
	v35 =	vor.u32 $0x3F800000, v53;
	v11 =	vmul.f32 v11, v16;
	v63 =	vld [tilespmem:$0x1FF10]  }
0x215: {  	v5 =	vmul.f32 $6.931471820e-01, v5;
	v13 =	vadd.f32 $-1.000000000e+00, v35;
	v35 =	vsel vm11, v29, v58;
	v58 =	vld [tilespmem:$0x1FF30]  }
0x216: {  	v19 =	vsel vm8, v29, v19;
	vm8 =	vlt.f32 v41, v25;
	v11 =	vadd.f32 $1.647821520e-01, v11;
	[tilespmem:v56+s30+$0x0 ss:$0x1] =	vst.idx.msk $0xffff, v57;
	v57 =	vld [tilespmem:$0x1FFF0]  }
0x217: {  	v2 =	vmul.f32 v2, v20;
	v3 =	vmul.f32 v3, v40;
	v52 =	vadd.f32 $-1.000000000e+00, v52  }
0x218: {  	v11 =	vmul.f32 v11, v16;
	v62 =	vmul.f32 $6.074773150e-03, v13;
	v61 =	vsel vm12, v22, v59  }
0x219: {  	vm10 =	vlt.f32 v41, v31;
	v59 =	vld [tilespmem:$0x1FF40];
	v48 =	vsel vm13, v29, v61;
	v61 =	vmul.f32 $6.074773150e-03, v52  }
0x21a: {  	v18 =	vsel vm14, v22, v63;
	v11 =	vadd.f32 $-2.391898930e-01, v11;
	v49 =	vsub.f32 $3.441802410e-02, v62;
	v62 =	vld [tilespmem:$0x1FF50]  }
0x21b: {  	v30 =	vmovc v33;
	v33 =	vsel vm15, v29, v18;
	v18 =	vsel vm6, v22, v58;
	v58 =	vld [tilespmem:$0x1FF60];
	v53 =	vsub.f32 $3.441802410e-02, v61  }
0x21c: {  	v37 =	vld [tilespmem:$0x1FFC0];
	v10 =	vsel vm8, v22, v10;
	v7 =	vmul.f32 v39, v7;
	v49 =	vmul.f32 v49, v13  }
0x21d: {  	vm11 =	vlt.f32 v55, v32;
	v11 =	vmul.f32 v11, v16;
	v53 =	vmul.f32 v53, v52  }
0x21e: {  	v63 =	vmul.f32 v25, v6;
	v7 =	vadd.f32 v7, v24;
	v49 =	vadd.f32 $-9.231255200e-02, v49;
	[tilespmem:v57+s30+$0x0 ss:$0x1] =	vst.idx.msk $0xffff, v59;
	v59 =	vld [tilespmem:$0x1FF70]  }
0x21f: {  	vm14 =	vlt.f32 v41, v34;
	v11 =	vadd.f32 $3.313337270e-01, v11;
	[tilespmem:v56+s31+$0x0 ss:$0x1] =	vst.idx.msk $0xffff, v62;
	v62 =	vadd.f32 $-9.231255200e-02, v53  }
0x220: {  	v12 =	vshra.s32 v12, $0x17;
	v54 =	vadd.f32 v63, v38;
	v49 =	vmul.f32 v49, v13;
	[tilespmem:v56+s2+$0x0 ss:$0x1] =	vst.idx.msk $0xffff, v58  }
0x221: {  	v12 =	vadd.s32 $0xFFFFFF81, v12;
	v11 =	vmul.f32 v11, v16;
	[tilespmem:v56+s16+$0x0 ss:$0x1] =	vst.idx.msk $0xffff, v37;
	v53 =	vld [tilespmem:$0x1FF80];
	v51 =	vmul.f32 v62, v52  }
0x222: {  	vm6 =	vlt.f32 v55, v25;
	v25 =	vmul.f32 v25, v30;
	v49 =	vadd.f32 $1.647821520e-01, v49;
	[tilespmem:v56+s18+$0x0 ss:$0x1] =	vst.idx.msk $0xffff, v23  }
0x223: {  	vm12 =	vlt.f32 v41, v32;
	v11 =	vadd.f32 $-4.998010990e-01, v11;
	v58 =	vadd.f32 $1.647821520e-01, v51;
	[tilespmem:v56+s0+$0x0 ss:$0x1] =	vst.idx.msk $0xffff, v59;
	v59 =	vld [tilespmem:$0x1FF90]  }
0x224: {  	v12 =	vcvt.s32.f32 v12;
	v25 =	vadd.f32 v25, v17;
	[tilespmem:v56+s19+$0x0 ss:$0x1] =	vst.idx.msk $0xffff, v8;
	v61 =	vmul.f32 v49, v13  }
0x225: {  	v11 =	vmul.f32 v11, v16;
	[tilespmem:v56+s20+$0x0 ss:$0x1] =	vst.idx.msk $0xffff, v0;
	v62 =	vmul.f32 v58, v52  }
0x226: {  	v36 =	vsel vm8, v54, v36;
	vm0 =	vmneg vm6;
	v63 =	vadd.f32 $-2.391898930e-01, v61;
	[tilespmem:v56+s15+$0x0 ss:$0x1] =	vst.idx.msk $0xffff, v53  }
0x227: {  	v11 =	vadd.f32 $9.999914760e-01, v11;
	[tilespmem:v57+s15+$0x0 ss:$0x1] =	vst.idx.msk $0xffff, v19;
	v19 =	vsel vm0, v25, v36;
	v25 =	vadd.f32 $-2.391898930e-01, v62  }
0x228: {  	v12 =	vmul.f32 $6.931471820e-01, v12;
	vm9 =	vlt.f32 v55, v31;
	v54 =	vmul.f32 v63, v13;
	[tilespmem:v56+s7+$0x0 ss:$0x1] =	vst.idx.msk $0xffff, v59  }
0x229: {  	v4 =	vshra.s32 v4, $0x17;
	v11 =	vmul.f32 v11, v16;
	v63 =	vld [tilespmem:$0x1FFA0];
	[tilespmem:v57+s7+$0x0 ss:$0x1] =	vst.idx.msk $0xffff, v35;
	v35 =	vmul.f32 v25, v52  }
0x22a: {  	vm13 =	vlt.f32 v55, v34;
	v18 =	vsel vm1, v29, v18;
	[tilespmem:v57+s31+$0x0 ss:$0x1] =	vst.idx.msk $0xffff, v14;
	v61 =	vadd.f32 $3.313337270e-01, v54  }
0x22b: {  	v43 =	vmovc v6;
	v10 =	vsel vm0, v29, v10;
	v11 =	vadd.f32 $9.096491020e-08, v11;
	[tilespmem:v57+s2+$0x0 ss:$0x1] =	vst.idx.msk $0xffff, v46;
	v42 =	vadd.f32 $3.313337270e-01, v35  }
0x22c: {  	v4 =	vadd.s32 $0xFFFFFF81, v4;
	v51 =	vmul.f32 v45, v27;
	[tilespmem:v57+s16+$0x0 ss:$0x1] =	vst.idx.msk $0xffff, v18;
	v16 =	vmul.f32 v61, v13  }
0x22d: {  	v4 =	vcvt.s32.f32 v4;
	v5 =	vadd.f32 v11, v5;
	[tilespmem:v57+s18+$0x0 ss:$0x1] =	vst.idx.msk $0xffff, v21;
	v15 =	vmul.f32 v42, v52  }
0x22e: {  	v2 =	vadd.f32 v51, v2;
	v58 =	vmul.f32 v32, v43;
	[tilespmem:v56+s9+$0x0 ss:$0x1] =	vst.idx.msk $0xffff, v63;
	v16 =	vadd.f32 $-4.998010990e-01, v16  }
0x22f: {  	v36 =	vsel vm7, v29, v50;
	v46 =	vmul.f32 v31, v30;
	[tilespmem:v57+s9+$0x0 ss:$0x1] =	vst.idx.msk $0xffff, v48;
	v48 =	vadd.f32 $-4.998010990e-01, v15  }
0x230: {  	vm1 =	vmneg vm9;
	[tilespmem:v57+s19+$0x0 ss:$0x1] =	vst.idx.msk $0xffff, v9;
	v39 =	vmul.f32 v16, v13;
	v16 =	vadd.f32 v44, v38  }
0x231: {  	v54 =	vmul.f32 v32, v30;
	v6 =	vadd.f32 v46, v17;
	v50 =	vmul.f32 v48, v52  }
0x232: {  	v5 =	vsel vm10, v22, v5;
	[tilespmem:v57+s0+$0x0 ss:$0x1] =	vst.idx.msk $0xffff, v28;
	v28 =	vld [tilespmem:$0x1FFB0];
	v14 =	vadd.f32 $9.999914760e-01, v39;
	v7 =	vsel vm10, v16, v7  }
0x233: {  	[tilespmem:v57+s20+$0x0 ss:$0x1] =	vst.idx.msk $0xffff, v36;
	v60 =	vmul.f32 v3, v2;
	v53 =	vsel vm1, v6, v7;
	v7 =	vadd.f32 $9.999914760e-01, v50  }
0x234: {  	[tilespmem:v56+s3+$0x0 ss:$0x1] =	vst.idx.msk $0xffff, v19;
	v9 =	vadd.f32 v58, v38;
	v3 =	vmul.f32 $6.931471820e-01, v4;
	v13 =	vmul.f32 v14, v13  }
0x235: {  	v4 =	vmul.f32 v34, v43;
	[tilespmem:v57+s3+$0x0 ss:$0x1] =	vst.idx.msk $0xffff, v10;
	v7 =	vmul.f32 v7, v52  }
0x236: {  	v5 =	vsel vm1, v29, v5;
	v8 =	vadd.f32 v54, v17;
	[tilespmem:v56+s1+$0x0 ss:$0x1] =	vst.idx.msk $0xffff, v53;
	v49 =	vadd.f32 $9.096491020e-08, v13  }
0x237: {  	v59 =	vsel vm12, v9, v1;
	v1 =	vadd.f32 v60, v47;
	[tilespmem:v56+s12+$0x0 ss:$0x1] =	vst.idx.msk $0xffff, v28;
	v61 =	vadd.f32 $9.096491020e-08, v7  }
0x238: {  	vm0 =	vmneg vm11;
	[tilespmem:v57+s1+$0x0 ss:$0x1] =	vst.idx.msk $0xffff, v5;
	v5 =	vmul.f32 v34, v30;
	v6 =	vadd.f32 v49, v12  }
0x239: {  	p0 =	slt.u32 s26, $0x1F0;
	v0 =	vsel vm0, v8, v59;
	v2 =	vadd.f32 v61, v3;
	v3 =	vadd.f32 v4, v38  }
.Ltmp0:
0x23a: {  	[tilespmem:v57+s12+$0x0 ss:$0x1] =	vst.idx.msk $0xffff, v33;
	v6 =	vsel vm12, v22, v6;
	v4 =	vadd.f32 v5, v17;
	(pc) =	sbr.rel @p0 .LBB2_3-.Ltmp0, $4  }
0x23b: {  	vm15 =	vmneg vm13;
	[tilespmem:v56+s6+$0x0 ss:$0x1] =	vst.idx.msk $0xffff, v0;
	v5 =	vsel vm0, v29, v6;
	v62 =	vsel vm14, v3, v1  }
0x23c: {  	[tilespmem:v57+s6+$0x0 ss:$0x1] =	vst.idx.msk $0xffff, v5;
	v63 =	vsel vm14, v22, v2;
	v0 =	vsel vm15, v4, v62  }
0x23d: {  	v1 =	vsel vm15, v29, v63;
	[tilespmem:v56+s4+$0x0 ss:$0x1] =	vst.idx.msk $0xffff, v0  }
0x23e: {  	s29 =	sadd.s32 $0x10, s29;
	s28 =	sadd.s32 $0x800, s28;
	v4 =	vimm.s32 $0x0;
	[tilespmem:v57+s4+$0x0 ss:$0x1] =	vst.idx.msk $0xffff, v1  }
0x23f: {  	s0 =	sshll.u32 s21, $0xC  }
0x240: {  	s1 =	sadd.s32 s10, s0  }
0x241: {  	s3 =	rddreg [dreg:$0x2];
	s1 =	sshrl.u32 s1, $0x3  }
0x242: {  	s2 =	sadd.s32 $0x3, s23;
	s31 =	rddreg [dreg:$0x3];
	s3 =	sadd.s32 s3, s1  }
0x243: {  	[hbm4b:s3+s14] =	stream.strided.scatter [tilespmem:s25], [sflag:s2], $0x2000, s13, s14, $0x38;
	[tilespmem:$0xD000] =	vst v63  }
0x244: {  	s30 =	sadd.s32 $0x5, s23;
	s1 =	sadd.s32 s31, s1  }
0x245: {  	[hbm4b:s1+s14] =	stream.strided.scatter [tilespmem:s24], [sflag:s30], $0x2000, s13, s14, $0x38;
	[tilespmem:$0xD000] =	vst v63  }
0x246: {  	p0 =	sgt.u32 s21, $0x26;
	s1 =	rddreg [dreg:$0x8]  }
0x247: {  	s21 =	sadd.s32 $0x1, s21;
	s2 =	rddreg [dreg:$0x0];
	s0 =	sadd.s32 @!p0 s0, s1  }
0x248: {  	s3 =	simm.s32 @!p0 $0x7A1400;
	s1 =	sshll.u32 @!p0 s23, $0xD;
	s0 =	sshrl.u32 @!p0 s0, $0x3  }
0x249: {  	s1 =	sor.u32 @!p0 $0x1000, s1;
	s0 =	sadd.s32 @!p0 s2, s0;
	s2 =	simm.s32 @!p0 $0x1000  }
0x24a: {  	[tilespmem:s1], [sflag:s22] =	stream.strided.gather @!p0 [hbm4b:s0+s2], $0x2000, s3, s2, $0x38;
	[tilespmem:$0xD000] =	vst v63  }
0x24b: {  	p0 =	sne.s32 s21, $0x29  }
.Ltmp1:
0x24c: {  	_ = 	snop;
	(pc) =	sbr.rel @p0 .LBB2_2-.Ltmp1, $1  }
0x24d: {  	_ =	sdelay $0x3  }
0x24e: {  	s0 =	simm.s32 $0x4  }
0x24f: {  	_ =	swait.ge [sflag:s0], $0x2000  }
0x250: {  	[sflag:s0] =	ssyncset.done $0x0  }
0x251: {  	s29 =	simm.s32 $0x6;
	[sflag:s0] =	ssyncadd.s32 $0xFFFFE000  }
0x252: {  	_ =	swait.ge [sflag:s29], $0x2000  }
0x253: {  	[sflag:s29] =	ssyncset.done $0x0  }
0x254: {  	s30 =	simm.s32 $0x3;
	[sflag:s29] =	ssyncadd.s32 $0xFFFFE000  }
0x255: {  	_ =	swait.ge [sflag:s30], $0x2000  }
0x256: {  	[sflag:s30] =	ssyncset.done $0x0  }
0x257: {  	s1 =	simm.s32 $0x5;
	[sflag:s30] =	ssyncadd.s32 $0xFFFFE000  }
0x258: {  	_ =	swait.ge [sflag:s1], $0x2000  }
0x259: {  	s2 =	rddreg [dreg:$0xa]  }
0x25a: {  	s31 =	rddreg [dreg:$0x9];
	s2 =	sadd.s32 $0x1, s2  }
0x25b: {  	p0 =	sne.s32 s2, s31  }
.Ltmp2:
0x25c: {  	_ = 	snop;
	(pc) =	sbr.rel @p0 .LBB2_1-.Ltmp2, $3  }
0x25d: {  	_ =	sdelay $0x1  }
0x25e: {  	[sflag:s1] =	ssyncset.done $0x0  }
0x25f: {  	[sflag:s1] =	ssyncadd.s32 $0xFFFFE000  }
0x260: {  	_ =	sfence.sel $0x180000  }
0x261: {  	[bflag:$0x0] =	sbarrier.arrive $0xFFFF  }
0x262: {  	_ =	strace $0x90000047  }
0x263: {  	s0 =	stileid.u32;
	[bflag:$0x2] =	sbarrier.arrive $0xFFFF  }
0x264: {  	p0 =	sne.s32 s0, $0x0;
	s0 =	rddreg [dreg:$0x4]  }
0x265: {  	s0 =	sadd.s32 @!p0 $0x100000, s0  }
0x266: {  	[sflag:s0] =	ssyncadd.tile.s32 @!p0 $0x1;
	_ =	shalt  }
.Lfunc_end2:
_tile_overlayer_lowered:
.L_overlay_start_2:
0x267: {  	(tag) =	ssettag $0x2  }
0x268: {  	s0 =	rddreg [dreg:$0x0];
	s2 =	stileid.u32  }
0x269: {  	s1 =	rddreg [dreg:$0x1];
	p0 =	sne.s32 s2, $0x0  }
0x26a: {  	s3 =	rddreg [dreg:$0x2];
	[bflag:$0x3] =	sbarrier.arrive $0xFFFF;
	s2 =	simm.s32 @!p0 $0x1C07  }
0x26b: {  	[timem:s3], [sflag:s2] =	dma.local @!p0 [hbm:s0], s1  }
0x26c: {  	s0 =	simm.s32 @!p0 $0x7  }
0x26d: {  	_ =	swait.ge @!p0 [sflag:s0], s1  }
0x26e: {  	s1 =	ssub.s32 @!p0 $0x0, s1;
	[sflag:s0] =	ssyncset.done @!p0 $0x0  }
0x26f: {  	[sflag:s0] =	ssyncadd.s32 @!p0 s1  }
0x270: {  	[bflag:$0x3] =	sbarrier.arrive $0xFFFF  }
0x271: {  	_ =	shalt  }

</sc_bundles>
